<compile_context>
chip_gen: v7x
topology: tpu7x:2x2x1
jax: 0.10.2.dev20260603
libtpu: 0.0.44.dev20260713+nightly
codegen_flags: <defaults>
</compile_context>

<pallas_src>
import functools

import jax
import jax.numpy as jnp
from jax import lax
from jax.experimental import pallas as pl
from jax.experimental.pallas import tpu as pltpu
from jax.experimental.pallas import tpu_sc as plsc

_N = 10000
_E = 320000
_D = 128
_NC, _NS = 2, 16
_NW = _NC * _NS
_CH = 128
_CH0 = 120
_CH1 = 40
_NCHUNK = _NS * (_CH0 + _CH1)
_EPAD = _NCHUNK * _CH
_STG = 40
_NPAD = 10240
_RPW = _NPAD // _NS

_mesh = plsc.VectorSubcoreMesh(
    core_axis_name="c", subcore_axis_name="s",
    num_cores=_NC, num_subcores=_NS)



_CPW = _NCHUNK // _NW


def _deg_body(srcm, out, src_v, ones_v, zbuf, acc):
  c = lax.axis_index("c")
  s = lax.axis_index("s")
  wid = s * _NC + c
  r0 = s * _RPW
  for i in range(_RPW // 16):
    zbuf[pl.ds(i * 16, 16)] = jnp.zeros((16,), jnp.float32)
  pltpu.sync_copy(zbuf, acc.at[pl.ds(r0, _RPW)])
  for i in range(_CH // 16):
    ones_v[pl.ds(i * 16, 16)] = jnp.ones((16,), jnp.float32)
  pltpu.sync_copy(srcm.at[pl.ds(pl.multiple_of(wid * _CPW, _CPW), _CPW)],
                  src_v)
  plsc.subcore_barrier()

  def body(j, carry):
    pltpu.sync_copy(ones_v, acc.at[src_v.at[j]], add=True)
    return carry
  lax.fori_loop(0, _CPW, body, 0)

  plsc.subcore_barrier()
  pltpu.sync_copy(acc.at[pl.ds(r0, _RPW)], zbuf)
  pltpu.sync_copy(zbuf, out.at[pl.ds(c * _NPAD + r0, _RPW)])


def _degree(srcm):
  return pl.kernel(
      _deg_body,
      out_type=jax.ShapeDtypeStruct((_NC * _NPAD,), jnp.float32),
      mesh=_mesh,
      scratch_types=[
          pltpu.VMEM((_CPW, _CH), jnp.int32),
          pltpu.VMEM((_CH,), jnp.float32),
          pltpu.VMEM((_RPW,), jnp.float32),
          pltpu.VMEM_SHARED((_NPAD,), jnp.float32),
      ],
  )(srcm)


def _spass_body(g, srcm, dstm, z2, out, src_v, dst_v, rows_a, rows_b, acc,
                sem_a, sem_b):
  c = lax.axis_index("c")
  s = lax.axis_index("s")
  r0 = s * _RPW
  pltpu.sync_copy(z2.at[pl.ds(r0, _RPW)], acc.at[pl.ds(r0, _RPW)])
  plsc.subcore_barrier()

  def stage(st, carry):
    cb = pl.multiple_of(s * _CH0 + st * _STG, 8)
    pltpu.sync_copy(srcm.at[pl.ds(cb, _STG)], src_v)
    pltpu.sync_copy(dstm.at[pl.ds(cb, _STG)], dst_v)
    pltpu.async_copy(g.at[src_v.at[0]], rows_a, sem_a)

    def body(jj, carry2):
      j = 2 * jj
      pltpu.async_copy(g.at[src_v.at[j + 1]], rows_b, sem_b)
      pltpu.make_async_copy(g.at[src_v.at[j]], rows_a, sem_a).wait()
      pltpu.sync_copy(rows_a, acc.at[dst_v.at[j]], add=True)

      @pl.when(j + 2 < _STG)
      def _():
        pltpu.async_copy(g.at[src_v.at[j + 2]], rows_a, sem_a)
      pltpu.make_async_copy(g.at[src_v.at[j + 1]], rows_b, sem_b).wait()
      pltpu.sync_copy(rows_b, acc.at[dst_v.at[j + 1]], add=True)
      return carry2
    lax.fori_loop(0, _STG // 2, body, 0)
    return carry

  @pl.when(c == 0)
  def _():
    lax.fori_loop(0, _CH0 // _STG, stage, 0)

  @pl.when(c == 1)
  def _():
    cb1 = pl.multiple_of(_NS * _CH0 + s * _CH1, 8)
    pltpu.sync_copy(srcm.at[pl.ds(cb1, _CH1)], src_v)
    pltpu.sync_copy(dstm.at[pl.ds(cb1, _CH1)], dst_v)

    def sbody(j, carry):
      pltpu.async_copy(g.at[src_v.at[j]], rows_a, sem_a).wait()
      pltpu.sync_copy(rows_a, acc.at[dst_v.at[j]], add=True)
      return carry
    lax.fori_loop(0, _CH1, sbody, 0)

  plsc.subcore_barrier()
  pltpu.sync_copy(acc.at[pl.ds(r0, _RPW)], out.at[c, pl.ds(r0, _RPW)])


def _spass(g, srcm, dstm, z2):
  return pl.kernel(
      _spass_body,
      out_type=jax.ShapeDtypeStruct((_NC, _NPAD, _D), jnp.float32),
      mesh=_mesh,
      scratch_types=[
          pltpu.VMEM((_STG, _CH), jnp.int32),
          pltpu.VMEM((_STG, _CH), jnp.int32),
          pltpu.VMEM((_CH, _D), jnp.float32),
          pltpu.VMEM((_CH, _D), jnp.float32),
          pltpu.VMEM_SHARED((_NPAD, _D), jnp.float32),
          pltpu.SemaphoreType.DMA,
          pltpu.SemaphoreType.DMA,
      ],
  )(g, srcm, dstm, z2)



def _glue_a_body(degp_ref, x_ref, dinv_ref, g0_ref):
  deg = degp_ref[0] + degp_ref[1]
  dinv = jnp.where(deg > 0.0, lax.rsqrt(deg), 0.0)
  dinv_ref[...] = dinv
  g0_ref[...] = x_ref[...] * dinv


def _glue_a(degp, x_pad):
  return pl.pallas_call(
      _glue_a_body,
      out_shape=[
          jax.ShapeDtypeStruct((_NPAD, 1), jnp.float32),
          jax.ShapeDtypeStruct((_NPAD, _D), jnp.float32),
      ],
  )(degp, x_pad)


def _glue_b_body(p_ref, dinv_ref, t1_ref, g1_ref):
  dinv = dinv_ref[...]
  t1 = -dinv * (p_ref[0] + p_ref[1])
  t1_ref[...] = t1
  g1_ref[...] = dinv * t1


def _glue_b(p, dinv):
  return pl.pallas_call(
      _glue_b_body,
      out_shape=[
          jax.ShapeDtypeStruct((_NPAD, _D), jnp.float32),
          jax.ShapeDtypeStruct((_NPAD, _D), jnp.float32),
      ],
  )(p, dinv)


def _glue_c_body(p_ref, dinv_ref, prev_ref, t_ref, g_ref):
  dinv = dinv_ref[...]
  t = -2.0 * dinv * (p_ref[0] + p_ref[1]) - prev_ref[...]
  t_ref[...] = t
  g_ref[...] = dinv * t


def _glue_c(p, dinv, prev):
  return pl.pallas_call(
      _glue_c_body,
      out_shape=[
          jax.ShapeDtypeStruct((_NPAD, _D), jnp.float32),
          jax.ShapeDtypeStruct((_NPAD, _D), jnp.float32),
      ],
  )(p, dinv, prev)


_BN = 2000


def _dense_body(t0_ref, t1_ref, t2_ref, t3_ref, wbig_ref, bcat_ref,
                watt_ref, batt_ref, wfus_ref, bfus_ref,
                h_ref, s1_ref, s2_ref):
  i = pl.program_id(0)
  tcat = jnp.concatenate(
      [t0_ref[...], t1_ref[...], t2_ref[...], t3_ref[...]], axis=1)
  feats = jnp.dot(tcat, wbig_ref[...],
                  preferred_element_type=jnp.float32,
                  precision=lax.Precision.HIGHEST) + bcat_ref[...]
  logits = jnp.dot(feats, watt_ref[...],
                   preferred_element_type=jnp.float32,
                   precision=lax.Precision.HIGHEST) + batt_ref[...]
  m = jnp.max(logits, axis=1, keepdims=True)
  e = jnp.exp(logits - m)
  sw = e / jnp.sum(e, axis=1, keepdims=True)
  fused = jnp.concatenate(
      [feats[:, k * _D:(k + 1) * _D] * sw[:, k:k + 1] for k in range(3)],
      axis=1)
  h = jnp.dot(fused, wfus_ref[...],
              preferred_element_type=jnp.float32,
              precision=lax.Precision.HIGHEST) + bfus_ref[...]
  h_ref[...] = h

  @pl.when(i == 0)
  def _():
    s1_ref[...] = jnp.zeros_like(s1_ref)
    s2_ref[...] = jnp.zeros_like(s2_ref)
  s1_ref[...] += jnp.sum(h, axis=0, keepdims=True)
  s2_ref[...] += jnp.sum(h * h, axis=0, keepdims=True)


def _dense(t0, t1, t2, t3, wbig, bcat, watt, batt, wfus, bfus):
  grid = _N // _BN
  row_spec = pl.BlockSpec((_BN, _D), lambda i: (i, 0))
  full = lambda s: pl.BlockSpec(s, lambda i: tuple(0 for _ in s))
  return pl.pallas_call(
      _dense_body,
      grid=(grid,),
      in_specs=[
          row_spec, row_spec, row_spec, row_spec,
          full((4 * _D, 3 * _D)), full((1, 3 * _D)),
          full((3 * _D, 3)), full((1, 3)),
          full((3 * _D, _D)), full((1, _D)),
      ],
      out_specs=[
          pl.BlockSpec((_BN, _D), lambda i: (i, 0)),
          full((1, _D)), full((1, _D)),
      ],
      out_shape=[
          jax.ShapeDtypeStruct((_N, _D), jnp.float32),
          jax.ShapeDtypeStruct((1, _D), jnp.float32),
          jax.ShapeDtypeStruct((1, _D), jnp.float32),
      ],
  )(t0, t1, t2, t3, wbig, bcat, watt, batt, wfus, bfus)


def _norm_body(h_ref, s1_ref, s2_ref, gamma_ref, beta_ref, o_ref):
  mean = s1_ref[...] / _N
  var = s2_ref[...] / _N - mean * mean
  scale = lax.rsqrt(var + 1e-5) * gamma_ref[...]
  o_ref[...] = jnp.maximum((h_ref[...] - mean) * scale + beta_ref[...], 0.0)


def _norm(h, s1, s2, gamma, beta):
  row_spec = pl.BlockSpec((_BN, _D), lambda i: (i, 0))
  full = lambda s: pl.BlockSpec(s, lambda i: tuple(0 for _ in s))
  return pl.pallas_call(
      _norm_body,
      grid=(_N // _BN,),
      in_specs=[row_spec, full((1, _D)), full((1, _D)),
                full((1, _D)), full((1, _D))],
      out_specs=row_spec,
      out_shape=jax.ShapeDtypeStruct((_N, _D), jnp.float32),
  )(h, s1, s2, gamma, beta)



def kernel(x, edge_index, W2_0, W2_1, b2, W3_0, W3_1, W3_2, b3,
           W4_0, W4_1, W4_2, W4_3, b4, Watt, batt, Wfus, bfus, gamma, beta):
  f32 = jnp.float32

  pad = _EPAD - _E
  src = jnp.concatenate(
      [edge_index[0], jnp.full((pad,), _NPAD - 1, jnp.int32)])
  dst = jnp.concatenate(
      [edge_index[1], jnp.full((pad,), _NPAD - 1, jnp.int32)])
  srcm = src.reshape(_NCHUNK, _CH)
  dstm = dst.reshape(_NCHUNK, _CH)
  x_pad = jnp.zeros((_NPAD, _D), f32).at[:_N].set(x)
  z2 = jnp.zeros((_NPAD, _D), f32)

  degp = _degree(srcm)
  dinv, g0 = _glue_a(degp.reshape(_NC, _NPAD, 1), x_pad)

  p0 = _spass(g0, srcm, dstm, z2)
  t1, g1 = _glue_b(p0, dinv)
  p1 = _spass(g1, srcm, dstm, z2)
  t2, g2 = _glue_c(p1, dinv, x_pad)
  p2 = _spass(g2, srcm, dstm, z2)
  t3, _ = _glue_c(p2, dinv, t1)

  zDD = jnp.zeros((_D, _D), f32)
  wbig = jnp.concatenate([
      jnp.concatenate([W2_0, W3_0, W4_0], axis=1),
      jnp.concatenate([W2_1, W3_1, W4_1], axis=1),
      jnp.concatenate([zDD, W3_2, W4_2], axis=1),
      jnp.concatenate([zDD, zDD, W4_3], axis=1),
  ], axis=0)
  bcat = jnp.concatenate([b2, b3, b4]).reshape(1, 3 * _D)
  h, s1, s2 = _dense(x_pad[:_N], t1[:_N], t2[:_N], t3[:_N],
                     wbig, bcat, Watt, batt.reshape(1, 3),
                     Wfus, bfus.reshape(1, _D))
  return _norm(h, s1, s2, gamma.reshape(1, _D), beta.reshape(1, _D))

# --- scband reference (transcript-rebuilt; emitter-appended) ---
"""Pipeline reference for scband-multi-scale-graph-attention-24919400251996 (READ-ONLY COPY).

The authoritative reference and input builder live on the scoring server;
editing this copy changes nothing except your own understanding.
"""

import jax, jax.numpy as jnp
import numpy as np

N = 10000
E = 320000
D = 128
KS = [2, 3, 4]


def setup_inputs(seed: int = 0):
    key = jax.random.key(seed)
    ks = jax.random.split(key, 20)
    inp = {}
    inp["x"] = jax.random.normal(ks[0], (N, D), dtype=jnp.float32)
    inp["edge_index"] = jax.random.randint(ks[1], (2, E), 0, N, dtype=jnp.int32)
    i = 2
    for k in KS:
        for j in range(k):
            inp[f"W{k}_{j}"] = jax.random.normal(ks[i], (D, D), dtype=jnp.float32) / np.sqrt(D)
            i += 1
        inp[f"b{k}"] = jnp.zeros((D,), dtype=jnp.float32)
    inp["Watt"] = jax.random.normal(ks[i], (3 * D, 3), dtype=jnp.float32) / np.sqrt(3 * D)
    inp["batt"] = jnp.zeros((3,), dtype=jnp.float32)
    inp["Wfus"] = jax.random.normal(ks[i + 1], (3 * D, D), dtype=jnp.float32) / np.sqrt(3 * D)
    inp["bfus"] = jnp.zeros((D,), dtype=jnp.float32)
    inp["gamma"] = jnp.ones((D,), dtype=jnp.float32)
    inp["beta"] = jnp.zeros((D,), dtype=jnp.float32)
    return inp


def _cheb(x, lx, Ws, b):
    # PyG ChebConv with normalization='sym', lambda_max=2.0:
    # scaled Laplacian hat(L) = -D^{-1/2} A D^{-1/2} (diagonal cancels)
    Tx0 = x
    out = Tx0 @ Ws[0]
    Tx1 = lx(Tx0)
    if len(Ws) > 1:
        out = out + Tx1 @ Ws[1]
    for k in range(2, len(Ws)):
        Tx2 = 2.0 * lx(Tx1) - Tx0
        out = out + Tx2 @ Ws[k]
        Tx0, Tx1 = Tx1, Tx2
    return out + b


def _forward(x, edge_index, Wlists, blist, Watt, batt, Wfus, bfus, gamma, beta):
    src = edge_index[0]
    dst = edge_index[1]
    n = x.shape[0]
    deg = jnp.zeros((n,), x.dtype).at[src].add(1.0)
    dinv = jnp.where(deg > 0, 1.0 / jnp.sqrt(deg), 0.0)
    w = -(dinv[src] * dinv[dst])

    def lx(h):
        return jnp.zeros_like(h).at[dst].add(w[:, None] * h[src])

    feats = [_cheb(x, lx, Ws, b) for Ws, b in zip(Wlists, blist)]
    concat = jnp.concatenate(feats, axis=1)
    sw = jax.nn.softmax(concat @ Watt + batt, axis=1)
    fused = jnp.concatenate([feats[i] * sw[:, i:i + 1] for i in range(len(feats))], axis=1)
    h = fused @ Wfus + bfus
    # BatchNorm1d in training mode (batch statistics, biased variance)
    mean = jnp.mean(h, axis=0)
    var = jnp.mean((h - mean) ** 2, axis=0)
    hn = (h - mean) / jnp.sqrt(var + 1e-5) * gamma + beta
    return jax.nn.relu(hn)


def reference(x, edge_index, W2_0, W2_1, b2, W3_0, W3_1, W3_2, b3, W4_0, W4_1, W4_2, W4_3, b4, Watt, batt, Wfus, bfus, gamma, beta):
    Wlists = [[W2_0, W2_1], [W3_0, W3_1, W3_2], [W4_0, W4_1, W4_2, W4_3]]
    blist = [b2, b3, b4]
    return _forward(x, edge_index, Wlists, blist, Watt, batt, Wfus, bfus, gamma, beta)

if __name__ == "__main__":
    import jax
    _d = setup_inputs()
    print(jax.jit(kernel)(*tuple(_d.values())))

</pallas_src>

<mosaic_0001>
#map = affine_map<(d0, d1) -> (0, 0)>
#map1 = affine_map<(d0, d1) -> (0)>
module attributes {stable_mosaic.version = 14 : i64} {
  func.func @_deg_body(%arg0: i32, %arg1: i32, %arg2: memref<2560x128xi32, #tpu.memory_space<hbm>>, %arg3: memref<20480xf32, #tpu.memory_space<hbm>>, %arg4: memref<80x128xi32, #tpu.memory_space<vmem>>, %arg5: memref<128xf32, #tpu.memory_space<vmem>>, %arg6: memref<640xf32, #tpu.memory_space<vmem>>, %arg7: memref<10240xf32, #tpu.memory_space<vmem_shared>>) attributes {dimension_semantics = [#tpu.dimension_semantics<core_parallel>, #tpu.dimension_semantics<subcore_parallel>], iteration_bounds = array<i64: 2, 16>, scalar_prefetch = 0 : i64, scratch_operands = 4 : i64, tpu.core_type = #tpu.core_type<sc_vector_subcore>, window_params = [{transform_indices = #map}, {transform_indices = #map1}]} {
    %mul3A = arith.constant 2 : i32
    %mul3A_0 = arith.muli %arg1, %mul3A : i32
    %add3A = arith.addi %mul3A_0, %arg0 : i32
    %mul3A_1 = arith.constant 640 : i32
    %mul3A_2 = arith.muli %arg1, %mul3A_1 : i32
    %broadcast_in_dim3A = arith.constant 0.000000e+00 : f32
    %broadcast_in_dim3A_3 = vector.broadcast %broadcast_in_dim3A : f32 to vector<16xf32>
    %swap3A = arith.constant 0 : index
    %swap3A_4 = tpu.vector_load %arg6[%swap3A] {strides = array<i32>} : memref<640xf32, #tpu.memory_space<vmem>>, vector<16xf32>,
    %swap3A_5 = vector.shape_cast %swap3A_4 : vector<16xf32> to vector<16xf32>
    %swap3A_6 = vector.shape_cast %broadcast_in_dim3A_3 : vector<16xf32> to vector<16xf32>
    tpu.vector_store %arg6[%swap3A], %swap3A_6 {strides = array<i32>} : memref<640xf32, #tpu.memory_space<vmem>>, vector<16xf32>,
    %broadcast_in_dim3A_7 = arith.constant 0.000000e+00 : f32
    %broadcast_in_dim3A_8 = vector.broadcast %broadcast_in_dim3A_7 : f32 to vector<16xf32>
    %swap3A_9 = arith.constant 16 : index
    %swap3A_10 = tpu.vector_load %arg6[%swap3A_9] {strides = array<i32>} : memref<640xf32, #tpu.memory_space<vmem>>, vector<16xf32>,
    %swap3A_11 = vector.shape_cast %swap3A_10 : vector<16xf32> to vector<16xf32>
    %swap3A_12 = vector.shape_cast %broadcast_in_dim3A_8 : vector<16xf32> to vector<16xf32>
    tpu.vector_store %arg6[%swap3A_9], %swap3A_12 {strides = array<i32>} : memref<640xf32, #tpu.memory_space<vmem>>, vector<16xf32>,
    %broadcast_in_dim3A_13 = arith.constant 0.000000e+00 : f32
    %broadcast_in_dim3A_14 = vector.broadcast %broadcast_in_dim3A_13 : f32 to vector<16xf32>
    %swap3A_15 = arith.constant 32 : index
    %swap3A_16 = tpu.vector_load %arg6[%swap3A_15] {strides = array<i32>} : memref<640xf32, #tpu.memory_space<vmem>>, vector<16xf32>,
    %swap3A_17 = vector.shape_cast %swap3A_16 : vector<16xf32> to vector<16xf32>
    %swap3A_18 = vector.shape_cast %broadcast_in_dim3A_14 : vector<16xf32> to vector<16xf32>
    tpu.vector_store %arg6[%swap3A_15], %swap3A_18 {strides = array<i32>} : memref<640xf32, #tpu.memory_space<vmem>>, vector<16xf32>,
    %broadcast_in_dim3A_19 = arith.constant 0.000000e+00 : f32
    %broadcast_in_dim3A_20 = vector.broadcast %broadcast_in_dim3A_19 : f32 to vector<16xf32>
    %swap3A_21 = arith.constant 48 : index
    %swap3A_22 = tpu.vector_load %arg6[%swap3A_21] {strides = array<i32>} : memref<640xf32, #tpu.memory_space<vmem>>, vector<16xf32>,
    %swap3A_23 = vector.shape_cast %swap3A_22 : vector<16xf32> to vector<16xf32>
    %swap3A_24 = vector.shape_cast %broadcast_in_dim3A_20 : vector<16xf32> to vector<16xf32>
    tpu.vector_store %arg6[%swap3A_21], %swap3A_24 {strides = array<i32>} : memref<640xf32, #tpu.memory_space<vmem>>, vector<16xf32>,
    %broadcast_in_dim3A_25 = arith.constant 0.000000e+00 : f32
    %broadcast_in_dim3A_26 = vector.broadcast %broadcast_in_dim3A_25 : f32 to vector<16xf32>
    %swap3A_27 = arith.constant 64 : index
    %swap3A_28 = tpu.vector_load %arg6[%swap3A_27] {strides = array<i32>} : memref<640xf32, #tpu.memory_space<vmem>>, vector<16xf32>,
    %swap3A_29 = vector.shape_cast %swap3A_28 : vector<16xf32> to vector<16xf32>
    %swap3A_30 = vector.shape_cast %broadcast_in_dim3A_26 : vector<16xf32> to vector<16xf32>
    tpu.vector_store %arg6[%swap3A_27], %swap3A_30 {strides = array<i32>} : memref<640xf32, #tpu.memory_space<vmem>>, vector<16xf32>,
    %broadcast_in_dim3A_31 = arith.constant 0.000000e+00 : f32
    %broadcast_in_dim3A_32 = vector.broadcast %broadcast_in_dim3A_31 : f32 to vector<16xf32>
    %swap3A_33 = arith.constant 80 : index
    %swap3A_34 = tpu.vector_load %arg6[%swap3A_33] {strides = array<i32>} : memref<640xf32, #tpu.memory_space<vmem>>, vector<16xf32>,
    %swap3A_35 = vector.shape_cast %swap3A_34 : vector<16xf32> to vector<16xf32>
    %swap3A_36 = vector.shape_cast %broadcast_in_dim3A_32 : vector<16xf32> to vector<16xf32>
    tpu.vector_store %arg6[%swap3A_33], %swap3A_36 {strides = array<i32>} : memref<640xf32, #tpu.memory_space<vmem>>, vector<16xf32>,
    %broadcast_in_dim3A_37 = arith.constant 0.000000e+00 : f32
    %broadcast_in_dim3A_38 = vector.broadcast %broadcast_in_dim3A_37 : f32 to vector<16xf32>
    %swap3A_39 = arith.constant 96 : index
    %swap3A_40 = tpu.vector_load %arg6[%swap3A_39] {strides = array<i32>} : memref<640xf32, #tpu.memory_space<vmem>>, vector<16xf32>,
    %swap3A_41 = vector.shape_cast %swap3A_40 : vector<16xf32> to vector<16xf32>
    %swap3A_42 = vector.shape_cast %broadcast_in_dim3A_38 : vector<16xf32> to vector<16xf32>
    tpu.vector_store %arg6[%swap3A_39], %swap3A_42 {strides = array<i32>} : memref<640xf32, #tpu.memory_space<vmem>>, vector<16xf32>,
    %broadcast_in_dim3A_43 = arith.constant 0.000000e+00 : f32
    %broadcast_in_dim3A_44 = vector.broadcast %broadcast_in_dim3A_43 : f32 to vector<16xf32>
    %swap3A_45 = arith.constant 112 : index
    %swap3A_46 = tpu.vector_load %arg6[%swap3A_45] {strides = array<i32>} : memref<640xf32, #tpu.memory_space<vmem>>, vector<16xf32>,
    %swap3A_47 = vector.shape_cast %swap3A_46 : vector<16xf32> to vector<16xf32>
    %swap3A_48 = vector.shape_cast %broadcast_in_dim3A_44 : vector<16xf32> to vector<16xf32>
    tpu.vector_store %arg6[%swap3A_45], %swap3A_48 {strides = array<i32>} : memref<640xf32, #tpu.memory_space<vmem>>, vector<16xf32>,
    %broadcast_in_dim3A_49 = arith.constant 0.000000e+00 : f32
    %broadcast_in_dim3A_50 = vector.broadcast %broadcast_in_dim3A_49 : f32 to vector<16xf32>
    %swap3A_51 = arith.constant 128 : index
    %swap3A_52 = tpu.vector_load %arg6[%swap3A_51] {strides = array<i32>} : memref<640xf32, #tpu.memory_space<vmem>>, vector<16xf32>,
    %swap3A_53 = vector.shape_cast %swap3A_52 : vector<16xf32> to vector<16xf32>
    %swap3A_54 = vector.shape_cast %broadcast_in_dim3A_50 : vector<16xf32> to vector<16xf32>
    tpu.vector_store %arg6[%swap3A_51], %swap3A_54 {strides = array<i32>} : memref<640xf32, #tpu.memory_space<vmem>>, vector<16xf32>,
    %broadcast_in_dim3A_55 = arith.constant 0.000000e+00 : f32
    %broadcast_in_dim3A_56 = vector.broadcast %broadcast_in_dim3A_55 : f32 to vector<16xf32>
    %swap3A_57 = arith.constant 144 : index
    %swap3A_58 = tpu.vector_load %arg6[%swap3A_57] {strides = array<i32>} : memref<640xf32, #tpu.memory_space<vmem>>, vector<16xf32>,
    %swap3A_59 = vector.shape_cast %swap3A_58 : vector<16xf32> to vector<16xf32>
    %swap3A_60 = vector.shape_cast %broadcast_in_dim3A_56 : vector<16xf32> to vector<16xf32>
    tpu.vector_store %arg6[%swap3A_57], %swap3A_60 {strides = array<i32>} : memref<640xf32, #tpu.memory_space<vmem>>, vector<16xf32>,
    %broadcast_in_dim3A_61 = arith.constant 0.000000e+00 : f32
    %broadcast_in_dim3A_62 = vector.broadcast %broadcast_in_dim3A_61 : f32 to vector<16xf32>
    %swap3A_63 = arith.constant 160 : index
    %swap3A_64 = tpu.vector_load %arg6[%swap3A_63] {strides = array<i32>} : memref<640xf32, #tpu.memory_space<vmem>>, vector<16xf32>,
    %swap3A_65 = vector.shape_cast %swap3A_64 : vector<16xf32> to vector<16xf32>
    %swap3A_66 = vector.shape_cast %broadcast_in_dim3A_62 : vector<16xf32> to vector<16xf32>
    tpu.vector_store %arg6[%swap3A_63], %swap3A_66 {strides = array<i32>} : memref<640xf32, #tpu.memory_space<vmem>>, vector<16xf32>,
    %broadcast_in_dim3A_67 = arith.constant 0.000000e+00 : f32
    %broadcast_in_dim3A_68 = vector.broadcast %broadcast_in_dim3A_67 : f32 to vector<16xf32>
    %swap3A_69 = arith.constant 176 : index
    %swap3A_70 = tpu.vector_load %arg6[%swap3A_69] {strides = array<i32>} : memref<640xf32, #tpu.memory_space<vmem>>, vector<16xf32>,
    %swap3A_71 = vector.shape_cast %swap3A_70 : vector<16xf32> to vector<16xf32>
    %swap3A_72 = vector.shape_cast %broadcast_in_dim3A_68 : vector<16xf32> to vector<16xf32>
    tpu.vector_store %arg6[%swap3A_69], %swap3A_72 {strides = array<i32>} : memref<640xf32, #tpu.memory_space<vmem>>, vector<16xf32>,
    %broadcast_in_dim3A_73 = arith.constant 0.000000e+00 : f32
    %broadcast_in_dim3A_74 = vector.broadcast %broadcast_in_dim3A_73 : f32 to vector<16xf32>
    %swap3A_75 = arith.constant 192 : index
    %swap3A_76 = tpu.vector_load %arg6[%swap3A_75] {strides = array<i32>} : memref<640xf32, #tpu.memory_space<vmem>>, vector<16xf32>,
    %swap3A_77 = vector.shape_cast %swap3A_76 : vector<16xf32> to vector<16xf32>
    %swap3A_78 = vector.shape_cast %broadcast_in_dim3A_74 : vector<16xf32> to vector<16xf32>
    tpu.vector_store %arg6[%swap3A_75], %swap3A_78 {strides = array<i32>} : memref<640xf32, #tpu.memory_space<vmem>>, vector<16xf32>,
    %broadcast_in_dim3A_79 = arith.constant 0.000000e+00 : f32
    %broadcast_in_dim3A_80 = vector.broadcast %broadcast_in_dim3A_79 : f32 to vector<16xf32>
    %swap3A_81 = arith.constant 208 : index
    %swap3A_82 = tpu.vector_load %arg6[%swap3A_81] {strides = array<i32>} : memref<640xf32, #tpu.memory_space<vmem>>, vector<16xf32>,
    %swap3A_83 = vector.shape_cast %swap3A_82 : vector<16xf32> to vector<16xf32>
    %swap3A_84 = vector.shape_cast %broadcast_in_dim3A_80 : vector<16xf32> to vector<16xf32>
    tpu.vector_store %arg6[%swap3A_81], %swap3A_84 {strides = array<i32>} : memref<640xf32, #tpu.memory_space<vmem>>, vector<16xf32>,
    %broadcast_in_dim3A_85 = arith.constant 0.000000e+00 : f32
    %broadcast_in_dim3A_86 = vector.broadcast %broadcast_in_dim3A_85 : f32 to vector<16xf32>
    %swap3A_87 = arith.constant 224 : index
    %swap3A_88 = tpu.vector_load %arg6[%swap3A_87] {strides = array<i32>} : memref<640xf32, #tpu.memory_space<vmem>>, vector<16xf32>,
    %swap3A_89 = vector.shape_cast %swap3A_88 : vector<16xf32> to vector<16xf32>
    %swap3A_90 = vector.shape_cast %broadcast_in_dim3A_86 : vector<16xf32> to vector<16xf32>
    tpu.vector_store %arg6[%swap3A_87], %swap3A_90 {strides = array<i32>} : memref<640xf32, #tpu.memory_space<vmem>>, vector<16xf32>,
    %broadcast_in_dim3A_91 = arith.constant 0.000000e+00 : f32
    %broadcast_in_dim3A_92 = vector.broadcast %broadcast_in_dim3A_91 : f32 to vector<16xf32>
    %swap3A_93 = arith.constant 240 : index
    %swap3A_94 = tpu.vector_load %arg6[%swap3A_93] {strides = array<i32>} : memref<640xf32, #tpu.memory_space<vmem>>, vector<16xf32>,
    %swap3A_95 = vector.shape_cast %swap3A_94 : vector<16xf32> to vector<16xf32>
    %swap3A_96 = vector.shape_cast %broadcast_in_dim3A_92 : vector<16xf32> to vector<16xf32>
    tpu.vector_store %arg6[%swap3A_93], %swap3A_96 {strides = array<i32>} : memref<640xf32, #tpu.memory_space<vmem>>, vector<16xf32>,
    %broadcast_in_dim3A_97 = arith.constant 0.000000e+00 : f32
    %broadcast_in_dim3A_98 = vector.broadcast %broadcast_in_dim3A_97 : f32 to vector<16xf32>
    %swap3A_99 = arith.constant 256 : index
    %swap3A_100 = tpu.vector_load %arg6[%swap3A_99] {strides = array<i32>} : memref<640xf32, #tpu.memory_space<vmem>>, vector<16xf32>,
    %swap3A_101 = vector.shape_cast %swap3A_100 : vector<16xf32> to vector<16xf32>
    %swap3A_102 = vector.shape_cast %broadcast_in_dim3A_98 : vector<16xf32> to vector<16xf32>
    tpu.vector_store %arg6[%swap3A_99], %swap3A_102 {strides = array<i32>} : memref<640xf32, #tpu.memory_space<vmem>>, vector<16xf32>,
    %broadcast_in_dim3A_103 = arith.constant 0.000000e+00 : f32
    %broadcast_in_dim3A_104 = vector.broadcast %broadcast_in_dim3A_103 : f32 to vector<16xf32>
    %swap3A_105 = arith.constant 272 : index
    %swap3A_106 = tpu.vector_load %arg6[%swap3A_105] {strides = array<i32>} : memref<640xf32, #tpu.memory_space<vmem>>, vector<16xf32>,
    %swap3A_107 = vector.shape_cast %swap3A_106 : vector<16xf32> to vector<16xf32>
    %swap3A_108 = vector.shape_cast %broadcast_in_dim3A_104 : vector<16xf32> to vector<16xf32>
    tpu.vector_store %arg6[%swap3A_105], %swap3A_108 {strides = array<i32>} : memref<640xf32, #tpu.memory_space<vmem>>, vector<16xf32>,
    %broadcast_in_dim3A_109 = arith.constant 0.000000e+00 : f32
    %broadcast_in_dim3A_110 = vector.broadcast %broadcast_in_dim3A_109 : f32 to vector<16xf32>
    %swap3A_111 = arith.constant 288 : index
    %swap3A_112 = tpu.vector_load %arg6[%swap3A_111] {strides = array<i32>} : memref<640xf32, #tpu.memory_space<vmem>>, vector<16xf32>,
    %swap3A_113 = vector.shape_cast %swap3A_112 : vector<16xf32> to vector<16xf32>
    %swap3A_114 = vector.shape_cast %broadcast_in_dim3A_110 : vector<16xf32> to vector<16xf32>
    tpu.vector_store %arg6[%swap3A_111], %swap3A_114 {strides = array<i32>} : memref<640xf32, #tpu.memory_space<vmem>>, vector<16xf32>,
    %broadcast_in_dim3A_115 = arith.constant 0.000000e+00 : f32
    %broadcast_in_dim3A_116 = vector.broadcast %broadcast_in_dim3A_115 : f32 to vector<16xf32>
    %swap3A_117 = arith.constant 304 : index
    %swap3A_118 = tpu.vector_load %arg6[%swap3A_117] {strides = array<i32>} : memref<640xf32, #tpu.memory_space<vmem>>, vector<16xf32>,
    %swap3A_119 = vector.shape_cast %swap3A_118 : vector<16xf32> to vector<16xf32>
    %swap3A_120 = vector.shape_cast %broadcast_in_dim3A_116 : vector<16xf32> to vector<16xf32>
    tpu.vector_store %arg6[%swap3A_117], %swap3A_120 {strides = array<i32>} : memref<640xf32, #tpu.memory_space<vmem>>, vector<16xf32>,
    %broadcast_in_dim3A_121 = arith.constant 0.000000e+00 : f32
    %broadcast_in_dim3A_122 = vector.broadcast %broadcast_in_dim3A_121 : f32 to vector<16xf32>
    %swap3A_123 = arith.constant 320 : index
    %swap3A_124 = tpu.vector_load %arg6[%swap3A_123] {strides = array<i32>} : memref<640xf32, #tpu.memory_space<vmem>>, vector<16xf32>,
    %swap3A_125 = vector.shape_cast %swap3A_124 : vector<16xf32> to vector<16xf32>
    %swap3A_126 = vector.shape_cast %broadcast_in_dim3A_122 : vector<16xf32> to vector<16xf32>
    tpu.vector_store %arg6[%swap3A_123], %swap3A_126 {strides = array<i32>} : memref<640xf32, #tpu.memory_space<vmem>>, vector<16xf32>,
    %broadcast_in_dim3A_127 = arith.constant 0.000000e+00 : f32
    %broadcast_in_dim3A_128 = vector.broadcast %broadcast_in_dim3A_127 : f32 to vector<16xf32>
    %swap3A_129 = arith.constant 336 : index
    %swap3A_130 = tpu.vector_load %arg6[%swap3A_129] {strides = array<i32>} : memref<640xf32, #tpu.memory_space<vmem>>, vector<16xf32>,
    %swap3A_131 = vector.shape_cast %swap3A_130 : vector<16xf32> to vector<16xf32>
    %swap3A_132 = vector.shape_cast %broadcast_in_dim3A_128 : vector<16xf32> to vector<16xf32>
    tpu.vector_store %arg6[%swap3A_129], %swap3A_132 {strides = array<i32>} : memref<640xf32, #tpu.memory_space<vmem>>, vector<16xf32>,
    %broadcast_in_dim3A_133 = arith.constant 0.000000e+00 : f32
    %broadcast_in_dim3A_134 = vector.broadcast %broadcast_in_dim3A_133 : f32 to vector<16xf32>
    %swap3A_135 = arith.constant 352 : index
    %swap3A_136 = tpu.vector_load %arg6[%swap3A_135] {strides = array<i32>} : memref<640xf32, #tpu.memory_space<vmem>>, vector<16xf32>,
    %swap3A_137 = vector.shape_cast %swap3A_136 : vector<16xf32> to vector<16xf32>
    %swap3A_138 = vector.shape_cast %broadcast_in_dim3A_134 : vector<16xf32> to vector<16xf32>
    tpu.vector_store %arg6[%swap3A_135], %swap3A_138 {strides = array<i32>} : memref<640xf32, #tpu.memory_space<vmem>>, vector<16xf32>,
    %broadcast_in_dim3A_139 = arith.constant 0.000000e+00 : f32
    %broadcast_in_dim3A_140 = vector.broadcast %broadcast_in_dim3A_139 : f32 to vector<16xf32>
    %swap3A_141 = arith.constant 368 : index
    %swap3A_142 = tpu.vector_load %arg6[%swap3A_141] {strides = array<i32>} : memref<640xf32, #tpu.memory_space<vmem>>, vector<16xf32>,
    %swap3A_143 = vector.shape_cast %swap3A_142 : vector<16xf32> to vector<16xf32>
    %swap3A_144 = vector.shape_cast %broadcast_in_dim3A_140 : vector<16xf32> to vector<16xf32>
    tpu.vector_store %arg6[%swap3A_141], %swap3A_144 {strides = array<i32>} : memref<640xf32, #tpu.memory_space<vmem>>, vector<16xf32>,
    %broadcast_in_dim3A_145 = arith.constant 0.000000e+00 : f32
    %broadcast_in_dim3A_146 = vector.broadcast %broadcast_in_dim3A_145 : f32 to vector<16xf32>
    %swap3A_147 = arith.constant 384 : index
    %swap3A_148 = tpu.vector_load %arg6[%swap3A_147] {strides = array<i32>} : memref<640xf32, #tpu.memory_space<vmem>>, vector<16xf32>,
    %swap3A_149 = vector.shape_cast %swap3A_148 : vector<16xf32> to vector<16xf32>
    %swap3A_150 = vector.shape_cast %broadcast_in_dim3A_146 : vector<16xf32> to vector<16xf32>
    tpu.vector_store %arg6[%swap3A_147], %swap3A_150 {strides = array<i32>} : memref<640xf32, #tpu.memory_space<vmem>>, vector<16xf32>,
    %broadcast_in_dim3A_151 = arith.constant 0.000000e+00 : f32
    %broadcast_in_dim3A_152 = vector.broadcast %broadcast_in_dim3A_151 : f32 to vector<16xf32>
    %swap3A_153 = arith.constant 400 : index
    %swap3A_154 = tpu.vector_load %arg6[%swap3A_153] {strides = array<i32>} : memref<640xf32, #tpu.memory_space<vmem>>, vector<16xf32>,
    %swap3A_155 = vector.shape_cast %swap3A_154 : vector<16xf32> to vector<16xf32>
    %swap3A_156 = vector.shape_cast %broadcast_in_dim3A_152 : vector<16xf32> to vector<16xf32>
    tpu.vector_store %arg6[%swap3A_153], %swap3A_156 {strides = array<i32>} : memref<640xf32, #tpu.memory_space<vmem>>, vector<16xf32>,
    %broadcast_in_dim3A_157 = arith.constant 0.000000e+00 : f32
    %broadcast_in_dim3A_158 = vector.broadcast %broadcast_in_dim3A_157 : f32 to vector<16xf32>
    %swap3A_159 = arith.constant 416 : index
    %swap3A_160 = tpu.vector_load %arg6[%swap3A_159] {strides = array<i32>} : memref<640xf32, #tpu.memory_space<vmem>>, vector<16xf32>,
    %swap3A_161 = vector.shape_cast %swap3A_160 : vector<16xf32> to vector<16xf32>
    %swap3A_162 = vector.shape_cast %broadcast_in_dim3A_158 : vector<16xf32> to vector<16xf32>
    tpu.vector_store %arg6[%swap3A_159], %swap3A_162 {strides = array<i32>} : memref<640xf32, #tpu.memory_space<vmem>>, vector<16xf32>,
    %broadcast_in_dim3A_163 = arith.constant 0.000000e+00 : f32
    %broadcast_in_dim3A_164 = vector.broadcast %broadcast_in_dim3A_163 : f32 to vector<16xf32>
    %swap3A_165 = arith.constant 432 : index
    %swap3A_166 = tpu.vector_load %arg6[%swap3A_165] {strides = array<i32>} : memref<640xf32, #tpu.memory_space<vmem>>, vector<16xf32>,
    %swap3A_167 = vector.shape_cast %swap3A_166 : vector<16xf32> to vector<16xf32>
    %swap3A_168 = vector.shape_cast %broadcast_in_dim3A_164 : vector<16xf32> to vector<16xf32>
    tpu.vector_store %arg6[%swap3A_165], %swap3A_168 {strides = array<i32>} : memref<640xf32, #tpu.memory_space<vmem>>, vector<16xf32>,
    %broadcast_in_dim3A_169 = arith.constant 0.000000e+00 : f32
    %broadcast_in_dim3A_170 = vector.broadcast %broadcast_in_dim3A_169 : f32 to vector<16xf32>
    %swap3A_171 = arith.constant 448 : index
    %swap3A_172 = tpu.vector_load %arg6[%swap3A_171] {strides = array<i32>} : memref<640xf32, #tpu.memory_space<vmem>>, vector<16xf32>,
    %swap3A_173 = vector.shape_cast %swap3A_172 : vector<16xf32> to vector<16xf32>
    %swap3A_174 = vector.shape_cast %broadcast_in_dim3A_170 : vector<16xf32> to vector<16xf32>
    tpu.vector_store %arg6[%swap3A_171], %swap3A_174 {strides = array<i32>} : memref<640xf32, #tpu.memory_space<vmem>>, vector<16xf32>,
    %broadcast_in_dim3A_175 = arith.constant 0.000000e+00 : f32
    %broadcast_in_dim3A_176 = vector.broadcast %broadcast_in_dim3A_175 : f32 to vector<16xf32>
    %swap3A_177 = arith.constant 464 : index
    %swap3A_178 = tpu.vector_load %arg6[%swap3A_177] {strides = array<i32>} : memref<640xf32, #tpu.memory_space<vmem>>, vector<16xf32>,
    %swap3A_179 = vector.shape_cast %swap3A_178 : vector<16xf32> to vector<16xf32>
    %swap3A_180 = vector.shape_cast %broadcast_in_dim3A_176 : vector<16xf32> to vector<16xf32>
    tpu.vector_store %arg6[%swap3A_177], %swap3A_180 {strides = array<i32>} : memref<640xf32, #tpu.memory_space<vmem>>, vector<16xf32>,
    %broadcast_in_dim3A_181 = arith.constant 0.000000e+00 : f32
    %broadcast_in_dim3A_182 = vector.broadcast %broadcast_in_dim3A_181 : f32 to vector<16xf32>
    %swap3A_183 = arith.constant 480 : index
    %swap3A_184 = tpu.vector_load %arg6[%swap3A_183] {strides = array<i32>} : memref<640xf32, #tpu.memory_space<vmem>>, vector<16xf32>,
    %swap3A_185 = vector.shape_cast %swap3A_184 : vector<16xf32> to vector<16xf32>
    %swap3A_186 = vector.shape_cast %broadcast_in_dim3A_182 : vector<16xf32> to vector<16xf32>
    tpu.vector_store %arg6[%swap3A_183], %swap3A_186 {strides = array<i32>} : memref<640xf32, #tpu.memory_space<vmem>>, vector<16xf32>,
    %broadcast_in_dim3A_187 = arith.constant 0.000000e+00 : f32
    %broadcast_in_dim3A_188 = vector.broadcast %broadcast_in_dim3A_187 : f32 to vector<16xf32>
    %swap3A_189 = arith.constant 496 : index
    %swap3A_190 = tpu.vector_load %arg6[%swap3A_189] {strides = array<i32>} : memref<640xf32, #tpu.memory_space<vmem>>, vector<16xf32>,
    %swap3A_191 = vector.shape_cast %swap3A_190 : vector<16xf32> to vector<16xf32>
    %swap3A_192 = vector.shape_cast %broadcast_in_dim3A_188 : vector<16xf32> to vector<16xf32>
    tpu.vector_store %arg6[%swap3A_189], %swap3A_192 {strides = array<i32>} : memref<640xf32, #tpu.memory_space<vmem>>, vector<16xf32>,
    %broadcast_in_dim3A_193 = arith.constant 0.000000e+00 : f32
    %broadcast_in_dim3A_194 = vector.broadcast %broadcast_in_dim3A_193 : f32 to vector<16xf32>
    %swap3A_195 = arith.constant 512 : index
    %swap3A_196 = tpu.vector_load %arg6[%swap3A_195] {strides = array<i32>} : memref<640xf32, #tpu.memory_space<vmem>>, vector<16xf32>,
    %swap3A_197 = vector.shape_cast %swap3A_196 : vector<16xf32> to vector<16xf32>
    %swap3A_198 = vector.shape_cast %broadcast_in_dim3A_194 : vector<16xf32> to vector<16xf32>
    tpu.vector_store %arg6[%swap3A_195], %swap3A_198 {strides = array<i32>} : memref<640xf32, #tpu.memory_space<vmem>>, vector<16xf32>,
    %broadcast_in_dim3A_199 = arith.constant 0.000000e+00 : f32
    %broadcast_in_dim3A_200 = vector.broadcast %broadcast_in_dim3A_199 : f32 to vector<16xf32>
    %swap3A_201 = arith.constant 528 : index
    %swap3A_202 = tpu.vector_load %arg6[%swap3A_201] {strides = array<i32>} : memref<640xf32, #tpu.memory_space<vmem>>, vector<16xf32>,
    %swap3A_203 = vector.shape_cast %swap3A_202 : vector<16xf32> to vector<16xf32>
    %swap3A_204 = vector.shape_cast %broadcast_in_dim3A_200 : vector<16xf32> to vector<16xf32>
    tpu.vector_store %arg6[%swap3A_201], %swap3A_204 {strides = array<i32>} : memref<640xf32, #tpu.memory_space<vmem>>, vector<16xf32>,
    %broadcast_in_dim3A_205 = arith.constant 0.000000e+00 : f32
    %broadcast_in_dim3A_206 = vector.broadcast %broadcast_in_dim3A_205 : f32 to vector<16xf32>
    %swap3A_207 = arith.constant 544 : index
    %swap3A_208 = tpu.vector_load %arg6[%swap3A_207] {strides = array<i32>} : memref<640xf32, #tpu.memory_space<vmem>>, vector<16xf32>,
    %swap3A_209 = vector.shape_cast %swap3A_208 : vector<16xf32> to vector<16xf32>
    %swap3A_210 = vector.shape_cast %broadcast_in_dim3A_206 : vector<16xf32> to vector<16xf32>
    tpu.vector_store %arg6[%swap3A_207], %swap3A_210 {strides = array<i32>} : memref<640xf32, #tpu.memory_space<vmem>>, vector<16xf32>,
    %broadcast_in_dim3A_211 = arith.constant 0.000000e+00 : f32
    %broadcast_in_dim3A_212 = vector.broadcast %broadcast_in_dim3A_211 : f32 to vector<16xf32>
    %swap3A_213 = arith.constant 560 : index
    %swap3A_214 = tpu.vector_load %arg6[%swap3A_213] {strides = array<i32>} : memref<640xf32, #tpu.memory_space<vmem>>, vector<16xf32>,
    %swap3A_215 = vector.shape_cast %swap3A_214 : vector<16xf32> to vector<16xf32>
    %swap3A_216 = vector.shape_cast %broadcast_in_dim3A_212 : vector<16xf32> to vector<16xf32>
    tpu.vector_store %arg6[%swap3A_213], %swap3A_216 {strides = array<i32>} : memref<640xf32, #tpu.memory_space<vmem>>, vector<16xf32>,
    %broadcast_in_dim3A_217 = arith.constant 0.000000e+00 : f32
    %broadcast_in_dim3A_218 = vector.broadcast %broadcast_in_dim3A_217 : f32 to vector<16xf32>
    %swap3A_219 = arith.constant 576 : index
    %swap3A_220 = tpu.vector_load %arg6[%swap3A_219] {strides = array<i32>} : memref<640xf32, #tpu.memory_space<vmem>>, vector<16xf32>,
    %swap3A_221 = vector.shape_cast %swap3A_220 : vector<16xf32> to vector<16xf32>
    %swap3A_222 = vector.shape_cast %broadcast_in_dim3A_218 : vector<16xf32> to vector<16xf32>
    tpu.vector_store %arg6[%swap3A_219], %swap3A_222 {strides = array<i32>} : memref<640xf32, #tpu.memory_space<vmem>>, vector<16xf32>,
    %broadcast_in_dim3A_223 = arith.constant 0.000000e+00 : f32
    %broadcast_in_dim3A_224 = vector.broadcast %broadcast_in_dim3A_223 : f32 to vector<16xf32>
    %swap3A_225 = arith.constant 592 : index
    %swap3A_226 = tpu.vector_load %arg6[%swap3A_225] {strides = array<i32>} : memref<640xf32, #tpu.memory_space<vmem>>, vector<16xf32>,
    %swap3A_227 = vector.shape_cast %swap3A_226 : vector<16xf32> to vector<16xf32>
    %swap3A_228 = vector.shape_cast %broadcast_in_dim3A_224 : vector<16xf32> to vector<16xf32>
    tpu.vector_store %arg6[%swap3A_225], %swap3A_228 {strides = array<i32>} : memref<640xf32, #tpu.memory_space<vmem>>, vector<16xf32>,
    %broadcast_in_dim3A_229 = arith.constant 0.000000e+00 : f32
    %broadcast_in_dim3A_230 = vector.broadcast %broadcast_in_dim3A_229 : f32 to vector<16xf32>
    %swap3A_231 = arith.constant 608 : index
    %swap3A_232 = tpu.vector_load %arg6[%swap3A_231] {strides = array<i32>} : memref<640xf32, #tpu.memory_space<vmem>>, vector<16xf32>,
    %swap3A_233 = vector.shape_cast %swap3A_232 : vector<16xf32> to vector<16xf32>
    %swap3A_234 = vector.shape_cast %broadcast_in_dim3A_230 : vector<16xf32> to vector<16xf32>
    tpu.vector_store %arg6[%swap3A_231], %swap3A_234 {strides = array<i32>} : memref<640xf32, #tpu.memory_space<vmem>>, vector<16xf32>,
    %broadcast_in_dim3A_235 = arith.constant 0.000000e+00 : f32
    %broadcast_in_dim3A_236 = vector.broadcast %broadcast_in_dim3A_235 : f32 to vector<16xf32>
    %swap3A_237 = arith.constant 624 : index
    %swap3A_238 = tpu.vector_load %arg6[%swap3A_237] {strides = array<i32>} : memref<640xf32, #tpu.memory_space<vmem>>, vector<16xf32>,
    %swap3A_239 = vector.shape_cast %swap3A_238 : vector<16xf32> to vector<16xf32>
    %swap3A_240 = vector.shape_cast %broadcast_in_dim3A_236 : vector<16xf32> to vector<16xf32>
    tpu.vector_store %arg6[%swap3A_237], %swap3A_240 {strides = array<i32>} : memref<640xf32, #tpu.memory_space<vmem>>, vector<16xf32>,
    "tpu.region"() ({
      %run_scoped3A = tpu.sem_alloc : memref<!tpu.dma_semaphore, #tpu.memory_space<semaphore_mem>>
      %dma_start3A = tpu.memref_slice %arg7[%mul3A_2] : memref<10240xf32, #tpu.memory_space<vmem_shared>> -> memref<640xf32, #tpu.memory_space<vmem_shared>>
      %dma_start3A_300 = tpu.memref_slice %arg7[%mul3A_2] : memref<10240xf32, #tpu.memory_space<vmem_shared>> -> memref<640xf32, #tpu.memory_space<vmem_shared>>
      tpu.enqueue_dma source(%arg6 : memref<640xf32, #tpu.memory_space<vmem>>) target(%dma_start3A_300 : memref<640xf32, #tpu.memory_space<vmem_shared>>) target_semaphore(%run_scoped3A : memref<!tpu.dma_semaphore, #tpu.memory_space<semaphore_mem>>)
      %dma_wait3A = tpu.memref_slice %arg7[%mul3A_2] : memref<10240xf32, #tpu.memory_space<vmem_shared>> -> memref<640xf32, #tpu.memory_space<vmem_shared>>
      %dma_wait3A_301 = tpu.memref_slice %arg7[%mul3A_2] : memref<10240xf32, #tpu.memory_space<vmem_shared>> -> memref<640xf32, #tpu.memory_space<vmem_shared>>
      tpu.wait_dma2 semaphore(%run_scoped3A : memref<!tpu.dma_semaphore, #tpu.memory_space<semaphore_mem>>) src(%arg6 : memref<640xf32, #tpu.memory_space<vmem>>) dst(%dma_wait3A_301 : memref<640xf32, #tpu.memory_space<vmem_shared>>)
      tpu.yield
    }) : () -> ()
    %broadcast_in_dim3A_241 = arith.constant 1.000000e+00 : f32
    %broadcast_in_dim3A_242 = vector.broadcast %broadcast_in_dim3A_241 : f32 to vector<16xf32>
    %swap3A_243 = arith.constant 0 : index
    %swap3A_244 = tpu.vector_load %arg5[%swap3A_243] {strides = array<i32>} : memref<128xf32, #tpu.memory_space<vmem>>, vector<16xf32>,
    %swap3A_245 = vector.shape_cast %swap3A_244 : vector<16xf32> to vector<16xf32>
    %swap3A_246 = vector.shape_cast %broadcast_in_dim3A_242 : vector<16xf32> to vector<16xf32>
    tpu.vector_store %arg5[%swap3A_243], %swap3A_246 {strides = array<i32>} : memref<128xf32, #tpu.memory_space<vmem>>, vector<16xf32>,
    %broadcast_in_dim3A_247 = arith.constant 1.000000e+00 : f32
    %broadcast_in_dim3A_248 = vector.broadcast %broadcast_in_dim3A_247 : f32 to vector<16xf32>
    %swap3A_249 = arith.constant 16 : index
    %swap3A_250 = tpu.vector_load %arg5[%swap3A_249] {strides = array<i32>} : memref<128xf32, #tpu.memory_space<vmem>>, vector<16xf32>,
    %swap3A_251 = vector.shape_cast %swap3A_250 : vector<16xf32> to vector<16xf32>
    %swap3A_252 = vector.shape_cast %broadcast_in_dim3A_248 : vector<16xf32> to vector<16xf32>
    tpu.vector_store %arg5[%swap3A_249], %swap3A_252 {strides = array<i32>} : memref<128xf32, #tpu.memory_space<vmem>>, vector<16xf32>,
    %broadcast_in_dim3A_253 = arith.constant 1.000000e+00 : f32
    %broadcast_in_dim3A_254 = vector.broadcast %broadcast_in_dim3A_253 : f32 to vector<16xf32>
    %swap3A_255 = arith.constant 32 : index
    %swap3A_256 = tpu.vector_load %arg5[%swap3A_255] {strides = array<i32>} : memref<128xf32, #tpu.memory_space<vmem>>, vector<16xf32>,
    %swap3A_257 = vector.shape_cast %swap3A_256 : vector<16xf32> to vector<16xf32>
    %swap3A_258 = vector.shape_cast %broadcast_in_dim3A_254 : vector<16xf32> to vector<16xf32>
    tpu.vector_store %arg5[%swap3A_255], %swap3A_258 {strides = array<i32>} : memref<128xf32, #tpu.memory_space<vmem>>, vector<16xf32>,
    %broadcast_in_dim3A_259 = arith.constant 1.000000e+00 : f32
    %broadcast_in_dim3A_260 = vector.broadcast %broadcast_in_dim3A_259 : f32 to vector<16xf32>
    %swap3A_261 = arith.constant 48 : index
    %swap3A_262 = tpu.vector_load %arg5[%swap3A_261] {strides = array<i32>} : memref<128xf32, #tpu.memory_space<vmem>>, vector<16xf32>,
    %swap3A_263 = vector.shape_cast %swap3A_262 : vector<16xf32> to vector<16xf32>
    %swap3A_264 = vector.shape_cast %broadcast_in_dim3A_260 : vector<16xf32> to vector<16xf32>
    tpu.vector_store %arg5[%swap3A_261], %swap3A_264 {strides = array<i32>} : memref<128xf32, #tpu.memory_space<vmem>>, vector<16xf32>,
    %broadcast_in_dim3A_265 = arith.constant 1.000000e+00 : f32
    %broadcast_in_dim3A_266 = vector.broadcast %broadcast_in_dim3A_265 : f32 to vector<16xf32>
    %swap3A_267 = arith.constant 64 : index
    %swap3A_268 = tpu.vector_load %arg5[%swap3A_267] {strides = array<i32>} : memref<128xf32, #tpu.memory_space<vmem>>, vector<16xf32>,
    %swap3A_269 = vector.shape_cast %swap3A_268 : vector<16xf32> to vector<16xf32>
    %swap3A_270 = vector.shape_cast %broadcast_in_dim3A_266 : vector<16xf32> to vector<16xf32>
    tpu.vector_store %arg5[%swap3A_267], %swap3A_270 {strides = array<i32>} : memref<128xf32, #tpu.memory_space<vmem>>, vector<16xf32>,
    %broadcast_in_dim3A_271 = arith.constant 1.000000e+00 : f32
    %broadcast_in_dim3A_272 = vector.broadcast %broadcast_in_dim3A_271 : f32 to vector<16xf32>
    %swap3A_273 = arith.constant 80 : index
    %swap3A_274 = tpu.vector_load %arg5[%swap3A_273] {strides = array<i32>} : memref<128xf32, #tpu.memory_space<vmem>>, vector<16xf32>,
    %swap3A_275 = vector.shape_cast %swap3A_274 : vector<16xf32> to vector<16xf32>
    %swap3A_276 = vector.shape_cast %broadcast_in_dim3A_272 : vector<16xf32> to vector<16xf32>
    tpu.vector_store %arg5[%swap3A_273], %swap3A_276 {strides = array<i32>} : memref<128xf32, #tpu.memory_space<vmem>>, vector<16xf32>,
    %broadcast_in_dim3A_277 = arith.constant 1.000000e+00 : f32
    %broadcast_in_dim3A_278 = vector.broadcast %broadcast_in_dim3A_277 : f32 to vector<16xf32>
    %swap3A_279 = arith.constant 96 : index
    %swap3A_280 = tpu.vector_load %arg5[%swap3A_279] {strides = array<i32>} : memref<128xf32, #tpu.memory_space<vmem>>, vector<16xf32>,
    %swap3A_281 = vector.shape_cast %swap3A_280 : vector<16xf32> to vector<16xf32>
    %swap3A_282 = vector.shape_cast %broadcast_in_dim3A_278 : vector<16xf32> to vector<16xf32>
    tpu.vector_store %arg5[%swap3A_279], %swap3A_282 {strides = array<i32>} : memref<128xf32, #tpu.memory_space<vmem>>, vector<16xf32>,
    %broadcast_in_dim3A_283 = arith.constant 1.000000e+00 : f32
    %broadcast_in_dim3A_284 = vector.broadcast %broadcast_in_dim3A_283 : f32 to vector<16xf32>
    %swap3A_285 = arith.constant 112 : index
    %swap3A_286 = tpu.vector_load %arg5[%swap3A_285] {strides = array<i32>} : memref<128xf32, #tpu.memory_space<vmem>>, vector<16xf32>,
    %swap3A_287 = vector.shape_cast %swap3A_286 : vector<16xf32> to vector<16xf32>
    %swap3A_288 = vector.shape_cast %broadcast_in_dim3A_284 : vector<16xf32> to vector<16xf32>
    tpu.vector_store %arg5[%swap3A_285], %swap3A_288 {strides = array<i32>} : memref<128xf32, #tpu.memory_space<vmem>>, vector<16xf32>,
    %mul3A_289 = arith.constant 80 : i32
    %mul3A_290 = arith.muli %add3A, %mul3A_289 : i32
    %multiple_of3A = tpu.assume_multiple %mul3A_290, 80 : i32
    "tpu.region"() ({
      %run_scoped3A = tpu.sem_alloc : memref<!tpu.dma_semaphore, #tpu.memory_space<semaphore_mem>>
      %dma_start3A = arith.constant 0 : i32
      %dma_start3A_300 = tpu.memref_slice %arg2[%multiple_of3A, %dma_start3A] : memref<2560x128xi32, #tpu.memory_space<hbm>> -> memref<80x128xi32, #tpu.memory_space<hbm>>
      %dma_start3A_301 = arith.constant 0 : i32
      %dma_start3A_302 = tpu.memref_slice %arg2[%multiple_of3A, %dma_start3A_301] : memref<2560x128xi32, #tpu.memory_space<hbm>> -> memref<80x128xi32, #tpu.memory_space<hbm>>
      tpu.enqueue_dma source(%dma_start3A_302 : memref<80x128xi32, #tpu.memory_space<hbm>>) target(%arg4 : memref<80x128xi32, #tpu.memory_space<vmem>>) target_semaphore(%run_scoped3A : memref<!tpu.dma_semaphore, #tpu.memory_space<semaphore_mem>>)
      %dma_wait3A = arith.constant 0 : i32
      %dma_wait3A_303 = tpu.memref_slice %arg2[%multiple_of3A, %dma_wait3A] : memref<2560x128xi32, #tpu.memory_space<hbm>> -> memref<80x128xi32, #tpu.memory_space<hbm>>
      %dma_wait3A_304 = arith.constant 0 : i32
      %dma_wait3A_305 = tpu.memref_slice %arg2[%multiple_of3A, %dma_wait3A_304] : memref<2560x128xi32, #tpu.memory_space<hbm>> -> memref<80x128xi32, #tpu.memory_space<hbm>>
      tpu.wait_dma2 semaphore(%run_scoped3A : memref<!tpu.dma_semaphore, #tpu.memory_space<semaphore_mem>>) src(%dma_wait3A_305 : memref<80x128xi32, #tpu.memory_space<hbm>>) dst(%arg4 : memref<80x128xi32, #tpu.memory_space<vmem>>)
      tpu.yield
    }) : () -> ()
    %barrier3A = arith.constant 0 : index
    tpu.barrier barrier_id(%barrier3A)
    %scan3A = arith.constant 0 : i32
    %scan3A_291 = arith.constant 0 : i32
    %scan3A_292 = arith.constant 80 : i32
    %scan3A_293 = arith.addi %scan3A_291, %scan3A_292 : i32
    %scan3A_294 = arith.constant 1 : i32
    scf.for %scan3A_300 = %scan3A_291 to %scan3A_293 step %scan3A_294  : i32 {
      "tpu.region"() ({
        %run_scoped3A = tpu.sem_alloc : memref<!tpu.dma_semaphore, #tpu.memory_space<semaphore_mem>>
        %dma_start3A = arith.constant 0 : i32
        %dma_start3A_301 = tpu.memref_slice %arg4[%scan3A_300, %dma_start3A] : memref<80x128xi32, #tpu.memory_space<vmem>> -> memref<1x128xi32, #tpu.memory_space<vmem>>
        %dma_start3A_302 = tpu.memref_squeeze %dma_start3A_301 : memref<1x128xi32, #tpu.memory_space<vmem>> -> memref<128xi32, #tpu.memory_space<vmem>>
        %dma_start3A_303 = arith.constant 0 : i32
        %dma_start3A_304 = tpu.memref_slice %arg7[%dma_start3A_303] : memref<10240xf32, #tpu.memory_space<vmem_shared>> -> memref<10240xf32, #tpu.memory_space<vmem_shared>>
        tpu.enqueue_indirect_dma source(%arg5 : memref<128xf32, #tpu.memory_space<vmem>>) target(%dma_start3A_304 : memref<10240xf32, #tpu.memory_space<vmem_shared>>) offsets(%dma_start3A_302 : memref<128xi32, #tpu.memory_space<vmem>>) semaphore(%run_scoped3A : memref<!tpu.dma_semaphore, #tpu.memory_space<semaphore_mem>>) {add = true}
        %dma_wait3A = arith.constant 0 : i32
        %dma_wait3A_305 = tpu.memref_slice %arg4[%scan3A_300, %dma_wait3A] : memref<80x128xi32, #tpu.memory_space<vmem>> -> memref<1x128xi32, #tpu.memory_space<vmem>>
        %dma_wait3A_306 = tpu.memref_squeeze %dma_wait3A_305 : memref<1x128xi32, #tpu.memory_space<vmem>> -> memref<128xi32, #tpu.memory_space<vmem>>
        %dma_wait3A_307 = arith.constant 0 : i32
        %dma_wait3A_308 = tpu.memref_slice %arg7[%dma_wait3A_307] : memref<10240xf32, #tpu.memory_space<vmem_shared>> -> memref<10240xf32, #tpu.memory_space<vmem_shared>>
        tpu.wait_indirect_dma semaphore(%run_scoped3A : memref<!tpu.dma_semaphore, #tpu.memory_space<semaphore_mem>>) src(%arg5 : memref<128xf32, #tpu.memory_space<vmem>>) dst(%dma_wait3A_308 : memref<10240xf32, #tpu.memory_space<vmem_shared>>)
        tpu.yield
      }) : () -> ()
    }
    %scan3A_295 = arith.constant 80 : i32
    %barrier3A_296 = arith.constant 0 : index
    tpu.barrier barrier_id(%barrier3A_296)
    "tpu.region"() ({
      %run_scoped3A = tpu.sem_alloc : memref<!tpu.dma_semaphore, #tpu.memory_space<semaphore_mem>>
      %dma_start3A = tpu.memref_slice %arg7[%mul3A_2] : memref<10240xf32, #tpu.memory_space<vmem_shared>> -> memref<640xf32, #tpu.memory_space<vmem_shared>>
      %dma_start3A_300 = tpu.memref_slice %arg7[%mul3A_2] : memref<10240xf32, #tpu.memory_space<vmem_shared>> -> memref<640xf32, #tpu.memory_space<vmem_shared>>
      tpu.enqueue_dma source(%dma_start3A_300 : memref<640xf32, #tpu.memory_space<vmem_shared>>) target(%arg6 : memref<640xf32, #tpu.memory_space<vmem>>) target_semaphore(%run_scoped3A : memref<!tpu.dma_semaphore, #tpu.memory_space<semaphore_mem>>)
      %dma_wait3A = tpu.memref_slice %arg7[%mul3A_2] : memref<10240xf32, #tpu.memory_space<vmem_shared>> -> memref<640xf32, #tpu.memory_space<vmem_shared>>
      %dma_wait3A_301 = tpu.memref_slice %arg7[%mul3A_2] : memref<10240xf32, #tpu.memory_space<vmem_shared>> -> memref<640xf32, #tpu.memory_space<vmem_shared>>
      tpu.wait_dma2 semaphore(%run_scoped3A : memref<!tpu.dma_semaphore, #tpu.memory_space<semaphore_mem>>) src(%dma_wait3A_301 : memref<640xf32, #tpu.memory_space<vmem_shared>>) dst(%arg6 : memref<640xf32, #tpu.memory_space<vmem>>)
      tpu.yield
    }) : () -> ()
    %mul3A_297 = arith.constant 10240 : i32
    %mul3A_298 = arith.muli %arg0, %mul3A_297 : i32
    %add3A_299 = arith.addi %mul3A_298, %mul3A_2 : i32
    "tpu.region"() ({
      %run_scoped3A = tpu.sem_alloc : memref<!tpu.dma_semaphore, #tpu.memory_space<semaphore_mem>>
      %dma_start3A = tpu.memref_slice %arg3[%add3A_299] : memref<20480xf32, #tpu.memory_space<hbm>> -> memref<640xf32, #tpu.memory_space<hbm>>
      %dma_start3A_300 = tpu.memref_slice %arg3[%add3A_299] : memref<20480xf32, #tpu.memory_space<hbm>> -> memref<640xf32, #tpu.memory_space<hbm>>
      tpu.enqueue_dma source(%arg6 : memref<640xf32, #tpu.memory_space<vmem>>) target(%dma_start3A_300 : memref<640xf32, #tpu.memory_space<hbm>>) target_semaphore(%run_scoped3A : memref<!tpu.dma_semaphore, #tpu.memory_space<semaphore_mem>>)
      %dma_wait3A = tpu.memref_slice %arg3[%add3A_299] : memref<20480xf32, #tpu.memory_space<hbm>> -> memref<640xf32, #tpu.memory_space<hbm>>
      %dma_wait3A_301 = tpu.memref_slice %arg3[%add3A_299] : memref<20480xf32, #tpu.memory_space<hbm>> -> memref<640xf32, #tpu.memory_space<hbm>>
      tpu.wait_dma2 semaphore(%run_scoped3A : memref<!tpu.dma_semaphore, #tpu.memory_space<semaphore_mem>>) src(%arg6 : memref<640xf32, #tpu.memory_space<vmem>>) dst(%dma_wait3A_301 : memref<640xf32, #tpu.memory_space<hbm>>)
      tpu.yield
    }) : () -> ()
    return
  }
}

#map = affine_map<(d0, d1) -> (0, 0)>
#map1 = affine_map<(d0, d1) -> (0, 0, 0)>
module attributes {stable_mosaic.version = 14 : i64} {
  func.func @_spass_body(%arg0: i32, %arg1: i32, %arg2: memref<10240x128xf32, #tpu.memory_space<hbm>>, %arg3: memref<2560x128xi32, #tpu.memory_space<hbm>>, %arg4: memref<2560x128xi32, #tpu.memory_space<hbm>>, %arg5: memref<10240x128xf32, #tpu.memory_space<hbm>>, %arg6: memref<2x10240x128xf32, #tpu.memory_space<hbm>>, %arg7: memref<40x128xi32, #tpu.memory_space<vmem>>, %arg8: memref<40x128xi32, #tpu.memory_space<vmem>>, %arg9: memref<128x128xf32, #tpu.memory_space<vmem>>, %arg10: memref<128x128xf32, #tpu.memory_space<vmem>>, %arg11: memref<10240x128xf32, #tpu.memory_space<vmem_shared>>, %arg12: memref<!tpu.dma_semaphore, #tpu.memory_space<semaphore_mem>>, %arg13: memref<!tpu.dma_semaphore, #tpu.memory_space<semaphore_mem>>) attributes {dimension_semantics = [#tpu.dimension_semantics<core_parallel>, #tpu.dimension_semantics<subcore_parallel>], iteration_bounds = array<i64: 2, 16>, scalar_prefetch = 0 : i64, scratch_operands = 7 : i64, tpu.core_type = #tpu.core_type<sc_vector_subcore>, window_params = [{transform_indices = #map}, {transform_indices = #map}, {transform_indices = #map}, {transform_indices = #map}, {transform_indices = #map1}]} {
    %mul3A = arith.constant 640 : i32
    %mul3A_0 = arith.muli %arg1, %mul3A : i32
    "tpu.region"() ({
      %run_scoped3A = tpu.sem_alloc : memref<!tpu.dma_semaphore, #tpu.memory_space<semaphore_mem>>
      %dma_start3A = arith.constant 0 : i32
      %dma_start3A_9 = tpu.memref_slice %arg11[%mul3A_0, %dma_start3A] : memref<10240x128xf32, #tpu.memory_space<vmem_shared>> -> memref<640x128xf32, #tpu.memory_space<vmem_shared>>
      %dma_start3A_10 = arith.constant 0 : i32
      %dma_start3A_11 = tpu.memref_slice %arg5[%mul3A_0, %dma_start3A_10] : memref<10240x128xf32, #tpu.memory_space<hbm>> -> memref<640x128xf32, #tpu.memory_space<hbm>>
      tpu.enqueue_dma source(%dma_start3A_11 : memref<640x128xf32, #tpu.memory_space<hbm>>) target(%dma_start3A_9 : memref<640x128xf32, #tpu.memory_space<vmem_shared>>) target_semaphore(%run_scoped3A : memref<!tpu.dma_semaphore, #tpu.memory_space<semaphore_mem>>)
      %dma_wait3A = arith.constant 0 : i32
      %dma_wait3A_12 = tpu.memref_slice %arg11[%mul3A_0, %dma_wait3A] : memref<10240x128xf32, #tpu.memory_space<vmem_shared>> -> memref<640x128xf32, #tpu.memory_space<vmem_shared>>
      %dma_wait3A_13 = arith.constant 0 : i32
      %dma_wait3A_14 = tpu.memref_slice %arg5[%mul3A_0, %dma_wait3A_13] : memref<10240x128xf32, #tpu.memory_space<hbm>> -> memref<640x128xf32, #tpu.memory_space<hbm>>
      tpu.wait_dma2 semaphore(%run_scoped3A : memref<!tpu.dma_semaphore, #tpu.memory_space<semaphore_mem>>) src(%dma_wait3A_14 : memref<640x128xf32, #tpu.memory_space<hbm>>) dst(%dma_wait3A_12 : memref<640x128xf32, #tpu.memory_space<vmem_shared>>)
      tpu.yield
    }) : () -> ()
    %barrier3A = arith.constant 0 : index
    tpu.barrier barrier_id(%barrier3A)
    %eq3A = arith.constant 0 : i32
    %eq3A_1 = arith.cmpi eq, %arg0, %eq3A : i32
    %convert_element_type3A = arith.extui %eq3A_1 : i1 to i32
    %cond3A = arith.constant 0 : i32
    %cond3A_2 = arith.cmpi ne, %convert_element_type3A, %cond3A : i32
    scf.if %cond3A_2 {
      %scan3A = arith.constant 0 : i32
      %scan3A_9 = arith.constant 0 : i32
      %scan3A_10 = arith.constant 3 : i32
      %scan3A_11 = arith.addi %scan3A_9, %scan3A_10 : i32
      %scan3A_12 = arith.constant 1 : i32
      scf.for %scan3A_14 = %scan3A_9 to %scan3A_11 step %scan3A_12  : i32 {
        %mul3A_15 = arith.constant 120 : i32
        %mul3A_16 = arith.muli %arg1, %mul3A_15 : i32
        %mul3A_17 = arith.constant 40 : i32
        %mul3A_18 = arith.muli %scan3A_14, %mul3A_17 : i32
        %add3A = arith.addi %mul3A_16, %mul3A_18 : i32
        %multiple_of3A = tpu.assume_multiple %add3A, 8 : i32
        "tpu.region"() ({
          %run_scoped3A = tpu.sem_alloc : memref<!tpu.dma_semaphore, #tpu.memory_space<semaphore_mem>>
          %dma_start3A_31 = arith.constant 0 : i32
          %dma_start3A_32 = tpu.memref_slice %arg3[%multiple_of3A, %dma_start3A_31] : memref<2560x128xi32, #tpu.memory_space<hbm>> -> memref<40x128xi32, #tpu.memory_space<hbm>>
          %dma_start3A_33 = arith.constant 0 : i32
          %dma_start3A_34 = tpu.memref_slice %arg3[%multiple_of3A, %dma_start3A_33] : memref<2560x128xi32, #tpu.memory_space<hbm>> -> memref<40x128xi32, #tpu.memory_space<hbm>>
          tpu.enqueue_dma source(%dma_start3A_34 : memref<40x128xi32, #tpu.memory_space<hbm>>) target(%arg7 : memref<40x128xi32, #tpu.memory_space<vmem>>) target_semaphore(%run_scoped3A : memref<!tpu.dma_semaphore, #tpu.memory_space<semaphore_mem>>)
          %dma_wait3A = arith.constant 0 : i32
          %dma_wait3A_35 = tpu.memref_slice %arg3[%multiple_of3A, %dma_wait3A] : memref<2560x128xi32, #tpu.memory_space<hbm>> -> memref<40x128xi32, #tpu.memory_space<hbm>>
          %dma_wait3A_36 = arith.constant 0 : i32
          %dma_wait3A_37 = tpu.memref_slice %arg3[%multiple_of3A, %dma_wait3A_36] : memref<2560x128xi32, #tpu.memory_space<hbm>> -> memref<40x128xi32, #tpu.memory_space<hbm>>
          tpu.wait_dma2 semaphore(%run_scoped3A : memref<!tpu.dma_semaphore, #tpu.memory_space<semaphore_mem>>) src(%dma_wait3A_37 : memref<40x128xi32, #tpu.memory_space<hbm>>) dst(%arg7 : memref<40x128xi32, #tpu.memory_space<vmem>>)
          tpu.yield
        }) : () -> ()
        "tpu.region"() ({
          %run_scoped3A = tpu.sem_alloc : memref<!tpu.dma_semaphore, #tpu.memory_space<semaphore_mem>>
          %dma_start3A_31 = arith.constant 0 : i32
          %dma_start3A_32 = tpu.memref_slice %arg4[%multiple_of3A, %dma_start3A_31] : memref<2560x128xi32, #tpu.memory_space<hbm>> -> memref<40x128xi32, #tpu.memory_space<hbm>>
          %dma_start3A_33 = arith.constant 0 : i32
          %dma_start3A_34 = tpu.memref_slice %arg4[%multiple_of3A, %dma_start3A_33] : memref<2560x128xi32, #tpu.memory_space<hbm>> -> memref<40x128xi32, #tpu.memory_space<hbm>>
          tpu.enqueue_dma source(%dma_start3A_34 : memref<40x128xi32, #tpu.memory_space<hbm>>) target(%arg8 : memref<40x128xi32, #tpu.memory_space<vmem>>) target_semaphore(%run_scoped3A : memref<!tpu.dma_semaphore, #tpu.memory_space<semaphore_mem>>)
          %dma_wait3A = arith.constant 0 : i32
          %dma_wait3A_35 = tpu.memref_slice %arg4[%multiple_of3A, %dma_wait3A] : memref<2560x128xi32, #tpu.memory_space<hbm>> -> memref<40x128xi32, #tpu.memory_space<hbm>>
          %dma_wait3A_36 = arith.constant 0 : i32
          %dma_wait3A_37 = tpu.memref_slice %arg4[%multiple_of3A, %dma_wait3A_36] : memref<2560x128xi32, #tpu.memory_space<hbm>> -> memref<40x128xi32, #tpu.memory_space<hbm>>
          tpu.wait_dma2 semaphore(%run_scoped3A : memref<!tpu.dma_semaphore, #tpu.memory_space<semaphore_mem>>) src(%dma_wait3A_37 : memref<40x128xi32, #tpu.memory_space<hbm>>) dst(%arg8 : memref<40x128xi32, #tpu.memory_space<vmem>>)
          tpu.yield
        }) : () -> ()
        %dma_start3A = arith.constant 0 : i32
        %dma_start3A_19 = arith.constant 0 : i32
        %dma_start3A_20 = tpu.memref_slice %arg7[%dma_start3A, %dma_start3A_19] : memref<40x128xi32, #tpu.memory_space<vmem>> -> memref<1x128xi32, #tpu.memory_space<vmem>>
        %dma_start3A_21 = tpu.memref_squeeze %dma_start3A_20 : memref<1x128xi32, #tpu.memory_space<vmem>> -> memref<128xi32, #tpu.memory_space<vmem>>
        %dma_start3A_22 = arith.constant 0 : i32
        %dma_start3A_23 = arith.constant 0 : i32
        %dma_start3A_24 = tpu.memref_slice %arg2[%dma_start3A_22, %dma_start3A_23] : memref<10240x128xf32, #tpu.memory_space<hbm>> -> memref<10240x128xf32, #tpu.memory_space<hbm>>
        tpu.enqueue_indirect_dma source(%dma_start3A_24 : memref<10240x128xf32, #tpu.memory_space<hbm>>) target(%arg9 : memref<128x128xf32, #tpu.memory_space<vmem>>) offsets(%dma_start3A_21 : memref<128xi32, #tpu.memory_space<vmem>>) semaphore(%arg12 : memref<!tpu.dma_semaphore, #tpu.memory_space<semaphore_mem>>)
        %scan3A_25 = arith.constant 0 : i32
        %scan3A_26 = arith.constant 0 : i32
        %scan3A_27 = arith.constant 20 : i32
        %scan3A_28 = arith.addi %scan3A_26, %scan3A_27 : i32
        %scan3A_29 = arith.constant 1 : i32
        scf.for %scan3A_31 = %scan3A_26 to %scan3A_28 step %scan3A_29  : i32 {
          %mul3A_32 = arith.constant 2 : i32
          %mul3A_33 = arith.muli %mul3A_32, %scan3A_31 : i32
          %add3A_34 = arith.constant 1 : i32
          %add3A_35 = arith.addi %mul3A_33, %add3A_34 : i32
          %dma_start3A_36 = arith.constant 0 : i32
          %dma_start3A_37 = tpu.memref_slice %arg7[%add3A_35, %dma_start3A_36] : memref<40x128xi32, #tpu.memory_space<vmem>> -> memref<1x128xi32, #tpu.memory_space<vmem>>
          %dma_start3A_38 = tpu.memref_squeeze %dma_start3A_37 : memref<1x128xi32, #tpu.memory_space<vmem>> -> memref<128xi32, #tpu.memory_space<vmem>>
          %dma_start3A_39 = arith.constant 0 : i32
          %dma_start3A_40 = arith.constant 0 : i32
          %dma_start3A_41 = tpu.memref_slice %arg2[%dma_start3A_39, %dma_start3A_40] : memref<10240x128xf32, #tpu.memory_space<hbm>> -> memref<10240x128xf32, #tpu.memory_space<hbm>>
          tpu.enqueue_indirect_dma source(%dma_start3A_41 : memref<10240x128xf32, #tpu.memory_space<hbm>>) target(%arg10 : memref<128x128xf32, #tpu.memory_space<vmem>>) offsets(%dma_start3A_38 : memref<128xi32, #tpu.memory_space<vmem>>) semaphore(%arg13 : memref<!tpu.dma_semaphore, #tpu.memory_space<semaphore_mem>>)
          %dma_wait3A = arith.constant 0 : i32
          %dma_wait3A_42 = tpu.memref_slice %arg7[%mul3A_33, %dma_wait3A] : memref<40x128xi32, #tpu.memory_space<vmem>> -> memref<1x128xi32, #tpu.memory_space<vmem>>
          %dma_wait3A_43 = tpu.memref_squeeze %dma_wait3A_42 : memref<1x128xi32, #tpu.memory_space<vmem>> -> memref<128xi32, #tpu.memory_space<vmem>>
          %dma_wait3A_44 = arith.constant 0 : i32
          %dma_wait3A_45 = arith.constant 0 : i32
          %dma_wait3A_46 = tpu.memref_slice %arg2[%dma_wait3A_44, %dma_wait3A_45] : memref<10240x128xf32, #tpu.memory_space<hbm>> -> memref<10240x128xf32, #tpu.memory_space<hbm>>
          tpu.wait_indirect_dma semaphore(%arg12 : memref<!tpu.dma_semaphore, #tpu.memory_space<semaphore_mem>>) src(%dma_wait3A_46 : memref<10240x128xf32, #tpu.memory_space<hbm>>) dst(%arg9 : memref<128x128xf32, #tpu.memory_space<vmem>>)
          "tpu.region"() ({
            %run_scoped3A = tpu.sem_alloc : memref<!tpu.dma_semaphore, #tpu.memory_space<semaphore_mem>>
            %dma_start3A_63 = arith.constant 0 : i32
            %dma_start3A_64 = tpu.memref_slice %arg8[%mul3A_33, %dma_start3A_63] : memref<40x128xi32, #tpu.memory_space<vmem>> -> memref<1x128xi32, #tpu.memory_space<vmem>>
            %dma_start3A_65 = tpu.memref_squeeze %dma_start3A_64 : memref<1x128xi32, #tpu.memory_space<vmem>> -> memref<128xi32, #tpu.memory_space<vmem>>
            %dma_start3A_66 = arith.constant 0 : i32
            %dma_start3A_67 = arith.constant 0 : i32
            %dma_start3A_68 = tpu.memref_slice %arg11[%dma_start3A_66, %dma_start3A_67] : memref<10240x128xf32, #tpu.memory_space<vmem_shared>> -> memref<10240x128xf32, #tpu.memory_space<vmem_shared>>
            tpu.enqueue_indirect_dma source(%arg9 : memref<128x128xf32, #tpu.memory_space<vmem>>) target(%dma_start3A_68 : memref<10240x128xf32, #tpu.memory_space<vmem_shared>>) offsets(%dma_start3A_65 : memref<128xi32, #tpu.memory_space<vmem>>) semaphore(%run_scoped3A : memref<!tpu.dma_semaphore, #tpu.memory_space<semaphore_mem>>) {add = true}
            %dma_wait3A_69 = arith.constant 0 : i32
            %dma_wait3A_70 = tpu.memref_slice %arg8[%mul3A_33, %dma_wait3A_69] : memref<40x128xi32, #tpu.memory_space<vmem>> -> memref<1x128xi32, #tpu.memory_space<vmem>>
            %dma_wait3A_71 = tpu.memref_squeeze %dma_wait3A_70 : memref<1x128xi32, #tpu.memory_space<vmem>> -> memref<128xi32, #tpu.memory_space<vmem>>
            %dma_wait3A_72 = arith.constant 0 : i32
            %dma_wait3A_73 = arith.constant 0 : i32
            %dma_wait3A_74 = tpu.memref_slice %arg11[%dma_wait3A_72, %dma_wait3A_73] : memref<10240x128xf32, #tpu.memory_space<vmem_shared>> -> memref<10240x128xf32, #tpu.memory_space<vmem_shared>>
            tpu.wait_indirect_dma semaphore(%run_scoped3A : memref<!tpu.dma_semaphore, #tpu.memory_space<semaphore_mem>>) src(%arg9 : memref<128x128xf32, #tpu.memory_space<vmem>>) dst(%dma_wait3A_74 : memref<10240x128xf32, #tpu.memory_space<vmem_shared>>)
            tpu.yield
          }) : () -> ()
          %add3A_47 = arith.constant 2 : i32
          %add3A_48 = arith.addi %mul3A_33, %add3A_47 : i32
          %lt3A = arith.constant 40 : i32
          %lt3A_49 = arith.cmpi slt, %add3A_48, %lt3A : i32
          %convert_element_type3A_50 = arith.extui %lt3A_49 : i1 to i32
          %cond3A_51 = arith.constant 0 : i32
          %cond3A_52 = arith.cmpi ne, %convert_element_type3A_50, %cond3A_51 : i32
          scf.if %cond3A_52 {
            %add3A_63 = arith.constant 2 : i32
            %add3A_64 = arith.addi %mul3A_33, %add3A_63 : i32
            %dma_start3A_65 = arith.constant 0 : i32
            %dma_start3A_66 = tpu.memref_slice %arg7[%add3A_64, %dma_start3A_65] : memref<40x128xi32, #tpu.memory_space<vmem>> -> memref<1x128xi32, #tpu.memory_space<vmem>>
            %dma_start3A_67 = tpu.memref_squeeze %dma_start3A_66 : memref<1x128xi32, #tpu.memory_space<vmem>> -> memref<128xi32, #tpu.memory_space<vmem>>
            %dma_start3A_68 = arith.constant 0 : i32
            %dma_start3A_69 = arith.constant 0 : i32
            %dma_start3A_70 = tpu.memref_slice %arg2[%dma_start3A_68, %dma_start3A_69] : memref<10240x128xf32, #tpu.memory_space<hbm>> -> memref<10240x128xf32, #tpu.memory_space<hbm>>
            tpu.enqueue_indirect_dma source(%dma_start3A_70 : memref<10240x128xf32, #tpu.memory_space<hbm>>) target(%arg9 : memref<128x128xf32, #tpu.memory_space<vmem>>) offsets(%dma_start3A_67 : memref<128xi32, #tpu.memory_space<vmem>>) semaphore(%arg12 : memref<!tpu.dma_semaphore, #tpu.memory_space<semaphore_mem>>)
          } else {
          }
          %add3A_53 = arith.constant 1 : i32
          %add3A_54 = arith.addi %mul3A_33, %add3A_53 : i32
          %dma_wait3A_55 = arith.constant 0 : i32
          %dma_wait3A_56 = tpu.memref_slice %arg7[%add3A_54, %dma_wait3A_55] : memref<40x128xi32, #tpu.memory_space<vmem>> -> memref<1x128xi32, #tpu.memory_space<vmem>>
          %dma_wait3A_57 = tpu.memref_squeeze %dma_wait3A_56 : memref<1x128xi32, #tpu.memory_space<vmem>> -> memref<128xi32, #tpu.memory_space<vmem>>
          %dma_wait3A_58 = arith.constant 0 : i32
          %dma_wait3A_59 = arith.constant 0 : i32
          %dma_wait3A_60 = tpu.memref_slice %arg2[%dma_wait3A_58, %dma_wait3A_59] : memref<10240x128xf32, #tpu.memory_space<hbm>> -> memref<10240x128xf32, #tpu.memory_space<hbm>>
          tpu.wait_indirect_dma semaphore(%arg13 : memref<!tpu.dma_semaphore, #tpu.memory_space<semaphore_mem>>) src(%dma_wait3A_60 : memref<10240x128xf32, #tpu.memory_space<hbm>>) dst(%arg10 : memref<128x128xf32, #tpu.memory_space<vmem>>)
          %add3A_61 = arith.constant 1 : i32
          %add3A_62 = arith.addi %mul3A_33, %add3A_61 : i32
          "tpu.region"() ({
            %run_scoped3A = tpu.sem_alloc : memref<!tpu.dma_semaphore, #tpu.memory_space<semaphore_mem>>
            %dma_start3A_63 = arith.constant 0 : i32
            %dma_start3A_64 = tpu.memref_slice %arg8[%add3A_62, %dma_start3A_63] : memref<40x128xi32, #tpu.memory_space<vmem>> -> memref<1x128xi32, #tpu.memory_space<vmem>>
            %dma_start3A_65 = tpu.memref_squeeze %dma_start3A_64 : memref<1x128xi32, #tpu.memory_space<vmem>> -> memref<128xi32, #tpu.memory_space<vmem>>
            %dma_start3A_66 = arith.constant 0 : i32
            %dma_start3A_67 = arith.constant 0 : i32
            %dma_start3A_68 = tpu.memref_slice %arg11[%dma_start3A_66, %dma_start3A_67] : memref<10240x128xf32, #tpu.memory_space<vmem_shared>> -> memref<10240x128xf32, #tpu.memory_space<vmem_shared>>
            tpu.enqueue_indirect_dma source(%arg10 : memref<128x128xf32, #tpu.memory_space<vmem>>) target(%dma_start3A_68 : memref<10240x128xf32, #tpu.memory_space<vmem_shared>>) offsets(%dma_start3A_65 : memref<128xi32, #tpu.memory_space<vmem>>) semaphore(%run_scoped3A : memref<!tpu.dma_semaphore, #tpu.memory_space<semaphore_mem>>) {add = true}
            %dma_wait3A_69 = arith.constant 0 : i32
            %dma_wait3A_70 = tpu.memref_slice %arg8[%add3A_62, %dma_wait3A_69] : memref<40x128xi32, #tpu.memory_space<vmem>> -> memref<1x128xi32, #tpu.memory_space<vmem>>
            %dma_wait3A_71 = tpu.memref_squeeze %dma_wait3A_70 : memref<1x128xi32, #tpu.memory_space<vmem>> -> memref<128xi32, #tpu.memory_space<vmem>>
            %dma_wait3A_72 = arith.constant 0 : i32
            %dma_wait3A_73 = arith.constant 0 : i32
            %dma_wait3A_74 = tpu.memref_slice %arg11[%dma_wait3A_72, %dma_wait3A_73] : memref<10240x128xf32, #tpu.memory_space<vmem_shared>> -> memref<10240x128xf32, #tpu.memory_space<vmem_shared>>
            tpu.wait_indirect_dma semaphore(%run_scoped3A : memref<!tpu.dma_semaphore, #tpu.memory_space<semaphore_mem>>) src(%arg10 : memref<128x128xf32, #tpu.memory_space<vmem>>) dst(%dma_wait3A_74 : memref<10240x128xf32, #tpu.memory_space<vmem_shared>>)
            tpu.yield
          }) : () -> ()
        }
        %scan3A_30 = arith.constant 20 : i32
      }
      %scan3A_13 = arith.constant 3 : i32
    } else {
    }
    %eq3A_3 = arith.constant 1 : i32
    %eq3A_4 = arith.cmpi eq, %arg0, %eq3A_3 : i32
    %convert_element_type3A_5 = arith.extui %eq3A_4 : i1 to i32
    %cond3A_6 = arith.constant 0 : i32
    %cond3A_7 = arith.cmpi ne, %convert_element_type3A_5, %cond3A_6 : i32
    scf.if %cond3A_7 {
      %mul3A_9 = arith.constant 40 : i32
      %mul3A_10 = arith.muli %arg1, %mul3A_9 : i32
      %add3A = arith.constant 1920 : i32
      %add3A_11 = arith.addi %add3A, %mul3A_10 : i32
      %multiple_of3A = tpu.assume_multiple %add3A_11, 8 : i32
      "tpu.region"() ({
        %run_scoped3A = tpu.sem_alloc : memref<!tpu.dma_semaphore, #tpu.memory_space<semaphore_mem>>
        %dma_start3A = arith.constant 0 : i32
        %dma_start3A_17 = tpu.memref_slice %arg3[%multiple_of3A, %dma_start3A] : memref<2560x128xi32, #tpu.memory_space<hbm>> -> memref<40x128xi32, #tpu.memory_space<hbm>>
        %dma_start3A_18 = arith.constant 0 : i32
        %dma_start3A_19 = tpu.memref_slice %arg3[%multiple_of3A, %dma_start3A_18] : memref<2560x128xi32, #tpu.memory_space<hbm>> -> memref<40x128xi32, #tpu.memory_space<hbm>>
        tpu.enqueue_dma source(%dma_start3A_19 : memref<40x128xi32, #tpu.memory_space<hbm>>) target(%arg7 : memref<40x128xi32, #tpu.memory_space<vmem>>) target_semaphore(%run_scoped3A : memref<!tpu.dma_semaphore, #tpu.memory_space<semaphore_mem>>)
        %dma_wait3A = arith.constant 0 : i32
        %dma_wait3A_20 = tpu.memref_slice %arg3[%multiple_of3A, %dma_wait3A] : memref<2560x128xi32, #tpu.memory_space<hbm>> -> memref<40x128xi32, #tpu.memory_space<hbm>>
        %dma_wait3A_21 = arith.constant 0 : i32
        %dma_wait3A_22 = tpu.memref_slice %arg3[%multiple_of3A, %dma_wait3A_21] : memref<2560x128xi32, #tpu.memory_space<hbm>> -> memref<40x128xi32, #tpu.memory_space<hbm>>
        tpu.wait_dma2 semaphore(%run_scoped3A : memref<!tpu.dma_semaphore, #tpu.memory_space<semaphore_mem>>) src(%dma_wait3A_22 : memref<40x128xi32, #tpu.memory_space<hbm>>) dst(%arg7 : memref<40x128xi32, #tpu.memory_space<vmem>>)
        tpu.yield
      }) : () -> ()
      "tpu.region"() ({
        %run_scoped3A = tpu.sem_alloc : memref<!tpu.dma_semaphore, #tpu.memory_space<semaphore_mem>>
        %dma_start3A = arith.constant 0 : i32
        %dma_start3A_17 = tpu.memref_slice %arg4[%multiple_of3A, %dma_start3A] : memref<2560x128xi32, #tpu.memory_space<hbm>> -> memref<40x128xi32, #tpu.memory_space<hbm>>
        %dma_start3A_18 = arith.constant 0 : i32
        %dma_start3A_19 = tpu.memref_slice %arg4[%multiple_of3A, %dma_start3A_18] : memref<2560x128xi32, #tpu.memory_space<hbm>> -> memref<40x128xi32, #tpu.memory_space<hbm>>
        tpu.enqueue_dma source(%dma_start3A_19 : memref<40x128xi32, #tpu.memory_space<hbm>>) target(%arg8 : memref<40x128xi32, #tpu.memory_space<vmem>>) target_semaphore(%run_scoped3A : memref<!tpu.dma_semaphore, #tpu.memory_space<semaphore_mem>>)
        %dma_wait3A = arith.constant 0 : i32
        %dma_wait3A_20 = tpu.memref_slice %arg4[%multiple_of3A, %dma_wait3A] : memref<2560x128xi32, #tpu.memory_space<hbm>> -> memref<40x128xi32, #tpu.memory_space<hbm>>
        %dma_wait3A_21 = arith.constant 0 : i32
        %dma_wait3A_22 = tpu.memref_slice %arg4[%multiple_of3A, %dma_wait3A_21] : memref<2560x128xi32, #tpu.memory_space<hbm>> -> memref<40x128xi32, #tpu.memory_space<hbm>>
        tpu.wait_dma2 semaphore(%run_scoped3A : memref<!tpu.dma_semaphore, #tpu.memory_space<semaphore_mem>>) src(%dma_wait3A_22 : memref<40x128xi32, #tpu.memory_space<hbm>>) dst(%arg8 : memref<40x128xi32, #tpu.memory_space<vmem>>)
        tpu.yield
      }) : () -> ()
      %scan3A = arith.constant 0 : i32
      %scan3A_12 = arith.constant 0 : i32
      %scan3A_13 = arith.constant 40 : i32
      %scan3A_14 = arith.addi %scan3A_12, %scan3A_13 : i32
      %scan3A_15 = arith.constant 1 : i32
      scf.for %scan3A_17 = %scan3A_12 to %scan3A_14 step %scan3A_15  : i32 {
        %dma_start3A = arith.constant 0 : i32
        %dma_start3A_18 = tpu.memref_slice %arg7[%scan3A_17, %dma_start3A] : memref<40x128xi32, #tpu.memory_space<vmem>> -> memref<1x128xi32, #tpu.memory_space<vmem>>
        %dma_start3A_19 = tpu.memref_squeeze %dma_start3A_18 : memref<1x128xi32, #tpu.memory_space<vmem>> -> memref<128xi32, #tpu.memory_space<vmem>>
        %dma_start3A_20 = arith.constant 0 : i32
        %dma_start3A_21 = arith.constant 0 : i32
        %dma_start3A_22 = tpu.memref_slice %arg2[%dma_start3A_20, %dma_start3A_21] : memref<10240x128xf32, #tpu.memory_space<hbm>> -> memref<10240x128xf32, #tpu.memory_space<hbm>>
        tpu.enqueue_indirect_dma source(%dma_start3A_22 : memref<10240x128xf32, #tpu.memory_space<hbm>>) target(%arg9 : memref<128x128xf32, #tpu.memory_space<vmem>>) offsets(%dma_start3A_19 : memref<128xi32, #tpu.memory_space<vmem>>) semaphore(%arg12 : memref<!tpu.dma_semaphore, #tpu.memory_space<semaphore_mem>>)
        %dma_wait3A = arith.constant 0 : i32
        %dma_wait3A_23 = tpu.memref_slice %arg7[%scan3A_17, %dma_wait3A] : memref<40x128xi32, #tpu.memory_space<vmem>> -> memref<1x128xi32, #tpu.memory_space<vmem>>
        %dma_wait3A_24 = tpu.memref_squeeze %dma_wait3A_23 : memref<1x128xi32, #tpu.memory_space<vmem>> -> memref<128xi32, #tpu.memory_space<vmem>>
        %dma_wait3A_25 = arith.constant 0 : i32
        %dma_wait3A_26 = arith.constant 0 : i32
        %dma_wait3A_27 = tpu.memref_slice %arg2[%dma_wait3A_25, %dma_wait3A_26] : memref<10240x128xf32, #tpu.memory_space<hbm>> -> memref<10240x128xf32, #tpu.memory_space<hbm>>
        tpu.wait_indirect_dma semaphore(%arg12 : memref<!tpu.dma_semaphore, #tpu.memory_space<semaphore_mem>>) src(%dma_wait3A_27 : memref<10240x128xf32, #tpu.memory_space<hbm>>) dst(%arg9 : memref<128x128xf32, #tpu.memory_space<vmem>>)
        "tpu.region"() ({
          %run_scoped3A = tpu.sem_alloc : memref<!tpu.dma_semaphore, #tpu.memory_space<semaphore_mem>>
          %dma_start3A_28 = arith.constant 0 : i32
          %dma_start3A_29 = tpu.memref_slice %arg8[%scan3A_17, %dma_start3A_28] : memref<40x128xi32, #tpu.memory_space<vmem>> -> memref<1x128xi32, #tpu.memory_space<vmem>>
          %dma_start3A_30 = tpu.memref_squeeze %dma_start3A_29 : memref<1x128xi32, #tpu.memory_space<vmem>> -> memref<128xi32, #tpu.memory_space<vmem>>
          %dma_start3A_31 = arith.constant 0 : i32
          %dma_start3A_32 = arith.constant 0 : i32
          %dma_start3A_33 = tpu.memref_slice %arg11[%dma_start3A_31, %dma_start3A_32] : memref<10240x128xf32, #tpu.memory_space<vmem_shared>> -> memref<10240x128xf32, #tpu.memory_space<vmem_shared>>
          tpu.enqueue_indirect_dma source(%arg9 : memref<128x128xf32, #tpu.memory_space<vmem>>) target(%dma_start3A_33 : memref<10240x128xf32, #tpu.memory_space<vmem_shared>>) offsets(%dma_start3A_30 : memref<128xi32, #tpu.memory_space<vmem>>) semaphore(%run_scoped3A : memref<!tpu.dma_semaphore, #tpu.memory_space<semaphore_mem>>) {add = true}
          %dma_wait3A_34 = arith.constant 0 : i32
          %dma_wait3A_35 = tpu.memref_slice %arg8[%scan3A_17, %dma_wait3A_34] : memref<40x128xi32, #tpu.memory_space<vmem>> -> memref<1x128xi32, #tpu.memory_space<vmem>>
          %dma_wait3A_36 = tpu.memref_squeeze %dma_wait3A_35 : memref<1x128xi32, #tpu.memory_space<vmem>> -> memref<128xi32, #tpu.memory_space<vmem>>
          %dma_wait3A_37 = arith.constant 0 : i32
          %dma_wait3A_38 = arith.constant 0 : i32
          %dma_wait3A_39 = tpu.memref_slice %arg11[%dma_wait3A_37, %dma_wait3A_38] : memref<10240x128xf32, #tpu.memory_space<vmem_shared>> -> memref<10240x128xf32, #tpu.memory_space<vmem_shared>>
          tpu.wait_indirect_dma semaphore(%run_scoped3A : memref<!tpu.dma_semaphore, #tpu.memory_space<semaphore_mem>>) src(%arg9 : memref<128x128xf32, #tpu.memory_space<vmem>>) dst(%dma_wait3A_39 : memref<10240x128xf32, #tpu.memory_space<vmem_shared>>)
          tpu.yield
        }) : () -> ()
      }
      %scan3A_16 = arith.constant 40 : i32
    } else {
    }
    %barrier3A_8 = arith.constant 0 : index
    tpu.barrier barrier_id(%barrier3A_8)
    "tpu.region"() ({
      %run_scoped3A = tpu.sem_alloc : memref<!tpu.dma_semaphore, #tpu.memory_space<semaphore_mem>>
      %dma_start3A = arith.constant 0 : i32
      %dma_start3A_9 = tpu.memref_slice %arg6[%arg0, %mul3A_0, %dma_start3A] : memref<2x10240x128xf32, #tpu.memory_space<hbm>> -> memref<1x640x128xf32, #tpu.memory_space<hbm>>
      %dma_start3A_10 = tpu.memref_squeeze %dma_start3A_9 : memref<1x640x128xf32, #tpu.memory_space<hbm>> -> memref<640x128xf32, #tpu.memory_space<hbm>>
      %dma_start3A_11 = arith.constant 0 : i32
      %dma_start3A_12 = tpu.memref_slice %arg11[%mul3A_0, %dma_start3A_11] : memref<10240x128xf32, #tpu.memory_space<vmem_shared>> -> memref<640x128xf32, #tpu.memory_space<vmem_shared>>
      tpu.enqueue_dma source(%dma_start3A_12 : memref<640x128xf32, #tpu.memory_space<vmem_shared>>) target(%dma_start3A_10 : memref<640x128xf32, #tpu.memory_space<hbm>>) target_semaphore(%run_scoped3A : memref<!tpu.dma_semaphore, #tpu.memory_space<semaphore_mem>>)
      %dma_wait3A = arith.constant 0 : i32
      %dma_wait3A_13 = tpu.memref_slice %arg6[%arg0, %mul3A_0, %dma_wait3A] : memref<2x10240x128xf32, #tpu.memory_space<hbm>> -> memref<1x640x128xf32, #tpu.memory_space<hbm>>
      %dma_wait3A_14 = tpu.memref_squeeze %dma_wait3A_13 : memref<1x640x128xf32, #tpu.memory_space<hbm>> -> memref<640x128xf32, #tpu.memory_space<hbm>>
      %dma_wait3A_15 = arith.constant 0 : i32
      %dma_wait3A_16 = tpu.memref_slice %arg11[%mul3A_0, %dma_wait3A_15] : memref<10240x128xf32, #tpu.memory_space<vmem_shared>> -> memref<640x128xf32, #tpu.memory_space<vmem_shared>>
      tpu.wait_dma2 semaphore(%run_scoped3A : memref<!tpu.dma_semaphore, #tpu.memory_space<semaphore_mem>>) src(%dma_wait3A_16 : memref<640x128xf32, #tpu.memory_space<vmem_shared>>) dst(%dma_wait3A_14 : memref<640x128xf32, #tpu.memory_space<hbm>>)
      tpu.yield
    }) : () -> ()
    return
  }
}

#map = affine_map<(d0, d1) -> (0, 0)>
#map1 = affine_map<(d0, d1) -> (0, 0, 0)>
module attributes {stable_mosaic.version = 14 : i64} {
  func.func @_spass_body(%arg0: i32, %arg1: i32, %arg2: memref<10240x128xf32, #tpu.memory_space<hbm>>, %arg3: memref<2560x128xi32, #tpu.memory_space<hbm>>, %arg4: memref<2560x128xi32, #tpu.memory_space<hbm>>, %arg5: memref<10240x128xf32, #tpu.memory_space<hbm>>, %arg6: memref<2x10240x128xf32, #tpu.memory_space<hbm>>, %arg7: memref<40x128xi32, #tpu.memory_space<vmem>>, %arg8: memref<40x128xi32, #tpu.memory_space<vmem>>, %arg9: memref<128x128xf32, #tpu.memory_space<vmem>>, %arg10: memref<128x128xf32, #tpu.memory_space<vmem>>, %arg11: memref<10240x128xf32, #tpu.memory_space<vmem_shared>>, %arg12: memref<!tpu.dma_semaphore, #tpu.memory_space<semaphore_mem>>, %arg13: memref<!tpu.dma_semaphore, #tpu.memory_space<semaphore_mem>>) attributes {dimension_semantics = [#tpu.dimension_semantics<core_parallel>, #tpu.dimension_semantics<subcore_parallel>], iteration_bounds = array<i64: 2, 16>, scalar_prefetch = 0 : i64, scratch_operands = 7 : i64, tpu.core_type = #tpu.core_type<sc_vector_subcore>, window_params = [{transform_indices = #map}, {transform_indices = #map}, {transform_indices = #map}, {transform_indices = #map}, {transform_indices = #map1}]} {
    %mul3A = arith.constant 640 : i32
    %mul3A_0 = arith.muli %arg1, %mul3A : i32
    "tpu.region"() ({
      %run_scoped3A = tpu.sem_alloc : memref<!tpu.dma_semaphore, #tpu.memory_space<semaphore_mem>>
      %dma_start3A = arith.constant 0 : i32
      %dma_start3A_9 = tpu.memref_slice %arg11[%mul3A_0, %dma_start3A] : memref<10240x128xf32, #tpu.memory_space<vmem_shared>> -> memref<640x128xf32, #tpu.memory_space<vmem_shared>>
      %dma_start3A_10 = arith.constant 0 : i32
      %dma_start3A_11 = tpu.memref_slice %arg5[%mul3A_0, %dma_start3A_10] : memref<10240x128xf32, #tpu.memory_space<hbm>> -> memref<640x128xf32, #tpu.memory_space<hbm>>
      tpu.enqueue_dma source(%dma_start3A_11 : memref<640x128xf32, #tpu.memory_space<hbm>>) target(%dma_start3A_9 : memref<640x128xf32, #tpu.memory_space<vmem_shared>>) target_semaphore(%run_scoped3A : memref<!tpu.dma_semaphore, #tpu.memory_space<semaphore_mem>>)
      %dma_wait3A = arith.constant 0 : i32
      %dma_wait3A_12 = tpu.memref_slice %arg11[%mul3A_0, %dma_wait3A] : memref<10240x128xf32, #tpu.memory_space<vmem_shared>> -> memref<640x128xf32, #tpu.memory_space<vmem_shared>>
      %dma_wait3A_13 = arith.constant 0 : i32
      %dma_wait3A_14 = tpu.memref_slice %arg5[%mul3A_0, %dma_wait3A_13] : memref<10240x128xf32, #tpu.memory_space<hbm>> -> memref<640x128xf32, #tpu.memory_space<hbm>>
      tpu.wait_dma2 semaphore(%run_scoped3A : memref<!tpu.dma_semaphore, #tpu.memory_space<semaphore_mem>>) src(%dma_wait3A_14 : memref<640x128xf32, #tpu.memory_space<hbm>>) dst(%dma_wait3A_12 : memref<640x128xf32, #tpu.memory_space<vmem_shared>>)
      tpu.yield
    }) : () -> ()
    %barrier3A = arith.constant 0 : index
    tpu.barrier barrier_id(%barrier3A)
    %eq3A = arith.constant 0 : i32
    %eq3A_1 = arith.cmpi eq, %arg0, %eq3A : i32
    %convert_element_type3A = arith.extui %eq3A_1 : i1 to i32
    %cond3A = arith.constant 0 : i32
    %cond3A_2 = arith.cmpi ne, %convert_element_type3A, %cond3A : i32
    scf.if %cond3A_2 {
      %scan3A = arith.constant 0 : i32
      %scan3A_9 = arith.constant 0 : i32
      %scan3A_10 = arith.constant 3 : i32
      %scan3A_11 = arith.addi %scan3A_9, %scan3A_10 : i32
      %scan3A_12 = arith.constant 1 : i32
      scf.for %scan3A_14 = %scan3A_9 to %scan3A_11 step %scan3A_12  : i32 {
        %mul3A_15 = arith.constant 120 : i32
        %mul3A_16 = arith.muli %arg1, %mul3A_15 : i32
        %mul3A_17 = arith.constant 40 : i32
        %mul3A_18 = arith.muli %scan3A_14, %mul3A_17 : i32
        %add3A = arith.addi %mul3A_16, %mul3A_18 : i32
        %multiple_of3A = tpu.assume_multiple %add3A, 8 : i32
        "tpu.region"() ({
          %run_scoped3A = tpu.sem_alloc : memref<!tpu.dma_semaphore, #tpu.memory_space<semaphore_mem>>
          %dma_start3A_31 = arith.constant 0 : i32
          %dma_start3A_32 = tpu.memref_slice %arg3[%multiple_of3A, %dma_start3A_31] : memref<2560x128xi32, #tpu.memory_space<hbm>> -> memref<40x128xi32, #tpu.memory_space<hbm>>
          %dma_start3A_33 = arith.constant 0 : i32
          %dma_start3A_34 = tpu.memref_slice %arg3[%multiple_of3A, %dma_start3A_33] : memref<2560x128xi32, #tpu.memory_space<hbm>> -> memref<40x128xi32, #tpu.memory_space<hbm>>
          tpu.enqueue_dma source(%dma_start3A_34 : memref<40x128xi32, #tpu.memory_space<hbm>>) target(%arg7 : memref<40x128xi32, #tpu.memory_space<vmem>>) target_semaphore(%run_scoped3A : memref<!tpu.dma_semaphore, #tpu.memory_space<semaphore_mem>>)
          %dma_wait3A = arith.constant 0 : i32
          %dma_wait3A_35 = tpu.memref_slice %arg3[%multiple_of3A, %dma_wait3A] : memref<2560x128xi32, #tpu.memory_space<hbm>> -> memref<40x128xi32, #tpu.memory_space<hbm>>
          %dma_wait3A_36 = arith.constant 0 : i32
          %dma_wait3A_37 = tpu.memref_slice %arg3[%multiple_of3A, %dma_wait3A_36] : memref<2560x128xi32, #tpu.memory_space<hbm>> -> memref<40x128xi32, #tpu.memory_space<hbm>>
          tpu.wait_dma2 semaphore(%run_scoped3A : memref<!tpu.dma_semaphore, #tpu.memory_space<semaphore_mem>>) src(%dma_wait3A_37 : memref<40x128xi32, #tpu.memory_space<hbm>>) dst(%arg7 : memref<40x128xi32, #tpu.memory_space<vmem>>)
          tpu.yield
        }) : () -> ()
        "tpu.region"() ({
          %run_scoped3A = tpu.sem_alloc : memref<!tpu.dma_semaphore, #tpu.memory_space<semaphore_mem>>
          %dma_start3A_31 = arith.constant 0 : i32
          %dma_start3A_32 = tpu.memref_slice %arg4[%multiple_of3A, %dma_start3A_31] : memref<2560x128xi32, #tpu.memory_space<hbm>> -> memref<40x128xi32, #tpu.memory_space<hbm>>
          %dma_start3A_33 = arith.constant 0 : i32
          %dma_start3A_34 = tpu.memref_slice %arg4[%multiple_of3A, %dma_start3A_33] : memref<2560x128xi32, #tpu.memory_space<hbm>> -> memref<40x128xi32, #tpu.memory_space<hbm>>
          tpu.enqueue_dma source(%dma_start3A_34 : memref<40x128xi32, #tpu.memory_space<hbm>>) target(%arg8 : memref<40x128xi32, #tpu.memory_space<vmem>>) target_semaphore(%run_scoped3A : memref<!tpu.dma_semaphore, #tpu.memory_space<semaphore_mem>>)
          %dma_wait3A = arith.constant 0 : i32
          %dma_wait3A_35 = tpu.memref_slice %arg4[%multiple_of3A, %dma_wait3A] : memref<2560x128xi32, #tpu.memory_space<hbm>> -> memref<40x128xi32, #tpu.memory_space<hbm>>
          %dma_wait3A_36 = arith.constant 0 : i32
          %dma_wait3A_37 = tpu.memref_slice %arg4[%multiple_of3A, %dma_wait3A_36] : memref<2560x128xi32, #tpu.memory_space<hbm>> -> memref<40x128xi32, #tpu.memory_space<hbm>>
          tpu.wait_dma2 semaphore(%run_scoped3A : memref<!tpu.dma_semaphore, #tpu.memory_space<semaphore_mem>>) src(%dma_wait3A_37 : memref<40x128xi32, #tpu.memory_space<hbm>>) dst(%arg8 : memref<40x128xi32, #tpu.memory_space<vmem>>)
          tpu.yield
        }) : () -> ()
        %dma_start3A = arith.constant 0 : i32
        %dma_start3A_19 = arith.constant 0 : i32
        %dma_start3A_20 = tpu.memref_slice %arg7[%dma_start3A, %dma_start3A_19] : memref<40x128xi32, #tpu.memory_space<vmem>> -> memref<1x128xi32, #tpu.memory_space<vmem>>
        %dma_start3A_21 = tpu.memref_squeeze %dma_start3A_20 : memref<1x128xi32, #tpu.memory_space<vmem>> -> memref<128xi32, #tpu.memory_space<vmem>>
        %dma_start3A_22 = arith.constant 0 : i32
        %dma_start3A_23 = arith.constant 0 : i32
        %dma_start3A_24 = tpu.memref_slice %arg2[%dma_start3A_22, %dma_start3A_23] : memref<10240x128xf32, #tpu.memory_space<hbm>> -> memref<10240x128xf32, #tpu.memory_space<hbm>>
        tpu.enqueue_indirect_dma source(%dma_start3A_24 : memref<10240x128xf32, #tpu.memory_space<hbm>>) target(%arg9 : memref<128x128xf32, #tpu.memory_space<vmem>>) offsets(%dma_start3A_21 : memref<128xi32, #tpu.memory_space<vmem>>) semaphore(%arg12 : memref<!tpu.dma_semaphore, #tpu.memory_space<semaphore_mem>>)
        %scan3A_25 = arith.constant 0 : i32
        %scan3A_26 = arith.constant 0 : i32
        %scan3A_27 = arith.constant 20 : i32
        %scan3A_28 = arith.addi %scan3A_26, %scan3A_27 : i32
        %scan3A_29 = arith.constant 1 : i32
        scf.for %scan3A_31 = %scan3A_26 to %scan3A_28 step %scan3A_29  : i32 {
          %mul3A_32 = arith.constant 2 : i32
          %mul3A_33 = arith.muli %mul3A_32, %scan3A_31 : i32
          %add3A_34 = arith.constant 1 : i32
          %add3A_35 = arith.addi %mul3A_33, %add3A_34 : i32
          %dma_start3A_36 = arith.constant 0 : i32
          %dma_start3A_37 = tpu.memref_slice %arg7[%add3A_35, %dma_start3A_36] : memref<40x128xi32, #tpu.memory_space<vmem>> -> memref<1x128xi32, #tpu.memory_space<vmem>>
          %dma_start3A_38 = tpu.memref_squeeze %dma_start3A_37 : memref<1x128xi32, #tpu.memory_space<vmem>> -> memref<128xi32, #tpu.memory_space<vmem>>
          %dma_start3A_39 = arith.constant 0 : i32
          %dma_start3A_40 = arith.constant 0 : i32
          %dma_start3A_41 = tpu.memref_slice %arg2[%dma_start3A_39, %dma_start3A_40] : memref<10240x128xf32, #tpu.memory_space<hbm>> -> memref<10240x128xf32, #tpu.memory_space<hbm>>
          tpu.enqueue_indirect_dma source(%dma_start3A_41 : memref<10240x128xf32, #tpu.memory_space<hbm>>) target(%arg10 : memref<128x128xf32, #tpu.memory_space<vmem>>) offsets(%dma_start3A_38 : memref<128xi32, #tpu.memory_space<vmem>>) semaphore(%arg13 : memref<!tpu.dma_semaphore, #tpu.memory_space<semaphore_mem>>)
          %dma_wait3A = arith.constant 0 : i32
          %dma_wait3A_42 = tpu.memref_slice %arg7[%mul3A_33, %dma_wait3A] : memref<40x128xi32, #tpu.memory_space<vmem>> -> memref<1x128xi32, #tpu.memory_space<vmem>>
          %dma_wait3A_43 = tpu.memref_squeeze %dma_wait3A_42 : memref<1x128xi32, #tpu.memory_space<vmem>> -> memref<128xi32, #tpu.memory_space<vmem>>
          %dma_wait3A_44 = arith.constant 0 : i32
          %dma_wait3A_45 = arith.constant 0 : i32
          %dma_wait3A_46 = tpu.memref_slice %arg2[%dma_wait3A_44, %dma_wait3A_45] : memref<10240x128xf32, #tpu.memory_space<hbm>> -> memref<10240x128xf32, #tpu.memory_space<hbm>>
          tpu.wait_indirect_dma semaphore(%arg12 : memref<!tpu.dma_semaphore, #tpu.memory_space<semaphore_mem>>) src(%dma_wait3A_46 : memref<10240x128xf32, #tpu.memory_space<hbm>>) dst(%arg9 : memref<128x128xf32, #tpu.memory_space<vmem>>)
          "tpu.region"() ({
            %run_scoped3A = tpu.sem_alloc : memref<!tpu.dma_semaphore, #tpu.memory_space<semaphore_mem>>
            %dma_start3A_63 = arith.constant 0 : i32
            %dma_start3A_64 = tpu.memref_slice %arg8[%mul3A_33, %dma_start3A_63] : memref<40x128xi32, #tpu.memory_space<vmem>> -> memref<1x128xi32, #tpu.memory_space<vmem>>
            %dma_start3A_65 = tpu.memref_squeeze %dma_start3A_64 : memref<1x128xi32, #tpu.memory_space<vmem>> -> memref<128xi32, #tpu.memory_space<vmem>>
            %dma_start3A_66 = arith.constant 0 : i32
            %dma_start3A_67 = arith.constant 0 : i32
            %dma_start3A_68 = tpu.memref_slice %arg11[%dma_start3A_66, %dma_start3A_67] : memref<10240x128xf32, #tpu.memory_space<vmem_shared>> -> memref<10240x128xf32, #tpu.memory_space<vmem_shared>>
            tpu.enqueue_indirect_dma source(%arg9 : memref<128x128xf32, #tpu.memory_space<vmem>>) target(%dma_start3A_68 : memref<10240x128xf32, #tpu.memory_space<vmem_shared>>) offsets(%dma_start3A_65 : memref<128xi32, #tpu.memory_space<vmem>>) semaphore(%run_scoped3A : memref<!tpu.dma_semaphore, #tpu.memory_space<semaphore_mem>>) {add = true}
            %dma_wait3A_69 = arith.constant 0 : i32
            %dma_wait3A_70 = tpu.memref_slice %arg8[%mul3A_33, %dma_wait3A_69] : memref<40x128xi32, #tpu.memory_space<vmem>> -> memref<1x128xi32, #tpu.memory_space<vmem>>
            %dma_wait3A_71 = tpu.memref_squeeze %dma_wait3A_70 : memref<1x128xi32, #tpu.memory_space<vmem>> -> memref<128xi32, #tpu.memory_space<vmem>>
            %dma_wait3A_72 = arith.constant 0 : i32
            %dma_wait3A_73 = arith.constant 0 : i32
            %dma_wait3A_74 = tpu.memref_slice %arg11[%dma_wait3A_72, %dma_wait3A_73] : memref<10240x128xf32, #tpu.memory_space<vmem_shared>> -> memref<10240x128xf32, #tpu.memory_space<vmem_shared>>
            tpu.wait_indirect_dma semaphore(%run_scoped3A : memref<!tpu.dma_semaphore, #tpu.memory_space<semaphore_mem>>) src(%arg9 : memref<128x128xf32, #tpu.memory_space<vmem>>) dst(%dma_wait3A_74 : memref<10240x128xf32, #tpu.memory_space<vmem_shared>>)
            tpu.yield
          }) : () -> ()
          %add3A_47 = arith.constant 2 : i32
          %add3A_48 = arith.addi %mul3A_33, %add3A_47 : i32
          %lt3A = arith.constant 40 : i32
          %lt3A_49 = arith.cmpi slt, %add3A_48, %lt3A : i32
          %convert_element_type3A_50 = arith.extui %lt3A_49 : i1 to i32
          %cond3A_51 = arith.constant 0 : i32
          %cond3A_52 = arith.cmpi ne, %convert_element_type3A_50, %cond3A_51 : i32
          scf.if %cond3A_52 {
            %add3A_63 = arith.constant 2 : i32
            %add3A_64 = arith.addi %mul3A_33, %add3A_63 : i32
            %dma_start3A_65 = arith.constant 0 : i32
            %dma_start3A_66 = tpu.memref_slice %arg7[%add3A_64, %dma_start3A_65] : memref<40x128xi32, #tpu.memory_space<vmem>> -> memref<1x128xi32, #tpu.memory_space<vmem>>
            %dma_start3A_67 = tpu.memref_squeeze %dma_start3A_66 : memref<1x128xi32, #tpu.memory_space<vmem>> -> memref<128xi32, #tpu.memory_space<vmem>>
            %dma_start3A_68 = arith.constant 0 : i32
            %dma_start3A_69 = arith.constant 0 : i32
            %dma_start3A_70 = tpu.memref_slice %arg2[%dma_start3A_68, %dma_start3A_69] : memref<10240x128xf32, #tpu.memory_space<hbm>> -> memref<10240x128xf32, #tpu.memory_space<hbm>>
            tpu.enqueue_indirect_dma source(%dma_start3A_70 : memref<10240x128xf32, #tpu.memory_space<hbm>>) target(%arg9 : memref<128x128xf32, #tpu.memory_space<vmem>>) offsets(%dma_start3A_67 : memref<128xi32, #tpu.memory_space<vmem>>) semaphore(%arg12 : memref<!tpu.dma_semaphore, #tpu.memory_space<semaphore_mem>>)
          } else {
          }
          %add3A_53 = arith.constant 1 : i32
          %add3A_54 = arith.addi %mul3A_33, %add3A_53 : i32
          %dma_wait3A_55 = arith.constant 0 : i32
          %dma_wait3A_56 = tpu.memref_slice %arg7[%add3A_54, %dma_wait3A_55] : memref<40x128xi32, #tpu.memory_space<vmem>> -> memref<1x128xi32, #tpu.memory_space<vmem>>
          %dma_wait3A_57 = tpu.memref_squeeze %dma_wait3A_56 : memref<1x128xi32, #tpu.memory_space<vmem>> -> memref<128xi32, #tpu.memory_space<vmem>>
          %dma_wait3A_58 = arith.constant 0 : i32
          %dma_wait3A_59 = arith.constant 0 : i32
          %dma_wait3A_60 = tpu.memref_slice %arg2[%dma_wait3A_58, %dma_wait3A_59] : memref<10240x128xf32, #tpu.memory_space<hbm>> -> memref<10240x128xf32, #tpu.memory_space<hbm>>
          tpu.wait_indirect_dma semaphore(%arg13 : memref<!tpu.dma_semaphore, #tpu.memory_space<semaphore_mem>>) src(%dma_wait3A_60 : memref<10240x128xf32, #tpu.memory_space<hbm>>) dst(%arg10 : memref<128x128xf32, #tpu.memory_space<vmem>>)
          %add3A_61 = arith.constant 1 : i32
          %add3A_62 = arith.addi %mul3A_33, %add3A_61 : i32
          "tpu.region"() ({
            %run_scoped3A = tpu.sem_alloc : memref<!tpu.dma_semaphore, #tpu.memory_space<semaphore_mem>>
            %dma_start3A_63 = arith.constant 0 : i32
            %dma_start3A_64 = tpu.memref_slice %arg8[%add3A_62, %dma_start3A_63] : memref<40x128xi32, #tpu.memory_space<vmem>> -> memref<1x128xi32, #tpu.memory_space<vmem>>
            %dma_start3A_65 = tpu.memref_squeeze %dma_start3A_64 : memref<1x128xi32, #tpu.memory_space<vmem>> -> memref<128xi32, #tpu.memory_space<vmem>>
            %dma_start3A_66 = arith.constant 0 : i32
            %dma_start3A_67 = arith.constant 0 : i32
            %dma_start3A_68 = tpu.memref_slice %arg11[%dma_start3A_66, %dma_start3A_67] : memref<10240x128xf32, #tpu.memory_space<vmem_shared>> -> memref<10240x128xf32, #tpu.memory_space<vmem_shared>>
            tpu.enqueue_indirect_dma source(%arg10 : memref<128x128xf32, #tpu.memory_space<vmem>>) target(%dma_start3A_68 : memref<10240x128xf32, #tpu.memory_space<vmem_shared>>) offsets(%dma_start3A_65 : memref<128xi32, #tpu.memory_space<vmem>>) semaphore(%run_scoped3A : memref<!tpu.dma_semaphore, #tpu.memory_space<semaphore_mem>>) {add = true}
            %dma_wait3A_69 = arith.constant 0 : i32
            %dma_wait3A_70 = tpu.memref_slice %arg8[%add3A_62, %dma_wait3A_69] : memref<40x128xi32, #tpu.memory_space<vmem>> -> memref<1x128xi32, #tpu.memory_space<vmem>>
            %dma_wait3A_71 = tpu.memref_squeeze %dma_wait3A_70 : memref<1x128xi32, #tpu.memory_space<vmem>> -> memref<128xi32, #tpu.memory_space<vmem>>
            %dma_wait3A_72 = arith.constant 0 : i32
            %dma_wait3A_73 = arith.constant 0 : i32
            %dma_wait3A_74 = tpu.memref_slice %arg11[%dma_wait3A_72, %dma_wait3A_73] : memref<10240x128xf32, #tpu.memory_space<vmem_shared>> -> memref<10240x128xf32, #tpu.memory_space<vmem_shared>>
            tpu.wait_indirect_dma semaphore(%run_scoped3A : memref<!tpu.dma_semaphore, #tpu.memory_space<semaphore_mem>>) src(%arg10 : memref<128x128xf32, #tpu.memory_space<vmem>>) dst(%dma_wait3A_74 : memref<10240x128xf32, #tpu.memory_space<vmem_shared>>)
            tpu.yield
          }) : () -> ()
        }
        %scan3A_30 = arith.constant 20 : i32
      }
      %scan3A_13 = arith.constant 3 : i32
    } else {
    }
    %eq3A_3 = arith.constant 1 : i32
    %eq3A_4 = arith.cmpi eq, %arg0, %eq3A_3 : i32
    %convert_element_type3A_5 = arith.extui %eq3A_4 : i1 to i32
    %cond3A_6 = arith.constant 0 : i32
    %cond3A_7 = arith.cmpi ne, %convert_element_type3A_5, %cond3A_6 : i32
    scf.if %cond3A_7 {
      %mul3A_9 = arith.constant 40 : i32
      %mul3A_10 = arith.muli %arg1, %mul3A_9 : i32
      %add3A = arith.constant 1920 : i32
      %add3A_11 = arith.addi %add3A, %mul3A_10 : i32
      %multiple_of3A = tpu.assume_multiple %add3A_11, 8 : i32
      "tpu.region"() ({
        %run_scoped3A = tpu.sem_alloc : memref<!tpu.dma_semaphore, #tpu.memory_space<semaphore_mem>>
        %dma_start3A = arith.constant 0 : i32
        %dma_start3A_17 = tpu.memref_slice %arg3[%multiple_of3A, %dma_start3A] : memref<2560x128xi32, #tpu.memory_space<hbm>> -> memref<40x128xi32, #tpu.memory_space<hbm>>
        %dma_start3A_18 = arith.constant 0 : i32
        %dma_start3A_19 = tpu.memref_slice %arg3[%multiple_of3A, %dma_start3A_18] : memref<2560x128xi32, #tpu.memory_space<hbm>> -> memref<40x128xi32, #tpu.memory_space<hbm>>
        tpu.enqueue_dma source(%dma_start3A_19 : memref<40x128xi32, #tpu.memory_space<hbm>>) target(%arg7 : memref<40x128xi32, #tpu.memory_space<vmem>>) target_semaphore(%run_scoped3A : memref<!tpu.dma_semaphore, #tpu.memory_space<semaphore_mem>>)
        %dma_wait3A = arith.constant 0 : i32
        %dma_wait3A_20 = tpu.memref_slice %arg3[%multiple_of3A, %dma_wait3A] : memref<2560x128xi32, #tpu.memory_space<hbm>> -> memref<40x128xi32, #tpu.memory_space<hbm>>
        %dma_wait3A_21 = arith.constant 0 : i32
        %dma_wait3A_22 = tpu.memref_slice %arg3[%multiple_of3A, %dma_wait3A_21] : memref<2560x128xi32, #tpu.memory_space<hbm>> -> memref<40x128xi32, #tpu.memory_space<hbm>>
        tpu.wait_dma2 semaphore(%run_scoped3A : memref<!tpu.dma_semaphore, #tpu.memory_space<semaphore_mem>>) src(%dma_wait3A_22 : memref<40x128xi32, #tpu.memory_space<hbm>>) dst(%arg7 : memref<40x128xi32, #tpu.memory_space<vmem>>)
        tpu.yield
      }) : () -> ()
      "tpu.region"() ({
        %run_scoped3A = tpu.sem_alloc : memref<!tpu.dma_semaphore, #tpu.memory_space<semaphore_mem>>
        %dma_start3A = arith.constant 0 : i32
        %dma_start3A_17 = tpu.memref_slice %arg4[%multiple_of3A, %dma_start3A] : memref<2560x128xi32, #tpu.memory_space<hbm>> -> memref<40x128xi32, #tpu.memory_space<hbm>>
        %dma_start3A_18 = arith.constant 0 : i32
        %dma_start3A_19 = tpu.memref_slice %arg4[%multiple_of3A, %dma_start3A_18] : memref<2560x128xi32, #tpu.memory_space<hbm>> -> memref<40x128xi32, #tpu.memory_space<hbm>>
        tpu.enqueue_dma source(%dma_start3A_19 : memref<40x128xi32, #tpu.memory_space<hbm>>) target(%arg8 : memref<40x128xi32, #tpu.memory_space<vmem>>) target_semaphore(%run_scoped3A : memref<!tpu.dma_semaphore, #tpu.memory_space<semaphore_mem>>)
        %dma_wait3A = arith.constant 0 : i32
        %dma_wait3A_20 = tpu.memref_slice %arg4[%multiple_of3A, %dma_wait3A] : memref<2560x128xi32, #tpu.memory_space<hbm>> -> memref<40x128xi32, #tpu.memory_space<hbm>>
        %dma_wait3A_21 = arith.constant 0 : i32
        %dma_wait3A_22 = tpu.memref_slice %arg4[%multiple_of3A, %dma_wait3A_21] : memref<2560x128xi32, #tpu.memory_space<hbm>> -> memref<40x128xi32, #tpu.memory_space<hbm>>
        tpu.wait_dma2 semaphore(%run_scoped3A : memref<!tpu.dma_semaphore, #tpu.memory_space<semaphore_mem>>) src(%dma_wait3A_22 : memref<40x128xi32, #tpu.memory_space<hbm>>) dst(%arg8 : memref<40x128xi32, #tpu.memory_space<vmem>>)
        tpu.yield
      }) : () -> ()
      %scan3A = arith.constant 0 : i32
      %scan3A_12 = arith.constant 0 : i32
      %scan3A_13 = arith.constant 40 : i32
      %scan3A_14 = arith.addi %scan3A_12, %scan3A_13 : i32
      %scan3A_15 = arith.constant 1 : i32
      scf.for %scan3A_17 = %scan3A_12 to %scan3A_14 step %scan3A_15  : i32 {
        %dma_start3A = arith.constant 0 : i32
        %dma_start3A_18 = tpu.memref_slice %arg7[%scan3A_17, %dma_start3A] : memref<40x128xi32, #tpu.memory_space<vmem>> -> memref<1x128xi32, #tpu.memory_space<vmem>>
        %dma_start3A_19 = tpu.memref_squeeze %dma_start3A_18 : memref<1x128xi32, #tpu.memory_space<vmem>> -> memref<128xi32, #tpu.memory_space<vmem>>
        %dma_start3A_20 = arith.constant 0 : i32
        %dma_start3A_21 = arith.constant 0 : i32
        %dma_start3A_22 = tpu.memref_slice %arg2[%dma_start3A_20, %dma_start3A_21] : memref<10240x128xf32, #tpu.memory_space<hbm>> -> memref<10240x128xf32, #tpu.memory_space<hbm>>
        tpu.enqueue_indirect_dma source(%dma_start3A_22 : memref<10240x128xf32, #tpu.memory_space<hbm>>) target(%arg9 : memref<128x128xf32, #tpu.memory_space<vmem>>) offsets(%dma_start3A_19 : memref<128xi32, #tpu.memory_space<vmem>>) semaphore(%arg12 : memref<!tpu.dma_semaphore, #tpu.memory_space<semaphore_mem>>)
        %dma_wait3A = arith.constant 0 : i32
        %dma_wait3A_23 = tpu.memref_slice %arg7[%scan3A_17, %dma_wait3A] : memref<40x128xi32, #tpu.memory_space<vmem>> -> memref<1x128xi32, #tpu.memory_space<vmem>>
        %dma_wait3A_24 = tpu.memref_squeeze %dma_wait3A_23 : memref<1x128xi32, #tpu.memory_space<vmem>> -> memref<128xi32, #tpu.memory_space<vmem>>
        %dma_wait3A_25 = arith.constant 0 : i32
        %dma_wait3A_26 = arith.constant 0 : i32
        %dma_wait3A_27 = tpu.memref_slice %arg2[%dma_wait3A_25, %dma_wait3A_26] : memref<10240x128xf32, #tpu.memory_space<hbm>> -> memref<10240x128xf32, #tpu.memory_space<hbm>>
        tpu.wait_indirect_dma semaphore(%arg12 : memref<!tpu.dma_semaphore, #tpu.memory_space<semaphore_mem>>) src(%dma_wait3A_27 : memref<10240x128xf32, #tpu.memory_space<hbm>>) dst(%arg9 : memref<128x128xf32, #tpu.memory_space<vmem>>)
        "tpu.region"() ({
          %run_scoped3A = tpu.sem_alloc : memref<!tpu.dma_semaphore, #tpu.memory_space<semaphore_mem>>
          %dma_start3A_28 = arith.constant 0 : i32
          %dma_start3A_29 = tpu.memref_slice %arg8[%scan3A_17, %dma_start3A_28] : memref<40x128xi32, #tpu.memory_space<vmem>> -> memref<1x128xi32, #tpu.memory_space<vmem>>
          %dma_start3A_30 = tpu.memref_squeeze %dma_start3A_29 : memref<1x128xi32, #tpu.memory_space<vmem>> -> memref<128xi32, #tpu.memory_space<vmem>>
          %dma_start3A_31 = arith.constant 0 : i32
          %dma_start3A_32 = arith.constant 0 : i32
          %dma_start3A_33 = tpu.memref_slice %arg11[%dma_start3A_31, %dma_start3A_32] : memref<10240x128xf32, #tpu.memory_space<vmem_shared>> -> memref<10240x128xf32, #tpu.memory_space<vmem_shared>>
          tpu.enqueue_indirect_dma source(%arg9 : memref<128x128xf32, #tpu.memory_space<vmem>>) target(%dma_start3A_33 : memref<10240x128xf32, #tpu.memory_space<vmem_shared>>) offsets(%dma_start3A_30 : memref<128xi32, #tpu.memory_space<vmem>>) semaphore(%run_scoped3A : memref<!tpu.dma_semaphore, #tpu.memory_space<semaphore_mem>>) {add = true}
          %dma_wait3A_34 = arith.constant 0 : i32
          %dma_wait3A_35 = tpu.memref_slice %arg8[%scan3A_17, %dma_wait3A_34] : memref<40x128xi32, #tpu.memory_space<vmem>> -> memref<1x128xi32, #tpu.memory_space<vmem>>
          %dma_wait3A_36 = tpu.memref_squeeze %dma_wait3A_35 : memref<1x128xi32, #tpu.memory_space<vmem>> -> memref<128xi32, #tpu.memory_space<vmem>>
          %dma_wait3A_37 = arith.constant 0 : i32
          %dma_wait3A_38 = arith.constant 0 : i32
          %dma_wait3A_39 = tpu.memref_slice %arg11[%dma_wait3A_37, %dma_wait3A_38] : memref<10240x128xf32, #tpu.memory_space<vmem_shared>> -> memref<10240x128xf32, #tpu.memory_space<vmem_shared>>
          tpu.wait_indirect_dma semaphore(%run_scoped3A : memref<!tpu.dma_semaphore, #tpu.memory_space<semaphore_mem>>) src(%arg9 : memref<128x128xf32, #tpu.memory_space<vmem>>) dst(%dma_wait3A_39 : memref<10240x128xf32, #tpu.memory_space<vmem_shared>>)
          tpu.yield
        }) : () -> ()
      }
      %scan3A_16 = arith.constant 40 : i32
    } else {
    }
    %barrier3A_8 = arith.constant 0 : index
    tpu.barrier barrier_id(%barrier3A_8)
    "tpu.region"() ({
      %run_scoped3A = tpu.sem_alloc : memref<!tpu.dma_semaphore, #tpu.memory_space<semaphore_mem>>
      %dma_start3A = arith.constant 0 : i32
      %dma_start3A_9 = tpu.memref_slice %arg6[%arg0, %mul3A_0, %dma_start3A] : memref<2x10240x128xf32, #tpu.memory_space<hbm>> -> memref<1x640x128xf32, #tpu.memory_space<hbm>>
      %dma_start3A_10 = tpu.memref_squeeze %dma_start3A_9 : memref<1x640x128xf32, #tpu.memory_space<hbm>> -> memref<640x128xf32, #tpu.memory_space<hbm>>
      %dma_start3A_11 = arith.constant 0 : i32
      %dma_start3A_12 = tpu.memref_slice %arg11[%mul3A_0, %dma_start3A_11] : memref<10240x128xf32, #tpu.memory_space<vmem_shared>> -> memref<640x128xf32, #tpu.memory_space<vmem_shared>>
      tpu.enqueue_dma source(%dma_start3A_12 : memref<640x128xf32, #tpu.memory_space<vmem_shared>>) target(%dma_start3A_10 : memref<640x128xf32, #tpu.memory_space<hbm>>) target_semaphore(%run_scoped3A : memref<!tpu.dma_semaphore, #tpu.memory_space<semaphore_mem>>)
      %dma_wait3A = arith.constant 0 : i32
      %dma_wait3A_13 = tpu.memref_slice %arg6[%arg0, %mul3A_0, %dma_wait3A] : memref<2x10240x128xf32, #tpu.memory_space<hbm>> -> memref<1x640x128xf32, #tpu.memory_space<hbm>>
      %dma_wait3A_14 = tpu.memref_squeeze %dma_wait3A_13 : memref<1x640x128xf32, #tpu.memory_space<hbm>> -> memref<640x128xf32, #tpu.memory_space<hbm>>
      %dma_wait3A_15 = arith.constant 0 : i32
      %dma_wait3A_16 = tpu.memref_slice %arg11[%mul3A_0, %dma_wait3A_15] : memref<10240x128xf32, #tpu.memory_space<vmem_shared>> -> memref<640x128xf32, #tpu.memory_space<vmem_shared>>
      tpu.wait_dma2 semaphore(%run_scoped3A : memref<!tpu.dma_semaphore, #tpu.memory_space<semaphore_mem>>) src(%dma_wait3A_16 : memref<640x128xf32, #tpu.memory_space<vmem_shared>>) dst(%dma_wait3A_14 : memref<640x128xf32, #tpu.memory_space<hbm>>)
      tpu.yield
    }) : () -> ()
    return
  }
}

#map = affine_map<(d0, d1) -> (0, 0)>
#map1 = affine_map<(d0, d1) -> (0, 0, 0)>
module attributes {stable_mosaic.version = 14 : i64} {
  func.func @_spass_body(%arg0: i32, %arg1: i32, %arg2: memref<10240x128xf32, #tpu.memory_space<hbm>>, %arg3: memref<2560x128xi32, #tpu.memory_space<hbm>>, %arg4: memref<2560x128xi32, #tpu.memory_space<hbm>>, %arg5: memref<10240x128xf32, #tpu.memory_space<hbm>>, %arg6: memref<2x10240x128xf32, #tpu.memory_space<hbm>>, %arg7: memref<40x128xi32, #tpu.memory_space<vmem>>, %arg8: memref<40x128xi32, #tpu.memory_space<vmem>>, %arg9: memref<128x128xf32, #tpu.memory_space<vmem>>, %arg10: memref<128x128xf32, #tpu.memory_space<vmem>>, %arg11: memref<10240x128xf32, #tpu.memory_space<vmem_shared>>, %arg12: memref<!tpu.dma_semaphore, #tpu.memory_space<semaphore_mem>>, %arg13: memref<!tpu.dma_semaphore, #tpu.memory_space<semaphore_mem>>) attributes {dimension_semantics = [#tpu.dimension_semantics<core_parallel>, #tpu.dimension_semantics<subcore_parallel>], iteration_bounds = array<i64: 2, 16>, scalar_prefetch = 0 : i64, scratch_operands = 7 : i64, tpu.core_type = #tpu.core_type<sc_vector_subcore>, window_params = [{transform_indices = #map}, {transform_indices = #map}, {transform_indices = #map}, {transform_indices = #map}, {transform_indices = #map1}]} {
    %mul3A = arith.constant 640 : i32
    %mul3A_0 = arith.muli %arg1, %mul3A : i32
    "tpu.region"() ({
      %run_scoped3A = tpu.sem_alloc : memref<!tpu.dma_semaphore, #tpu.memory_space<semaphore_mem>>
      %dma_start3A = arith.constant 0 : i32
      %dma_start3A_9 = tpu.memref_slice %arg11[%mul3A_0, %dma_start3A] : memref<10240x128xf32, #tpu.memory_space<vmem_shared>> -> memref<640x128xf32, #tpu.memory_space<vmem_shared>>
      %dma_start3A_10 = arith.constant 0 : i32
      %dma_start3A_11 = tpu.memref_slice %arg5[%mul3A_0, %dma_start3A_10] : memref<10240x128xf32, #tpu.memory_space<hbm>> -> memref<640x128xf32, #tpu.memory_space<hbm>>
      tpu.enqueue_dma source(%dma_start3A_11 : memref<640x128xf32, #tpu.memory_space<hbm>>) target(%dma_start3A_9 : memref<640x128xf32, #tpu.memory_space<vmem_shared>>) target_semaphore(%run_scoped3A : memref<!tpu.dma_semaphore, #tpu.memory_space<semaphore_mem>>)
      %dma_wait3A = arith.constant 0 : i32
      %dma_wait3A_12 = tpu.memref_slice %arg11[%mul3A_0, %dma_wait3A] : memref<10240x128xf32, #tpu.memory_space<vmem_shared>> -> memref<640x128xf32, #tpu.memory_space<vmem_shared>>
      %dma_wait3A_13 = arith.constant 0 : i32
      %dma_wait3A_14 = tpu.memref_slice %arg5[%mul3A_0, %dma_wait3A_13] : memref<10240x128xf32, #tpu.memory_space<hbm>> -> memref<640x128xf32, #tpu.memory_space<hbm>>
      tpu.wait_dma2 semaphore(%run_scoped3A : memref<!tpu.dma_semaphore, #tpu.memory_space<semaphore_mem>>) src(%dma_wait3A_14 : memref<640x128xf32, #tpu.memory_space<hbm>>) dst(%dma_wait3A_12 : memref<640x128xf32, #tpu.memory_space<vmem_shared>>)
      tpu.yield
    }) : () -> ()
    %barrier3A = arith.constant 0 : index
    tpu.barrier barrier_id(%barrier3A)
    %eq3A = arith.constant 0 : i32
    %eq3A_1 = arith.cmpi eq, %arg0, %eq3A : i32
    %convert_element_type3A = arith.extui %eq3A_1 : i1 to i32
    %cond3A = arith.constant 0 : i32
    %cond3A_2 = arith.cmpi ne, %convert_element_type3A, %cond3A : i32
    scf.if %cond3A_2 {
      %scan3A = arith.constant 0 : i32
      %scan3A_9 = arith.constant 0 : i32
      %scan3A_10 = arith.constant 3 : i32
      %scan3A_11 = arith.addi %scan3A_9, %scan3A_10 : i32
      %scan3A_12 = arith.constant 1 : i32
      scf.for %scan3A_14 = %scan3A_9 to %scan3A_11 step %scan3A_12  : i32 {
        %mul3A_15 = arith.constant 120 : i32
        %mul3A_16 = arith.muli %arg1, %mul3A_15 : i32
        %mul3A_17 = arith.constant 40 : i32
        %mul3A_18 = arith.muli %scan3A_14, %mul3A_17 : i32
        %add3A = arith.addi %mul3A_16, %mul3A_18 : i32
        %multiple_of3A = tpu.assume_multiple %add3A, 8 : i32
        "tpu.region"() ({
          %run_scoped3A = tpu.sem_alloc : memref<!tpu.dma_semaphore, #tpu.memory_space<semaphore_mem>>
          %dma_start3A_31 = arith.constant 0 : i32
          %dma_start3A_32 = tpu.memref_slice %arg3[%multiple_of3A, %dma_start3A_31] : memref<2560x128xi32, #tpu.memory_space<hbm>> -> memref<40x128xi32, #tpu.memory_space<hbm>>
          %dma_start3A_33 = arith.constant 0 : i32
          %dma_start3A_34 = tpu.memref_slice %arg3[%multiple_of3A, %dma_start3A_33] : memref<2560x128xi32, #tpu.memory_space<hbm>> -> memref<40x128xi32, #tpu.memory_space<hbm>>
          tpu.enqueue_dma source(%dma_start3A_34 : memref<40x128xi32, #tpu.memory_space<hbm>>) target(%arg7 : memref<40x128xi32, #tpu.memory_space<vmem>>) target_semaphore(%run_scoped3A : memref<!tpu.dma_semaphore, #tpu.memory_space<semaphore_mem>>)
          %dma_wait3A = arith.constant 0 : i32
          %dma_wait3A_35 = tpu.memref_slice %arg3[%multiple_of3A, %dma_wait3A] : memref<2560x128xi32, #tpu.memory_space<hbm>> -> memref<40x128xi32, #tpu.memory_space<hbm>>
          %dma_wait3A_36 = arith.constant 0 : i32
          %dma_wait3A_37 = tpu.memref_slice %arg3[%multiple_of3A, %dma_wait3A_36] : memref<2560x128xi32, #tpu.memory_space<hbm>> -> memref<40x128xi32, #tpu.memory_space<hbm>>
          tpu.wait_dma2 semaphore(%run_scoped3A : memref<!tpu.dma_semaphore, #tpu.memory_space<semaphore_mem>>) src(%dma_wait3A_37 : memref<40x128xi32, #tpu.memory_space<hbm>>) dst(%arg7 : memref<40x128xi32, #tpu.memory_space<vmem>>)
          tpu.yield
        }) : () -> ()
        "tpu.region"() ({
          %run_scoped3A = tpu.sem_alloc : memref<!tpu.dma_semaphore, #tpu.memory_space<semaphore_mem>>
          %dma_start3A_31 = arith.constant 0 : i32
          %dma_start3A_32 = tpu.memref_slice %arg4[%multiple_of3A, %dma_start3A_31] : memref<2560x128xi32, #tpu.memory_space<hbm>> -> memref<40x128xi32, #tpu.memory_space<hbm>>
          %dma_start3A_33 = arith.constant 0 : i32
          %dma_start3A_34 = tpu.memref_slice %arg4[%multiple_of3A, %dma_start3A_33] : memref<2560x128xi32, #tpu.memory_space<hbm>> -> memref<40x128xi32, #tpu.memory_space<hbm>>
          tpu.enqueue_dma source(%dma_start3A_34 : memref<40x128xi32, #tpu.memory_space<hbm>>) target(%arg8 : memref<40x128xi32, #tpu.memory_space<vmem>>) target_semaphore(%run_scoped3A : memref<!tpu.dma_semaphore, #tpu.memory_space<semaphore_mem>>)
          %dma_wait3A = arith.constant 0 : i32
          %dma_wait3A_35 = tpu.memref_slice %arg4[%multiple_of3A, %dma_wait3A] : memref<2560x128xi32, #tpu.memory_space<hbm>> -> memref<40x128xi32, #tpu.memory_space<hbm>>
          %dma_wait3A_36 = arith.constant 0 : i32
          %dma_wait3A_37 = tpu.memref_slice %arg4[%multiple_of3A, %dma_wait3A_36] : memref<2560x128xi32, #tpu.memory_space<hbm>> -> memref<40x128xi32, #tpu.memory_space<hbm>>
          tpu.wait_dma2 semaphore(%run_scoped3A : memref<!tpu.dma_semaphore, #tpu.memory_space<semaphore_mem>>) src(%dma_wait3A_37 : memref<40x128xi32, #tpu.memory_space<hbm>>) dst(%arg8 : memref<40x128xi32, #tpu.memory_space<vmem>>)
          tpu.yield
        }) : () -> ()
        %dma_start3A = arith.constant 0 : i32
        %dma_start3A_19 = arith.constant 0 : i32
        %dma_start3A_20 = tpu.memref_slice %arg7[%dma_start3A, %dma_start3A_19] : memref<40x128xi32, #tpu.memory_space<vmem>> -> memref<1x128xi32, #tpu.memory_space<vmem>>
        %dma_start3A_21 = tpu.memref_squeeze %dma_start3A_20 : memref<1x128xi32, #tpu.memory_space<vmem>> -> memref<128xi32, #tpu.memory_space<vmem>>
        %dma_start3A_22 = arith.constant 0 : i32
        %dma_start3A_23 = arith.constant 0 : i32
        %dma_start3A_24 = tpu.memref_slice %arg2[%dma_start3A_22, %dma_start3A_23] : memref<10240x128xf32, #tpu.memory_space<hbm>> -> memref<10240x128xf32, #tpu.memory_space<hbm>>
        tpu.enqueue_indirect_dma source(%dma_start3A_24 : memref<10240x128xf32, #tpu.memory_space<hbm>>) target(%arg9 : memref<128x128xf32, #tpu.memory_space<vmem>>) offsets(%dma_start3A_21 : memref<128xi32, #tpu.memory_space<vmem>>) semaphore(%arg12 : memref<!tpu.dma_semaphore, #tpu.memory_space<semaphore_mem>>)
        %scan3A_25 = arith.constant 0 : i32
        %scan3A_26 = arith.constant 0 : i32
        %scan3A_27 = arith.constant 20 : i32
        %scan3A_28 = arith.addi %scan3A_26, %scan3A_27 : i32
        %scan3A_29 = arith.constant 1 : i32
        scf.for %scan3A_31 = %scan3A_26 to %scan3A_28 step %scan3A_29  : i32 {
          %mul3A_32 = arith.constant 2 : i32
          %mul3A_33 = arith.muli %mul3A_32, %scan3A_31 : i32
          %add3A_34 = arith.constant 1 : i32
          %add3A_35 = arith.addi %mul3A_33, %add3A_34 : i32
          %dma_start3A_36 = arith.constant 0 : i32
          %dma_start3A_37 = tpu.memref_slice %arg7[%add3A_35, %dma_start3A_36] : memref<40x128xi32, #tpu.memory_space<vmem>> -> memref<1x128xi32, #tpu.memory_space<vmem>>
          %dma_start3A_38 = tpu.memref_squeeze %dma_start3A_37 : memref<1x128xi32, #tpu.memory_space<vmem>> -> memref<128xi32, #tpu.memory_space<vmem>>
          %dma_start3A_39 = arith.constant 0 : i32
          %dma_start3A_40 = arith.constant 0 : i32
          %dma_start3A_41 = tpu.memref_slice %arg2[%dma_start3A_39, %dma_start3A_40] : memref<10240x128xf32, #tpu.memory_space<hbm>> -> memref<10240x128xf32, #tpu.memory_space<hbm>>
          tpu.enqueue_indirect_dma source(%dma_start3A_41 : memref<10240x128xf32, #tpu.memory_space<hbm>>) target(%arg10 : memref<128x128xf32, #tpu.memory_space<vmem>>) offsets(%dma_start3A_38 : memref<128xi32, #tpu.memory_space<vmem>>) semaphore(%arg13 : memref<!tpu.dma_semaphore, #tpu.memory_space<semaphore_mem>>)
          %dma_wait3A = arith.constant 0 : i32
          %dma_wait3A_42 = tpu.memref_slice %arg7[%mul3A_33, %dma_wait3A] : memref<40x128xi32, #tpu.memory_space<vmem>> -> memref<1x128xi32, #tpu.memory_space<vmem>>
          %dma_wait3A_43 = tpu.memref_squeeze %dma_wait3A_42 : memref<1x128xi32, #tpu.memory_space<vmem>> -> memref<128xi32, #tpu.memory_space<vmem>>
          %dma_wait3A_44 = arith.constant 0 : i32
          %dma_wait3A_45 = arith.constant 0 : i32
          %dma_wait3A_46 = tpu.memref_slice %arg2[%dma_wait3A_44, %dma_wait3A_45] : memref<10240x128xf32, #tpu.memory_space<hbm>> -> memref<10240x128xf32, #tpu.memory_space<hbm>>
          tpu.wait_indirect_dma semaphore(%arg12 : memref<!tpu.dma_semaphore, #tpu.memory_space<semaphore_mem>>) src(%dma_wait3A_46 : memref<10240x128xf32, #tpu.memory_space<hbm>>) dst(%arg9 : memref<128x128xf32, #tpu.memory_space<vmem>>)
          "tpu.region"() ({
            %run_scoped3A = tpu.sem_alloc : memref<!tpu.dma_semaphore, #tpu.memory_space<semaphore_mem>>
            %dma_start3A_63 = arith.constant 0 : i32
            %dma_start3A_64 = tpu.memref_slice %arg8[%mul3A_33, %dma_start3A_63] : memref<40x128xi32, #tpu.memory_space<vmem>> -> memref<1x128xi32, #tpu.memory_space<vmem>>
            %dma_start3A_65 = tpu.memref_squeeze %dma_start3A_64 : memref<1x128xi32, #tpu.memory_space<vmem>> -> memref<128xi32, #tpu.memory_space<vmem>>
            %dma_start3A_66 = arith.constant 0 : i32
            %dma_start3A_67 = arith.constant 0 : i32
            %dma_start3A_68 = tpu.memref_slice %arg11[%dma_start3A_66, %dma_start3A_67] : memref<10240x128xf32, #tpu.memory_space<vmem_shared>> -> memref<10240x128xf32, #tpu.memory_space<vmem_shared>>
            tpu.enqueue_indirect_dma source(%arg9 : memref<128x128xf32, #tpu.memory_space<vmem>>) target(%dma_start3A_68 : memref<10240x128xf32, #tpu.memory_space<vmem_shared>>) offsets(%dma_start3A_65 : memref<128xi32, #tpu.memory_space<vmem>>) semaphore(%run_scoped3A : memref<!tpu.dma_semaphore, #tpu.memory_space<semaphore_mem>>) {add = true}
            %dma_wait3A_69 = arith.constant 0 : i32
            %dma_wait3A_70 = tpu.memref_slice %arg8[%mul3A_33, %dma_wait3A_69] : memref<40x128xi32, #tpu.memory_space<vmem>> -> memref<1x128xi32, #tpu.memory_space<vmem>>
            %dma_wait3A_71 = tpu.memref_squeeze %dma_wait3A_70 : memref<1x128xi32, #tpu.memory_space<vmem>> -> memref<128xi32, #tpu.memory_space<vmem>>
            %dma_wait3A_72 = arith.constant 0 : i32
            %dma_wait3A_73 = arith.constant 0 : i32
            %dma_wait3A_74 = tpu.memref_slice %arg11[%dma_wait3A_72, %dma_wait3A_73] : memref<10240x128xf32, #tpu.memory_space<vmem_shared>> -> memref<10240x128xf32, #tpu.memory_space<vmem_shared>>
            tpu.wait_indirect_dma semaphore(%run_scoped3A : memref<!tpu.dma_semaphore, #tpu.memory_space<semaphore_mem>>) src(%arg9 : memref<128x128xf32, #tpu.memory_space<vmem>>) dst(%dma_wait3A_74 : memref<10240x128xf32, #tpu.memory_space<vmem_shared>>)
            tpu.yield
          }) : () -> ()
          %add3A_47 = arith.constant 2 : i32
          %add3A_48 = arith.addi %mul3A_33, %add3A_47 : i32
          %lt3A = arith.constant 40 : i32
          %lt3A_49 = arith.cmpi slt, %add3A_48, %lt3A : i32
          %convert_element_type3A_50 = arith.extui %lt3A_49 : i1 to i32
          %cond3A_51 = arith.constant 0 : i32
          %cond3A_52 = arith.cmpi ne, %convert_element_type3A_50, %cond3A_51 : i32
          scf.if %cond3A_52 {
            %add3A_63 = arith.constant 2 : i32
            %add3A_64 = arith.addi %mul3A_33, %add3A_63 : i32
            %dma_start3A_65 = arith.constant 0 : i32
            %dma_start3A_66 = tpu.memref_slice %arg7[%add3A_64, %dma_start3A_65] : memref<40x128xi32, #tpu.memory_space<vmem>> -> memref<1x128xi32, #tpu.memory_space<vmem>>
            %dma_start3A_67 = tpu.memref_squeeze %dma_start3A_66 : memref<1x128xi32, #tpu.memory_space<vmem>> -> memref<128xi32, #tpu.memory_space<vmem>>
            %dma_start3A_68 = arith.constant 0 : i32
            %dma_start3A_69 = arith.constant 0 : i32
            %dma_start3A_70 = tpu.memref_slice %arg2[%dma_start3A_68, %dma_start3A_69] : memref<10240x128xf32, #tpu.memory_space<hbm>> -> memref<10240x128xf32, #tpu.memory_space<hbm>>
            tpu.enqueue_indirect_dma source(%dma_start3A_70 : memref<10240x128xf32, #tpu.memory_space<hbm>>) target(%arg9 : memref<128x128xf32, #tpu.memory_space<vmem>>) offsets(%dma_start3A_67 : memref<128xi32, #tpu.memory_space<vmem>>) semaphore(%arg12 : memref<!tpu.dma_semaphore, #tpu.memory_space<semaphore_mem>>)
          } else {
          }
          %add3A_53 = arith.constant 1 : i32
          %add3A_54 = arith.addi %mul3A_33, %add3A_53 : i32
          %dma_wait3A_55 = arith.constant 0 : i32
          %dma_wait3A_56 = tpu.memref_slice %arg7[%add3A_54, %dma_wait3A_55] : memref<40x128xi32, #tpu.memory_space<vmem>> -> memref<1x128xi32, #tpu.memory_space<vmem>>
          %dma_wait3A_57 = tpu.memref_squeeze %dma_wait3A_56 : memref<1x128xi32, #tpu.memory_space<vmem>> -> memref<128xi32, #tpu.memory_space<vmem>>
          %dma_wait3A_58 = arith.constant 0 : i32
          %dma_wait3A_59 = arith.constant 0 : i32
          %dma_wait3A_60 = tpu.memref_slice %arg2[%dma_wait3A_58, %dma_wait3A_59] : memref<10240x128xf32, #tpu.memory_space<hbm>> -> memref<10240x128xf32, #tpu.memory_space<hbm>>
          tpu.wait_indirect_dma semaphore(%arg13 : memref<!tpu.dma_semaphore, #tpu.memory_space<semaphore_mem>>) src(%dma_wait3A_60 : memref<10240x128xf32, #tpu.memory_space<hbm>>) dst(%arg10 : memref<128x128xf32, #tpu.memory_space<vmem>>)
          %add3A_61 = arith.constant 1 : i32
          %add3A_62 = arith.addi %mul3A_33, %add3A_61 : i32
          "tpu.region"() ({
            %run_scoped3A = tpu.sem_alloc : memref<!tpu.dma_semaphore, #tpu.memory_space<semaphore_mem>>
            %dma_start3A_63 = arith.constant 0 : i32
            %dma_start3A_64 = tpu.memref_slice %arg8[%add3A_62, %dma_start3A_63] : memref<40x128xi32, #tpu.memory_space<vmem>> -> memref<1x128xi32, #tpu.memory_space<vmem>>
            %dma_start3A_65 = tpu.memref_squeeze %dma_start3A_64 : memref<1x128xi32, #tpu.memory_space<vmem>> -> memref<128xi32, #tpu.memory_space<vmem>>
            %dma_start3A_66 = arith.constant 0 : i32
            %dma_start3A_67 = arith.constant 0 : i32
            %dma_start3A_68 = tpu.memref_slice %arg11[%dma_start3A_66, %dma_start3A_67] : memref<10240x128xf32, #tpu.memory_space<vmem_shared>> -> memref<10240x128xf32, #tpu.memory_space<vmem_shared>>
            tpu.enqueue_indirect_dma source(%arg10 : memref<128x128xf32, #tpu.memory_space<vmem>>) target(%dma_start3A_68 : memref<10240x128xf32, #tpu.memory_space<vmem_shared>>) offsets(%dma_start3A_65 : memref<128xi32, #tpu.memory_space<vmem>>) semaphore(%run_scoped3A : memref<!tpu.dma_semaphore, #tpu.memory_space<semaphore_mem>>) {add = true}
            %dma_wait3A_69 = arith.constant 0 : i32
            %dma_wait3A_70 = tpu.memref_slice %arg8[%add3A_62, %dma_wait3A_69] : memref<40x128xi32, #tpu.memory_space<vmem>> -> memref<1x128xi32, #tpu.memory_space<vmem>>
            %dma_wait3A_71 = tpu.memref_squeeze %dma_wait3A_70 : memref<1x128xi32, #tpu.memory_space<vmem>> -> memref<128xi32, #tpu.memory_space<vmem>>
            %dma_wait3A_72 = arith.constant 0 : i32
            %dma_wait3A_73 = arith.constant 0 : i32
            %dma_wait3A_74 = tpu.memref_slice %arg11[%dma_wait3A_72, %dma_wait3A_73] : memref<10240x128xf32, #tpu.memory_space<vmem_shared>> -> memref<10240x128xf32, #tpu.memory_space<vmem_shared>>
            tpu.wait_indirect_dma semaphore(%run_scoped3A : memref<!tpu.dma_semaphore, #tpu.memory_space<semaphore_mem>>) src(%arg10 : memref<128x128xf32, #tpu.memory_space<vmem>>) dst(%dma_wait3A_74 : memref<10240x128xf32, #tpu.memory_space<vmem_shared>>)
            tpu.yield
          }) : () -> ()
        }
        %scan3A_30 = arith.constant 20 : i32
      }
      %scan3A_13 = arith.constant 3 : i32
    } else {
    }
    %eq3A_3 = arith.constant 1 : i32
    %eq3A_4 = arith.cmpi eq, %arg0, %eq3A_3 : i32
    %convert_element_type3A_5 = arith.extui %eq3A_4 : i1 to i32
    %cond3A_6 = arith.constant 0 : i32
    %cond3A_7 = arith.cmpi ne, %convert_element_type3A_5, %cond3A_6 : i32
    scf.if %cond3A_7 {
      %mul3A_9 = arith.constant 40 : i32
      %mul3A_10 = arith.muli %arg1, %mul3A_9 : i32
      %add3A = arith.constant 1920 : i32
      %add3A_11 = arith.addi %add3A, %mul3A_10 : i32
      %multiple_of3A = tpu.assume_multiple %add3A_11, 8 : i32
      "tpu.region"() ({
        %run_scoped3A = tpu.sem_alloc : memref<!tpu.dma_semaphore, #tpu.memory_space<semaphore_mem>>
        %dma_start3A = arith.constant 0 : i32
        %dma_start3A_17 = tpu.memref_slice %arg3[%multiple_of3A, %dma_start3A] : memref<2560x128xi32, #tpu.memory_space<hbm>> -> memref<40x128xi32, #tpu.memory_space<hbm>>
        %dma_start3A_18 = arith.constant 0 : i32
        %dma_start3A_19 = tpu.memref_slice %arg3[%multiple_of3A, %dma_start3A_18] : memref<2560x128xi32, #tpu.memory_space<hbm>> -> memref<40x128xi32, #tpu.memory_space<hbm>>
        tpu.enqueue_dma source(%dma_start3A_19 : memref<40x128xi32, #tpu.memory_space<hbm>>) target(%arg7 : memref<40x128xi32, #tpu.memory_space<vmem>>) target_semaphore(%run_scoped3A : memref<!tpu.dma_semaphore, #tpu.memory_space<semaphore_mem>>)
        %dma_wait3A = arith.constant 0 : i32
        %dma_wait3A_20 = tpu.memref_slice %arg3[%multiple_of3A, %dma_wait3A] : memref<2560x128xi32, #tpu.memory_space<hbm>> -> memref<40x128xi32, #tpu.memory_space<hbm>>
        %dma_wait3A_21 = arith.constant 0 : i32
        %dma_wait3A_22 = tpu.memref_slice %arg3[%multiple_of3A, %dma_wait3A_21] : memref<2560x128xi32, #tpu.memory_space<hbm>> -> memref<40x128xi32, #tpu.memory_space<hbm>>
        tpu.wait_dma2 semaphore(%run_scoped3A : memref<!tpu.dma_semaphore, #tpu.memory_space<semaphore_mem>>) src(%dma_wait3A_22 : memref<40x128xi32, #tpu.memory_space<hbm>>) dst(%arg7 : memref<40x128xi32, #tpu.memory_space<vmem>>)
        tpu.yield
      }) : () -> ()
      "tpu.region"() ({
        %run_scoped3A = tpu.sem_alloc : memref<!tpu.dma_semaphore, #tpu.memory_space<semaphore_mem>>
        %dma_start3A = arith.constant 0 : i32
        %dma_start3A_17 = tpu.memref_slice %arg4[%multiple_of3A, %dma_start3A] : memref<2560x128xi32, #tpu.memory_space<hbm>> -> memref<40x128xi32, #tpu.memory_space<hbm>>
        %dma_start3A_18 = arith.constant 0 : i32
        %dma_start3A_19 = tpu.memref_slice %arg4[%multiple_of3A, %dma_start3A_18] : memref<2560x128xi32, #tpu.memory_space<hbm>> -> memref<40x128xi32, #tpu.memory_space<hbm>>
        tpu.enqueue_dma source(%dma_start3A_19 : memref<40x128xi32, #tpu.memory_space<hbm>>) target(%arg8 : memref<40x128xi32, #tpu.memory_space<vmem>>) target_semaphore(%run_scoped3A : memref<!tpu.dma_semaphore, #tpu.memory_space<semaphore_mem>>)
        %dma_wait3A = arith.constant 0 : i32
        %dma_wait3A_20 = tpu.memref_slice %arg4[%multiple_of3A, %dma_wait3A] : memref<2560x128xi32, #tpu.memory_space<hbm>> -> memref<40x128xi32, #tpu.memory_space<hbm>>
        %dma_wait3A_21 = arith.constant 0 : i32
        %dma_wait3A_22 = tpu.memref_slice %arg4[%multiple_of3A, %dma_wait3A_21] : memref<2560x128xi32, #tpu.memory_space<hbm>> -> memref<40x128xi32, #tpu.memory_space<hbm>>
        tpu.wait_dma2 semaphore(%run_scoped3A : memref<!tpu.dma_semaphore, #tpu.memory_space<semaphore_mem>>) src(%dma_wait3A_22 : memref<40x128xi32, #tpu.memory_space<hbm>>) dst(%arg8 : memref<40x128xi32, #tpu.memory_space<vmem>>)
        tpu.yield
      }) : () -> ()
      %scan3A = arith.constant 0 : i32
      %scan3A_12 = arith.constant 0 : i32
      %scan3A_13 = arith.constant 40 : i32
      %scan3A_14 = arith.addi %scan3A_12, %scan3A_13 : i32
      %scan3A_15 = arith.constant 1 : i32
      scf.for %scan3A_17 = %scan3A_12 to %scan3A_14 step %scan3A_15  : i32 {
        %dma_start3A = arith.constant 0 : i32
        %dma_start3A_18 = tpu.memref_slice %arg7[%scan3A_17, %dma_start3A] : memref<40x128xi32, #tpu.memory_space<vmem>> -> memref<1x128xi32, #tpu.memory_space<vmem>>
        %dma_start3A_19 = tpu.memref_squeeze %dma_start3A_18 : memref<1x128xi32, #tpu.memory_space<vmem>> -> memref<128xi32, #tpu.memory_space<vmem>>
        %dma_start3A_20 = arith.constant 0 : i32
        %dma_start3A_21 = arith.constant 0 : i32
        %dma_start3A_22 = tpu.memref_slice %arg2[%dma_start3A_20, %dma_start3A_21] : memref<10240x128xf32, #tpu.memory_space<hbm>> -> memref<10240x128xf32, #tpu.memory_space<hbm>>
        tpu.enqueue_indirect_dma source(%dma_start3A_22 : memref<10240x128xf32, #tpu.memory_space<hbm>>) target(%arg9 : memref<128x128xf32, #tpu.memory_space<vmem>>) offsets(%dma_start3A_19 : memref<128xi32, #tpu.memory_space<vmem>>) semaphore(%arg12 : memref<!tpu.dma_semaphore, #tpu.memory_space<semaphore_mem>>)
        %dma_wait3A = arith.constant 0 : i32
        %dma_wait3A_23 = tpu.memref_slice %arg7[%scan3A_17, %dma_wait3A] : memref<40x128xi32, #tpu.memory_space<vmem>> -> memref<1x128xi32, #tpu.memory_space<vmem>>
        %dma_wait3A_24 = tpu.memref_squeeze %dma_wait3A_23 : memref<1x128xi32, #tpu.memory_space<vmem>> -> memref<128xi32, #tpu.memory_space<vmem>>
        %dma_wait3A_25 = arith.constant 0 : i32
        %dma_wait3A_26 = arith.constant 0 : i32
        %dma_wait3A_27 = tpu.memref_slice %arg2[%dma_wait3A_25, %dma_wait3A_26] : memref<10240x128xf32, #tpu.memory_space<hbm>> -> memref<10240x128xf32, #tpu.memory_space<hbm>>
        tpu.wait_indirect_dma semaphore(%arg12 : memref<!tpu.dma_semaphore, #tpu.memory_space<semaphore_mem>>) src(%dma_wait3A_27 : memref<10240x128xf32, #tpu.memory_space<hbm>>) dst(%arg9 : memref<128x128xf32, #tpu.memory_space<vmem>>)
        "tpu.region"() ({
          %run_scoped3A = tpu.sem_alloc : memref<!tpu.dma_semaphore, #tpu.memory_space<semaphore_mem>>
          %dma_start3A_28 = arith.constant 0 : i32
          %dma_start3A_29 = tpu.memref_slice %arg8[%scan3A_17, %dma_start3A_28] : memref<40x128xi32, #tpu.memory_space<vmem>> -> memref<1x128xi32, #tpu.memory_space<vmem>>
          %dma_start3A_30 = tpu.memref_squeeze %dma_start3A_29 : memref<1x128xi32, #tpu.memory_space<vmem>> -> memref<128xi32, #tpu.memory_space<vmem>>
          %dma_start3A_31 = arith.constant 0 : i32
          %dma_start3A_32 = arith.constant 0 : i32
          %dma_start3A_33 = tpu.memref_slice %arg11[%dma_start3A_31, %dma_start3A_32] : memref<10240x128xf32, #tpu.memory_space<vmem_shared>> -> memref<10240x128xf32, #tpu.memory_space<vmem_shared>>
          tpu.enqueue_indirect_dma source(%arg9 : memref<128x128xf32, #tpu.memory_space<vmem>>) target(%dma_start3A_33 : memref<10240x128xf32, #tpu.memory_space<vmem_shared>>) offsets(%dma_start3A_30 : memref<128xi32, #tpu.memory_space<vmem>>) semaphore(%run_scoped3A : memref<!tpu.dma_semaphore, #tpu.memory_space<semaphore_mem>>) {add = true}
          %dma_wait3A_34 = arith.constant 0 : i32
          %dma_wait3A_35 = tpu.memref_slice %arg8[%scan3A_17, %dma_wait3A_34] : memref<40x128xi32, #tpu.memory_space<vmem>> -> memref<1x128xi32, #tpu.memory_space<vmem>>
          %dma_wait3A_36 = tpu.memref_squeeze %dma_wait3A_35 : memref<1x128xi32, #tpu.memory_space<vmem>> -> memref<128xi32, #tpu.memory_space<vmem>>
          %dma_wait3A_37 = arith.constant 0 : i32
          %dma_wait3A_38 = arith.constant 0 : i32
          %dma_wait3A_39 = tpu.memref_slice %arg11[%dma_wait3A_37, %dma_wait3A_38] : memref<10240x128xf32, #tpu.memory_space<vmem_shared>> -> memref<10240x128xf32, #tpu.memory_space<vmem_shared>>
          tpu.wait_indirect_dma semaphore(%run_scoped3A : memref<!tpu.dma_semaphore, #tpu.memory_space<semaphore_mem>>) src(%arg9 : memref<128x128xf32, #tpu.memory_space<vmem>>) dst(%dma_wait3A_39 : memref<10240x128xf32, #tpu.memory_space<vmem_shared>>)
          tpu.yield
        }) : () -> ()
      }
      %scan3A_16 = arith.constant 40 : i32
    } else {
    }
    %barrier3A_8 = arith.constant 0 : index
    tpu.barrier barrier_id(%barrier3A_8)
    "tpu.region"() ({
      %run_scoped3A = tpu.sem_alloc : memref<!tpu.dma_semaphore, #tpu.memory_space<semaphore_mem>>
      %dma_start3A = arith.constant 0 : i32
      %dma_start3A_9 = tpu.memref_slice %arg6[%arg0, %mul3A_0, %dma_start3A] : memref<2x10240x128xf32, #tpu.memory_space<hbm>> -> memref<1x640x128xf32, #tpu.memory_space<hbm>>
      %dma_start3A_10 = tpu.memref_squeeze %dma_start3A_9 : memref<1x640x128xf32, #tpu.memory_space<hbm>> -> memref<640x128xf32, #tpu.memory_space<hbm>>
      %dma_start3A_11 = arith.constant 0 : i32
      %dma_start3A_12 = tpu.memref_slice %arg11[%mul3A_0, %dma_start3A_11] : memref<10240x128xf32, #tpu.memory_space<vmem_shared>> -> memref<640x128xf32, #tpu.memory_space<vmem_shared>>
      tpu.enqueue_dma source(%dma_start3A_12 : memref<640x128xf32, #tpu.memory_space<vmem_shared>>) target(%dma_start3A_10 : memref<640x128xf32, #tpu.memory_space<hbm>>) target_semaphore(%run_scoped3A : memref<!tpu.dma_semaphore, #tpu.memory_space<semaphore_mem>>)
      %dma_wait3A = arith.constant 0 : i32
      %dma_wait3A_13 = tpu.memref_slice %arg6[%arg0, %mul3A_0, %dma_wait3A] : memref<2x10240x128xf32, #tpu.memory_space<hbm>> -> memref<1x640x128xf32, #tpu.memory_space<hbm>>
      %dma_wait3A_14 = tpu.memref_squeeze %dma_wait3A_13 : memref<1x640x128xf32, #tpu.memory_space<hbm>> -> memref<640x128xf32, #tpu.memory_space<hbm>>
      %dma_wait3A_15 = arith.constant 0 : i32
      %dma_wait3A_16 = tpu.memref_slice %arg11[%mul3A_0, %dma_wait3A_15] : memref<10240x128xf32, #tpu.memory_space<vmem_shared>> -> memref<640x128xf32, #tpu.memory_space<vmem_shared>>
      tpu.wait_dma2 semaphore(%run_scoped3A : memref<!tpu.dma_semaphore, #tpu.memory_space<semaphore_mem>>) src(%dma_wait3A_16 : memref<640x128xf32, #tpu.memory_space<vmem_shared>>) dst(%dma_wait3A_14 : memref<640x128xf32, #tpu.memory_space<hbm>>)
      tpu.yield
    }) : () -> ()
    return
  }
}

module attributes {stable_mosaic.version = 14 : i64} {
  func.func @_glue_a_body(%arg0: memref<2x10240x1xf32, #tpu.memory_space<vmem>>, %arg1: memref<10240x128xf32, #tpu.memory_space<vmem>>, %arg2: memref<10240x1xf32, #tpu.memory_space<vmem>>, %arg3: memref<10240x128xf32, #tpu.memory_space<vmem>>) attributes {dimension_semantics = [], scalar_prefetch = 0 : i64, scratch_operands = 0 : i64, tpu.core_type = #tpu.core_type<tc>} {
    %get3A = arith.constant 0 : index
    %get3A_0 = arith.constant 0 : index
    %get3A_1 = arith.constant 0 : index
    %get3A_2 = vector.load %arg0[%get3A, %get3A_0, %get3A_1] : memref<2x10240x1xf32, #tpu.memory_space<vmem>>, vector<1x10240x1xf32>
    %get3A_3 = vector.shape_cast %get3A_2 : vector<1x10240x1xf32> to vector<10240x1xf32>
    %get3A_4 = arith.constant 1 : index
    %get3A_5 = arith.constant 0 : index
    %get3A_6 = arith.constant 0 : index
    %get3A_7 = vector.load %arg0[%get3A_4, %get3A_5, %get3A_6] : memref<2x10240x1xf32, #tpu.memory_space<vmem>>, vector<1x10240x1xf32>
    %get3A_8 = vector.shape_cast %get3A_7 : vector<1x10240x1xf32> to vector<10240x1xf32>
    %add3A = arith.addf %get3A_3, %get3A_8 : vector<10240x1xf32>
    %gt3A = arith.constant 0.000000e+00 : f32
    %gt3A_9 = vector.broadcast %gt3A : f32 to vector<10240x1xf32>
    %gt3A_10 = arith.cmpf ogt, %add3A, %gt3A_9 : vector<10240x1xf32>
    %rsqrt3A = math.rsqrt %add3A : vector<10240x1xf32>
    %jit3A = arith.constant 0.000000e+00 : f32
    %broadcast_in_dim3A = vector.broadcast %jit3A : f32 to vector<10240x1xf32>
    %select_n3A = arith.select %gt3A_10, %rsqrt3A, %broadcast_in_dim3A : vector<10240x1xi1>, vector<10240x1xf32>
    %swap3A = arith.constant 0 : index
    %swap3A_11 = arith.constant 0 : index
    %swap3A_12 = vector.load %arg2[%swap3A, %swap3A_11] : memref<10240x1xf32, #tpu.memory_space<vmem>>, vector<10240x1xf32>
    tpu.vector_store %arg2[%swap3A, %swap3A_11], %select_n3A {strides = array<i32>} : memref<10240x1xf32, #tpu.memory_space<vmem>>, vector<10240x1xf32>,
    %get3A_13 = arith.constant 0 : index
    %get3A_14 = arith.constant 0 : index
    %get3A_15 = vector.load %arg1[%get3A_13, %get3A_14] : memref<10240x128xf32, #tpu.memory_space<vmem>>, vector<10240x128xf32>
    %mul3A = vector.broadcast %select_n3A : vector<10240x1xf32> to vector<10240x128xf32>
    %mul3A_16 = arith.mulf %get3A_15, %mul3A : vector<10240x128xf32>
    %swap3A_17 = arith.constant 0 : index
    %swap3A_18 = arith.constant 0 : index
    %swap3A_19 = vector.load %arg3[%swap3A_17, %swap3A_18] : memref<10240x128xf32, #tpu.memory_space<vmem>>, vector<10240x128xf32>
    tpu.vector_store %arg3[%swap3A_17, %swap3A_18], %mul3A_16 {strides = array<i32>} : memref<10240x128xf32, #tpu.memory_space<vmem>>, vector<10240x128xf32>,
    return
  }
}

module attributes {stable_mosaic.version = 14 : i64} {
  func.func @_glue_b_body(%arg0: memref<2x10240x128xf32, #tpu.memory_space<vmem>>, %arg1: memref<10240x1xf32, #tpu.memory_space<vmem>>, %arg2: memref<10240x128xf32, #tpu.memory_space<vmem>>, %arg3: memref<10240x128xf32, #tpu.memory_space<vmem>>) attributes {dimension_semantics = [], scalar_prefetch = 0 : i64, scratch_operands = 0 : i64, tpu.core_type = #tpu.core_type<tc>} {
    %get3A = arith.constant 0 : index
    %get3A_0 = arith.constant 0 : index
    %get3A_1 = vector.load %arg1[%get3A, %get3A_0] : memref<10240x1xf32, #tpu.memory_space<vmem>>, vector<10240x1xf32>
    %neg3A = arith.constant 0.000000e+00 : f32
    %neg3A_2 = vector.broadcast %neg3A : f32 to vector<10240x1xf32>
    %neg3A_3 = arith.subf %neg3A_2, %get3A_1 : vector<10240x1xf32>
    %get3A_4 = arith.constant 0 : index
    %get3A_5 = arith.constant 0 : index
    %get3A_6 = arith.constant 0 : index
    %get3A_7 = vector.load %arg0[%get3A_4, %get3A_5, %get3A_6] : memref<2x10240x128xf32, #tpu.memory_space<vmem>>, vector<1x10240x128xf32>
    %get3A_8 = vector.shape_cast %get3A_7 : vector<1x10240x128xf32> to vector<10240x128xf32>
    %get3A_9 = arith.constant 1 : index
    %get3A_10 = arith.constant 0 : index
    %get3A_11 = arith.constant 0 : index
    %get3A_12 = vector.load %arg0[%get3A_9, %get3A_10, %get3A_11] : memref<2x10240x128xf32, #tpu.memory_space<vmem>>, vector<1x10240x128xf32>
    %get3A_13 = vector.shape_cast %get3A_12 : vector<1x10240x128xf32> to vector<10240x128xf32>
    %add3A = arith.addf %get3A_8, %get3A_13 : vector<10240x128xf32>
    %mul3A = vector.broadcast %neg3A_3 : vector<10240x1xf32> to vector<10240x128xf32>
    %mul3A_14 = arith.mulf %mul3A, %add3A : vector<10240x128xf32>
    %swap3A = arith.constant 0 : index
    %swap3A_15 = arith.constant 0 : index
    %swap3A_16 = vector.load %arg2[%swap3A, %swap3A_15] : memref<10240x128xf32, #tpu.memory_space<vmem>>, vector<10240x128xf32>
    tpu.vector_store %arg2[%swap3A, %swap3A_15], %mul3A_14 {strides = array<i32>} : memref<10240x128xf32, #tpu.memory_space<vmem>>, vector<10240x128xf32>,
    %mul3A_17 = vector.broadcast %get3A_1 : vector<10240x1xf32> to vector<10240x128xf32>
    %mul3A_18 = arith.mulf %mul3A_17, %mul3A_14 : vector<10240x128xf32>
    %swap3A_19 = arith.constant 0 : index
    %swap3A_20 = arith.constant 0 : index
    %swap3A_21 = vector.load %arg3[%swap3A_19, %swap3A_20] : memref<10240x128xf32, #tpu.memory_space<vmem>>, vector<10240x128xf32>
    tpu.vector_store %arg3[%swap3A_19, %swap3A_20], %mul3A_18 {strides = array<i32>} : memref<10240x128xf32, #tpu.memory_space<vmem>>, vector<10240x128xf32>,
    return
  }
}

module attributes {stable_mosaic.version = 14 : i64} {
  func.func @_glue_c_body(%arg0: memref<2x10240x128xf32, #tpu.memory_space<vmem>>, %arg1: memref<10240x1xf32, #tpu.memory_space<vmem>>, %arg2: memref<10240x128xf32, #tpu.memory_space<vmem>>, %arg3: memref<10240x128xf32, #tpu.memory_space<vmem>>, %arg4: memref<10240x128xf32, #tpu.memory_space<vmem>>) attributes {dimension_semantics = [], scalar_prefetch = 0 : i64, scratch_operands = 0 : i64, tpu.core_type = #tpu.core_type<tc>} {
    %get3A = arith.constant 0 : index
    %get3A_0 = arith.constant 0 : index
    %get3A_1 = vector.load %arg1[%get3A, %get3A_0] : memref<10240x1xf32, #tpu.memory_space<vmem>>, vector<10240x1xf32>
    %mul3A = arith.constant -2.000000e+00 : f32
    %mul3A_2 = vector.broadcast %mul3A : f32 to vector<10240x1xf32>
    %mul3A_3 = arith.mulf %mul3A_2, %get3A_1 : vector<10240x1xf32>
    %get3A_4 = arith.constant 0 : index
    %get3A_5 = arith.constant 0 : index
    %get3A_6 = arith.constant 0 : index
    %get3A_7 = vector.load %arg0[%get3A_4, %get3A_5, %get3A_6] : memref<2x10240x128xf32, #tpu.memory_space<vmem>>, vector<1x10240x128xf32>
    %get3A_8 = vector.shape_cast %get3A_7 : vector<1x10240x128xf32> to vector<10240x128xf32>
    %get3A_9 = arith.constant 1 : index
    %get3A_10 = arith.constant 0 : index
    %get3A_11 = arith.constant 0 : index
    %get3A_12 = vector.load %arg0[%get3A_9, %get3A_10, %get3A_11] : memref<2x10240x128xf32, #tpu.memory_space<vmem>>, vector<1x10240x128xf32>
    %get3A_13 = vector.shape_cast %get3A_12 : vector<1x10240x128xf32> to vector<10240x128xf32>
    %add3A = arith.addf %get3A_8, %get3A_13 : vector<10240x128xf32>
    %mul3A_14 = vector.broadcast %mul3A_3 : vector<10240x1xf32> to vector<10240x128xf32>
    %mul3A_15 = arith.mulf %mul3A_14, %add3A : vector<10240x128xf32>
    %get3A_16 = arith.constant 0 : index
    %get3A_17 = arith.constant 0 : index
    %get3A_18 = vector.load %arg2[%get3A_16, %get3A_17] : memref<10240x128xf32, #tpu.memory_space<vmem>>, vector<10240x128xf32>
    %sub3A = arith.subf %mul3A_15, %get3A_18 : vector<10240x128xf32>
    %swap3A = arith.constant 0 : index
    %swap3A_19 = arith.constant 0 : index
    %swap3A_20 = vector.load %arg3[%swap3A, %swap3A_19] : memref<10240x128xf32, #tpu.memory_space<vmem>>, vector<10240x128xf32>
    tpu.vector_store %arg3[%swap3A, %swap3A_19], %sub3A {strides = array<i32>} : memref<10240x128xf32, #tpu.memory_space<vmem>>, vector<10240x128xf32>,
    %mul3A_21 = vector.broadcast %get3A_1 : vector<10240x1xf32> to vector<10240x128xf32>
    %mul3A_22 = arith.mulf %mul3A_21, %sub3A : vector<10240x128xf32>
    %swap3A_23 = arith.constant 0 : index
    %swap3A_24 = arith.constant 0 : index
    %swap3A_25 = vector.load %arg4[%swap3A_23, %swap3A_24] : memref<10240x128xf32, #tpu.memory_space<vmem>>, vector<10240x128xf32>
    tpu.vector_store %arg4[%swap3A_23, %swap3A_24], %mul3A_22 {strides = array<i32>} : memref<10240x128xf32, #tpu.memory_space<vmem>>, vector<10240x128xf32>,
    return
  }
}

module attributes {stable_mosaic.version = 14 : i64} {
  func.func @_glue_c_body(%arg0: memref<2x10240x128xf32, #tpu.memory_space<vmem>>, %arg1: memref<10240x1xf32, #tpu.memory_space<vmem>>, %arg2: memref<10240x128xf32, #tpu.memory_space<vmem>>, %arg3: memref<10240x128xf32, #tpu.memory_space<vmem>>, %arg4: memref<10240x128xf32, #tpu.memory_space<vmem>>) attributes {dimension_semantics = [], scalar_prefetch = 0 : i64, scratch_operands = 0 : i64, tpu.core_type = #tpu.core_type<tc>} {
    %get3A = arith.constant 0 : index
    %get3A_0 = arith.constant 0 : index
    %get3A_1 = vector.load %arg1[%get3A, %get3A_0] : memref<10240x1xf32, #tpu.memory_space<vmem>>, vector<10240x1xf32>
    %mul3A = arith.constant -2.000000e+00 : f32
    %mul3A_2 = vector.broadcast %mul3A : f32 to vector<10240x1xf32>
    %mul3A_3 = arith.mulf %mul3A_2, %get3A_1 : vector<10240x1xf32>
    %get3A_4 = arith.constant 0 : index
    %get3A_5 = arith.constant 0 : index
    %get3A_6 = arith.constant 0 : index
    %get3A_7 = vector.load %arg0[%get3A_4, %get3A_5, %get3A_6] : memref<2x10240x128xf32, #tpu.memory_space<vmem>>, vector<1x10240x128xf32>
    %get3A_8 = vector.shape_cast %get3A_7 : vector<1x10240x128xf32> to vector<10240x128xf32>
    %get3A_9 = arith.constant 1 : index
    %get3A_10 = arith.constant 0 : index
    %get3A_11 = arith.constant 0 : index
    %get3A_12 = vector.load %arg0[%get3A_9, %get3A_10, %get3A_11] : memref<2x10240x128xf32, #tpu.memory_space<vmem>>, vector<1x10240x128xf32>
    %get3A_13 = vector.shape_cast %get3A_12 : vector<1x10240x128xf32> to vector<10240x128xf32>
    %add3A = arith.addf %get3A_8, %get3A_13 : vector<10240x128xf32>
    %mul3A_14 = vector.broadcast %mul3A_3 : vector<10240x1xf32> to vector<10240x128xf32>
    %mul3A_15 = arith.mulf %mul3A_14, %add3A : vector<10240x128xf32>
    %get3A_16 = arith.constant 0 : index
    %get3A_17 = arith.constant 0 : index
    %get3A_18 = vector.load %arg2[%get3A_16, %get3A_17] : memref<10240x128xf32, #tpu.memory_space<vmem>>, vector<10240x128xf32>
    %sub3A = arith.subf %mul3A_15, %get3A_18 : vector<10240x128xf32>
    %swap3A = arith.constant 0 : index
    %swap3A_19 = arith.constant 0 : index
    %swap3A_20 = vector.load %arg3[%swap3A, %swap3A_19] : memref<10240x128xf32, #tpu.memory_space<vmem>>, vector<10240x128xf32>
    tpu.vector_store %arg3[%swap3A, %swap3A_19], %sub3A {strides = array<i32>} : memref<10240x128xf32, #tpu.memory_space<vmem>>, vector<10240x128xf32>,
    %mul3A_21 = vector.broadcast %get3A_1 : vector<10240x1xf32> to vector<10240x128xf32>
    %mul3A_22 = arith.mulf %mul3A_21, %sub3A : vector<10240x128xf32>
    %swap3A_23 = arith.constant 0 : index
    %swap3A_24 = arith.constant 0 : index
    %swap3A_25 = vector.load %arg4[%swap3A_23, %swap3A_24] : memref<10240x128xf32, #tpu.memory_space<vmem>>, vector<10240x128xf32>
    tpu.vector_store %arg4[%swap3A_23, %swap3A_24], %mul3A_22 {strides = array<i32>} : memref<10240x128xf32, #tpu.memory_space<vmem>>, vector<10240x128xf32>,
    return
  }
}

module attributes {stable_mosaic.version = 14 : i64} {
  func.func @_dense_body(%arg0: i32, %arg1: memref<2000x128xf32, #tpu.memory_space<vmem>>, %arg2: memref<2000x128xf32, #tpu.memory_space<vmem>>, %arg3: memref<2000x128xf32, #tpu.memory_space<vmem>>, %arg4: memref<2000x128xf32, #tpu.memory_space<vmem>>, %arg5: memref<512x384xf32, #tpu.memory_space<vmem>>, %arg6: memref<1x384xf32, #tpu.memory_space<vmem>>, %arg7: memref<384x3xf32, #tpu.memory_space<vmem>>, %arg8: memref<1x3xf32, #tpu.memory_space<vmem>>, %arg9: memref<384x128xf32, #tpu.memory_space<vmem>>, %arg10: memref<1x128xf32, #tpu.memory_space<vmem>>, %arg11: memref<2000x128xf32, #tpu.memory_space<vmem>>, %arg12: memref<1x128xf32, #tpu.memory_space<vmem>>, %arg13: memref<1x128xf32, #tpu.memory_space<vmem>>) attributes {dimension_semantics = [#tpu.dimension_semantics<arbitrary>], iteration_bounds = array<i64: 5>, scalar_prefetch = 0 : i64, scratch_operands = 0 : i64, tpu.core_type = #tpu.core_type<tc>, window_params = [{transform_indices = @transform_0, window_bounds = array<i64: 2000, 128>}, {transform_indices = @transform_1, window_bounds = array<i64: 2000, 128>}, {transform_indices = @transform_2, window_bounds = array<i64: 2000, 128>}, {transform_indices = @transform_3, window_bounds = array<i64: 2000, 128>}, {pipeline_mode = #tpu.pipeline_mode<synchronous>, transform_indices = @transform_4, window_bounds = array<i64: 512, 384>}, {pipeline_mode = #tpu.pipeline_mode<synchronous>, transform_indices = @transform_5, window_bounds = array<i64: 1, 384>}, {pipeline_mode = #tpu.pipeline_mode<synchronous>, transform_indices = @transform_6, window_bounds = array<i64: 384, 3>}, {pipeline_mode = #tpu.pipeline_mode<synchronous>, transform_indices = @transform_7, window_bounds = array<i64: 1, 3>}, {pipeline_mode = #tpu.pipeline_mode<synchronous>, transform_indices = @transform_8, window_bounds = array<i64: 384, 128>}, {pipeline_mode = #tpu.pipeline_mode<synchronous>, transform_indices = @transform_9, window_bounds = array<i64: 1, 128>}, {transform_indices = @transform_10, window_bounds = array<i64: 2000, 128>}, {pipeline_mode = #tpu.pipeline_mode<synchronous>, transform_indices = @transform_11, window_bounds = array<i64: 1, 128>}, {pipeline_mode = #tpu.pipeline_mode<synchronous>, transform_indices = @transform_12, window_bounds = array<i64: 1, 128>}]} {
    %get3A = arith.constant 0 : index
    %get3A_0 = arith.constant 0 : index
    %get3A_1 = vector.load %arg1[%get3A, %get3A_0] : memref<2000x128xf32, #tpu.memory_space<vmem>>, vector<2000x128xf32>
    %get3A_2 = arith.constant 0 : index
    %get3A_3 = arith.constant 0 : index
    %get3A_4 = vector.load %arg2[%get3A_2, %get3A_3] : memref<2000x128xf32, #tpu.memory_space<vmem>>, vector<2000x128xf32>
    %get3A_5 = arith.constant 0 : index
    %get3A_6 = arith.constant 0 : index
    %get3A_7 = vector.load %arg3[%get3A_5, %get3A_6] : memref<2000x128xf32, #tpu.memory_space<vmem>>, vector<2000x128xf32>
    %get3A_8 = arith.constant 0 : index
    %get3A_9 = arith.constant 0 : index
    %get3A_10 = vector.load %arg4[%get3A_8, %get3A_9] : memref<2000x128xf32, #tpu.memory_space<vmem>>, vector<2000x128xf32>
    %concatenate3A = tpu.concatenate %get3A_1, %get3A_4, %get3A_7, %get3A_10 in 1 : vector<2000x128xf32>, vector<2000x128xf32>, vector<2000x128xf32>, vector<2000x128xf32> -> vector<2000x512xf32>
    %get3A_11 = arith.constant 0 : index
    %get3A_12 = arith.constant 0 : index
    %get3A_13 = vector.load %arg5[%get3A_11, %get3A_12] : memref<512x384xf32, #tpu.memory_space<vmem>>, vector<512x384xf32>
    %dot_general3A = arith.constant dense<0.000000e+00> : vector<2000x384xf32>
    %dot_general3A_14 = tpu.matmul %concatenate3A, %get3A_13, %dot_general3A {dimension_numbers = #tpu.dot_dimension_numbers<[1], [0], [0], [1], [0, 0, 1, 1], [], []>, precision = #tpu.contract_precision<fp32>, transpose_lhs_hint = false} : vector<2000x512xf32>, vector<512x384xf32>, vector<2000x384xf32> -> vector<2000x384xf32>
    %get3A_15 = arith.constant 0 : index
    %get3A_16 = arith.constant 0 : index
    %get3A_17 = vector.load %arg6[%get3A_15, %get3A_16] : memref<1x384xf32, #tpu.memory_space<vmem>>, vector<1x384xf32>
    %add3A = vector.broadcast %get3A_17 : vector<1x384xf32> to vector<2000x384xf32>
    %add3A_18 = arith.addf %dot_general3A_14, %add3A : vector<2000x384xf32>
    %get3A_19 = arith.constant 0 : index
    %get3A_20 = arith.constant 0 : index
    %get3A_21 = vector.load %arg7[%get3A_19, %get3A_20] : memref<384x3xf32, #tpu.memory_space<vmem>>, vector<384x3xf32>
    %dot_general3A_22 = arith.constant dense<0.000000e+00> : vector<2000x3xf32>
    %dot_general3A_23 = tpu.matmul %add3A_18, %get3A_21, %dot_general3A_22 {dimension_numbers = #tpu.dot_dimension_numbers<[1], [0], [0], [1], [0, 0, 1, 1], [], []>, precision = #tpu.contract_precision<fp32>, transpose_lhs_hint = false} : vector<2000x384xf32>, vector<384x3xf32>, vector<2000x3xf32> -> vector<2000x3xf32>
    %get3A_24 = arith.constant 0 : index
    %get3A_25 = arith.constant 0 : index
    %get3A_26 = vector.load %arg8[%get3A_24, %get3A_25] : memref<1x3xf32, #tpu.memory_space<vmem>>, vector<1x3xf32>
    %add3A_27 = vector.broadcast %get3A_26 : vector<1x3xf32> to vector<2000x3xf32>
    %add3A_28 = arith.addf %dot_general3A_23, %add3A_27 : vector<2000x3xf32>
    %reduce_max3A = arith.constant dense<0xFF800000> : vector<2000xf32>
    %reduce_max3A_29 = vector.multi_reduction <maximumf>, %add3A_28, %reduce_max3A [1] : vector<2000x3xf32> to vector<2000xf32>
    %broadcast_in_dim3A = vector.shape_cast %reduce_max3A_29 : vector<2000xf32> to vector<2000x1xf32>
    %sub3A = vector.broadcast %broadcast_in_dim3A : vector<2000x1xf32> to vector<2000x3xf32>
    %sub3A_30 = arith.subf %add3A_28, %sub3A : vector<2000x3xf32>
    %exp3A = math.exp %sub3A_30 : vector<2000x3xf32>
    %reduce_sum3A = arith.constant dense<0.000000e+00> : vector<2000xf32>
    %reduce_sum3A_31 = vector.multi_reduction <add>, %exp3A, %reduce_sum3A [1] : vector<2000x3xf32> to vector<2000xf32>
    %broadcast_in_dim3A_32 = vector.shape_cast %reduce_sum3A_31 : vector<2000xf32> to vector<2000x1xf32>
    %div3A = vector.broadcast %broadcast_in_dim3A_32 : vector<2000x1xf32> to vector<2000x3xf32>
    %div3A_33 = arith.divf %exp3A, %div3A : vector<2000x3xf32>
    %slice3A = vector.extract_strided_slice %add3A_18 {offsets = [0, 0], sizes = [2000, 128], strides = [1, 1]} : vector<2000x384xf32> to vector<2000x128xf32>
    %slice3A_34 = vector.extract_strided_slice %div3A_33 {offsets = [0, 0], sizes = [2000, 1], strides = [1, 1]} : vector<2000x3xf32> to vector<2000x1xf32>
    %mul3A = vector.broadcast %slice3A_34 : vector<2000x1xf32> to vector<2000x128xf32>
    %mul3A_35 = arith.mulf %slice3A, %mul3A : vector<2000x128xf32>
    %slice3A_36 = vector.extract_strided_slice %add3A_18 {offsets = [0, 128], sizes = [2000, 128], strides = [1, 1]} : vector<2000x384xf32> to vector<2000x128xf32>
    %slice3A_37 = vector.extract_strided_slice %div3A_33 {offsets = [0, 1], sizes = [2000, 1], strides = [1, 1]} : vector<2000x3xf32> to vector<2000x1xf32>
    %mul3A_38 = vector.broadcast %slice3A_37 : vector<2000x1xf32> to vector<2000x128xf32>
    %mul3A_39 = arith.mulf %slice3A_36, %mul3A_38 : vector<2000x128xf32>
    %slice3A_40 = vector.extract_strided_slice %add3A_18 {offsets = [0, 256], sizes = [2000, 128], strides = [1, 1]} : vector<2000x384xf32> to vector<2000x128xf32>
    %slice3A_41 = vector.extract_strided_slice %div3A_33 {offsets = [0, 2], sizes = [2000, 1], strides = [1, 1]} : vector<2000x3xf32> to vector<2000x1xf32>
    %mul3A_42 = vector.broadcast %slice3A_41 : vector<2000x1xf32> to vector<2000x128xf32>
    %mul3A_43 = arith.mulf %slice3A_40, %mul3A_42 : vector<2000x128xf32>
    %concatenate3A_44 = tpu.concatenate %mul3A_35, %mul3A_39, %mul3A_43 in 1 : vector<2000x128xf32>, vector<2000x128xf32>, vector<2000x128xf32> -> vector<2000x384xf32>
    %get3A_45 = arith.constant 0 : index
    %get3A_46 = arith.constant 0 : index
    %get3A_47 = vector.load %arg9[%get3A_45, %get3A_46] : memref<384x128xf32, #tpu.memory_space<vmem>>, vector<384x128xf32>
    %dot_general3A_48 = arith.constant dense<0.000000e+00> : vector<2000x128xf32>
    %dot_general3A_49 = tpu.matmul %concatenate3A_44, %get3A_47, %dot_general3A_48 {dimension_numbers = #tpu.dot_dimension_numbers<[1], [0], [0], [1], [0, 0, 1, 1], [], []>, precision = #tpu.contract_precision<fp32>, transpose_lhs_hint = false} : vector<2000x384xf32>, vector<384x128xf32>, vector<2000x128xf32> -> vector<2000x128xf32>
    %get3A_50 = arith.constant 0 : index
    %get3A_51 = arith.constant 0 : index
    %get3A_52 = vector.load %arg10[%get3A_50, %get3A_51] : memref<1x128xf32, #tpu.memory_space<vmem>>, vector<1x128xf32>
    %add3A_53 = vector.broadcast %get3A_52 : vector<1x128xf32> to vector<2000x128xf32>
    %add3A_54 = arith.addf %dot_general3A_49, %add3A_53 : vector<2000x128xf32>
    %swap3A = arith.constant 0 : index
    %swap3A_55 = arith.constant 0 : index
    %swap3A_56 = vector.load %arg11[%swap3A, %swap3A_55] : memref<2000x128xf32, #tpu.memory_space<vmem>>, vector<2000x128xf32>
    tpu.vector_store %arg11[%swap3A, %swap3A_55], %add3A_54 {strides = array<i32>} : memref<2000x128xf32, #tpu.memory_space<vmem>>, vector<2000x128xf32>,
    %eq3A = arith.constant 0 : i32
    %eq3A_57 = arith.cmpi eq, %arg0, %eq3A : i32
    %convert_element_type3A = arith.extui %eq3A_57 : i1 to i32
    %cond3A = arith.constant 0 : i32
    %cond3A_58 = arith.cmpi ne, %convert_element_type3A, %cond3A : i32
    scf.if %cond3A_58 {
      %broadcast_in_dim3A_80 = arith.constant 0.000000e+00 : f32
      %broadcast_in_dim3A_81 = vector.broadcast %broadcast_in_dim3A_80 : f32 to vector<1x128xf32>
      %swap3A_82 = arith.constant 0 : index
      %swap3A_83 = arith.constant 0 : index
      %swap3A_84 = vector.load %arg12[%swap3A_82, %swap3A_83] : memref<1x128xf32, #tpu.memory_space<vmem>>, vector<1x128xf32>
      tpu.vector_store %arg12[%swap3A_82, %swap3A_83], %broadcast_in_dim3A_81 {strides = array<i32>} : memref<1x128xf32, #tpu.memory_space<vmem>>, vector<1x128xf32>,
      %broadcast_in_dim3A_85 = arith.constant 0.000000e+00 : f32
      %broadcast_in_dim3A_86 = vector.broadcast %broadcast_in_dim3A_85 : f32 to vector<1x128xf32>
      %swap3A_87 = arith.constant 0 : index
      %swap3A_88 = arith.constant 0 : index
      %swap3A_89 = vector.load %arg13[%swap3A_87, %swap3A_88] : memref<1x128xf32, #tpu.memory_space<vmem>>, vector<1x128xf32>
      tpu.vector_store %arg13[%swap3A_87, %swap3A_88], %broadcast_in_dim3A_86 {strides = array<i32>} : memref<1x128xf32, #tpu.memory_space<vmem>>, vector<1x128xf32>,
    } else {
    }
    %get3A_59 = arith.constant 0 : index
    %get3A_60 = arith.constant 0 : index
    %get3A_61 = vector.load %arg12[%get3A_59, %get3A_60] : memref<1x128xf32, #tpu.memory_space<vmem>>, vector<1x128xf32>
    %reduce_sum3A_62 = arith.constant dense<0.000000e+00> : vector<128xf32>
    %reduce_sum3A_63 = vector.multi_reduction <add>, %add3A_54, %reduce_sum3A_62 [0] : vector<2000x128xf32> to vector<128xf32>
    %broadcast_in_dim3A_64 = vector.shape_cast %reduce_sum3A_63 : vector<128xf32> to vector<1x128xf32>
    %add3A_65 = arith.addf %get3A_61, %broadcast_in_dim3A_64 : vector<1x128xf32>
    %swap3A_66 = arith.constant 0 : index
    %swap3A_67 = arith.constant 0 : index
    %swap3A_68 = vector.load %arg12[%swap3A_66, %swap3A_67] : memref<1x128xf32, #tpu.memory_space<vmem>>, vector<1x128xf32>
    tpu.vector_store %arg12[%swap3A_66, %swap3A_67], %add3A_65 {strides = array<i32>} : memref<1x128xf32, #tpu.memory_space<vmem>>, vector<1x128xf32>,
    %get3A_69 = arith.constant 0 : index
    %get3A_70 = arith.constant 0 : index
    %get3A_71 = vector.load %arg13[%get3A_69, %get3A_70] : memref<1x128xf32, #tpu.memory_space<vmem>>, vector<1x128xf32>
    %mul3A_72 = arith.mulf %add3A_54, %add3A_54 : vector<2000x128xf32>
    %reduce_sum3A_73 = arith.constant dense<0.000000e+00> : vector<128xf32>
    %reduce_sum3A_74 = vector.multi_reduction <add>, %mul3A_72, %reduce_sum3A_73 [0] : vector<2000x128xf32> to vector<128xf32>
    %broadcast_in_dim3A_75 = vector.shape_cast %reduce_sum3A_74 : vector<128xf32> to vector<1x128xf32>
    %add3A_76 = arith.addf %get3A_71, %broadcast_in_dim3A_75 : vector<1x128xf32>
    %swap3A_77 = arith.constant 0 : index
    %swap3A_78 = arith.constant 0 : index
    %swap3A_79 = vector.load %arg13[%swap3A_77, %swap3A_78] : memref<1x128xf32, #tpu.memory_space<vmem>>, vector<1x128xf32>
    tpu.vector_store %arg13[%swap3A_77, %swap3A_78], %add3A_76 {strides = array<i32>} : memref<1x128xf32, #tpu.memory_space<vmem>>, vector<1x128xf32>,
    return
  }
  func.func @transform_0(%arg0: i32) -> (i32, i32) {
    %c0_i32 = arith.constant 0 : i32
    %c0_i32_0 = arith.constant 0 : i32
    return %arg0, %c0_i32 : i32, i32
  }
  func.func @transform_1(%arg0: i32) -> (i32, i32) {
    %c0_i32 = arith.constant 0 : i32
    %c0_i32_0 = arith.constant 0 : i32
    return %arg0, %c0_i32 : i32, i32
  }
  func.func @transform_2(%arg0: i32) -> (i32, i32) {
    %c0_i32 = arith.constant 0 : i32
    %c0_i32_0 = arith.constant 0 : i32
    return %arg0, %c0_i32 : i32, i32
  }
  func.func @transform_3(%arg0: i32) -> (i32, i32) {
    %c0_i32 = arith.constant 0 : i32
    %c0_i32_0 = arith.constant 0 : i32
    return %arg0, %c0_i32 : i32, i32
  }
  func.func @transform_4(%arg0: i32) -> (i32, i32) {
    %c0_i32 = arith.constant 0 : i32
    %c0_i32_0 = arith.constant 0 : i32
    %c0_i32_1 = arith.constant 0 : i32
    return %c0_i32, %c0_i32_0 : i32, i32
  }
  func.func @transform_5(%arg0: i32) -> (i32, i32) {
    %c0_i32 = arith.constant 0 : i32
    %c0_i32_0 = arith.constant 0 : i32
    %c0_i32_1 = arith.constant 0 : i32
    return %c0_i32, %c0_i32_0 : i32, i32
  }
  func.func @transform_6(%arg0: i32) -> (i32, i32) {
    %c0_i32 = arith.constant 0 : i32
    %c0_i32_0 = arith.constant 0 : i32
    %c0_i32_1 = arith.constant 0 : i32
    return %c0_i32, %c0_i32_0 : i32, i32
  }
  func.func @transform_7(%arg0: i32) -> (i32, i32) {
    %c0_i32 = arith.constant 0 : i32
    %c0_i32_0 = arith.constant 0 : i32
    %c0_i32_1 = arith.constant 0 : i32
    return %c0_i32, %c0_i32_0 : i32, i32
  }
  func.func @transform_8(%arg0: i32) -> (i32, i32) {
    %c0_i32 = arith.constant 0 : i32
    %c0_i32_0 = arith.constant 0 : i32
    %c0_i32_1 = arith.constant 0 : i32
    return %c0_i32, %c0_i32_0 : i32, i32
  }
  func.func @transform_9(%arg0: i32) -> (i32, i32) {
    %c0_i32 = arith.constant 0 : i32
    %c0_i32_0 = arith.constant 0 : i32
    %c0_i32_1 = arith.constant 0 : i32
    return %c0_i32, %c0_i32_0 : i32, i32
  }
  func.func @transform_10(%arg0: i32) -> (i32, i32) {
    %c0_i32 = arith.constant 0 : i32
    %c0_i32_0 = arith.constant 0 : i32
    return %arg0, %c0_i32 : i32, i32
  }
  func.func @transform_11(%arg0: i32) -> (i32, i32) {
    %c0_i32 = arith.constant 0 : i32
    %c0_i32_0 = arith.constant 0 : i32
    %c0_i32_1 = arith.constant 0 : i32
    return %c0_i32, %c0_i32_0 : i32, i32
  }
  func.func @transform_12(%arg0: i32) -> (i32, i32) {
    %c0_i32 = arith.constant 0 : i32
    %c0_i32_0 = arith.constant 0 : i32
    %c0_i32_1 = arith.constant 0 : i32
    return %c0_i32, %c0_i32_0 : i32, i32
  }
}

module attributes {stable_mosaic.version = 14 : i64} {
  func.func @_norm_body(%arg0: i32, %arg1: memref<2000x128xf32, #tpu.memory_space<vmem>>, %arg2: memref<1x128xf32, #tpu.memory_space<vmem>>, %arg3: memref<1x128xf32, #tpu.memory_space<vmem>>, %arg4: memref<1x128xf32, #tpu.memory_space<vmem>>, %arg5: memref<1x128xf32, #tpu.memory_space<vmem>>, %arg6: memref<2000x128xf32, #tpu.memory_space<vmem>>) attributes {dimension_semantics = [#tpu.dimension_semantics<arbitrary>], iteration_bounds = array<i64: 5>, scalar_prefetch = 0 : i64, scratch_operands = 0 : i64, tpu.core_type = #tpu.core_type<tc>, window_params = [{transform_indices = @transform_0, window_bounds = array<i64: 2000, 128>}, {pipeline_mode = #tpu.pipeline_mode<synchronous>, transform_indices = @transform_1, window_bounds = array<i64: 1, 128>}, {pipeline_mode = #tpu.pipeline_mode<synchronous>, transform_indices = @transform_2, window_bounds = array<i64: 1, 128>}, {pipeline_mode = #tpu.pipeline_mode<synchronous>, transform_indices = @transform_3, window_bounds = array<i64: 1, 128>}, {pipeline_mode = #tpu.pipeline_mode<synchronous>, transform_indices = @transform_4, window_bounds = array<i64: 1, 128>}, {transform_indices = @transform_5, window_bounds = array<i64: 2000, 128>}]} {
    %get3A = arith.constant 0 : index
    %get3A_0 = arith.constant 0 : index
    %get3A_1 = vector.load %arg2[%get3A, %get3A_0] : memref<1x128xf32, #tpu.memory_space<vmem>>, vector<1x128xf32>
    %div3A = arith.constant 1.000000e+04 : f32
    %div3A_2 = vector.broadcast %div3A : f32 to vector<1x128xf32>
    %div3A_3 = arith.divf %get3A_1, %div3A_2 : vector<1x128xf32>
    %get3A_4 = arith.constant 0 : index
    %get3A_5 = arith.constant 0 : index
    %get3A_6 = vector.load %arg3[%get3A_4, %get3A_5] : memref<1x128xf32, #tpu.memory_space<vmem>>, vector<1x128xf32>
    %div3A_7 = arith.constant 1.000000e+04 : f32
    %div3A_8 = vector.broadcast %div3A_7 : f32 to vector<1x128xf32>
    %div3A_9 = arith.divf %get3A_6, %div3A_8 : vector<1x128xf32>
    %mul3A = arith.mulf %div3A_3, %div3A_3 : vector<1x128xf32>
    %sub3A = arith.subf %div3A_9, %mul3A : vector<1x128xf32>
    %add3A = arith.constant 9.99999974E-6 : f32
    %add3A_10 = vector.broadcast %add3A : f32 to vector<1x128xf32>
    %add3A_11 = arith.addf %sub3A, %add3A_10 : vector<1x128xf32>
    %rsqrt3A = math.rsqrt %add3A_11 : vector<1x128xf32>
    %get3A_12 = arith.constant 0 : index
    %get3A_13 = arith.constant 0 : index
    %get3A_14 = vector.load %arg4[%get3A_12, %get3A_13] : memref<1x128xf32, #tpu.memory_space<vmem>>, vector<1x128xf32>
    %mul3A_15 = arith.mulf %rsqrt3A, %get3A_14 : vector<1x128xf32>
    %get3A_16 = arith.constant 0 : index
    %get3A_17 = arith.constant 0 : index
    %get3A_18 = vector.load %arg1[%get3A_16, %get3A_17] : memref<2000x128xf32, #tpu.memory_space<vmem>>, vector<2000x128xf32>
    %sub3A_19 = vector.broadcast %div3A_3 : vector<1x128xf32> to vector<2000x128xf32>
    %sub3A_20 = arith.subf %get3A_18, %sub3A_19 : vector<2000x128xf32>
    %mul3A_21 = vector.broadcast %mul3A_15 : vector<1x128xf32> to vector<2000x128xf32>
    %mul3A_22 = arith.mulf %sub3A_20, %mul3A_21 : vector<2000x128xf32>
    %get3A_23 = arith.constant 0 : index
    %get3A_24 = arith.constant 0 : index
    %get3A_25 = vector.load %arg5[%get3A_23, %get3A_24] : memref<1x128xf32, #tpu.memory_space<vmem>>, vector<1x128xf32>
    %add3A_26 = vector.broadcast %get3A_25 : vector<1x128xf32> to vector<2000x128xf32>
    %add3A_27 = arith.addf %mul3A_22, %add3A_26 : vector<2000x128xf32>
    %max3A = arith.constant 0.000000e+00 : f32
    %max3A_28 = vector.broadcast %max3A : f32 to vector<2000x128xf32>
    %max3A_29 = arith.maximumf %add3A_27, %max3A_28 : vector<2000x128xf32>
    %swap3A = arith.constant 0 : index
    %swap3A_30 = arith.constant 0 : index
    %swap3A_31 = vector.load %arg6[%swap3A, %swap3A_30] : memref<2000x128xf32, #tpu.memory_space<vmem>>, vector<2000x128xf32>
    tpu.vector_store %arg6[%swap3A, %swap3A_30], %max3A_29 {strides = array<i32>} : memref<2000x128xf32, #tpu.memory_space<vmem>>, vector<2000x128xf32>,
    return
  }
  func.func @transform_0(%arg0: i32) -> (i32, i32) {
    %c0_i32 = arith.constant 0 : i32
    %c0_i32_0 = arith.constant 0 : i32
    return %arg0, %c0_i32 : i32, i32
  }
  func.func @transform_1(%arg0: i32) -> (i32, i32) {
    %c0_i32 = arith.constant 0 : i32
    %c0_i32_0 = arith.constant 0 : i32
    %c0_i32_1 = arith.constant 0 : i32
    return %c0_i32, %c0_i32_0 : i32, i32
  }
  func.func @transform_2(%arg0: i32) -> (i32, i32) {
    %c0_i32 = arith.constant 0 : i32
    %c0_i32_0 = arith.constant 0 : i32
    %c0_i32_1 = arith.constant 0 : i32
    return %c0_i32, %c0_i32_0 : i32, i32
  }
  func.func @transform_3(%arg0: i32) -> (i32, i32) {
    %c0_i32 = arith.constant 0 : i32
    %c0_i32_0 = arith.constant 0 : i32
    %c0_i32_1 = arith.constant 0 : i32
    return %c0_i32, %c0_i32_0 : i32, i32
  }
  func.func @transform_4(%arg0: i32) -> (i32, i32) {
    %c0_i32 = arith.constant 0 : i32
    %c0_i32_0 = arith.constant 0 : i32
    %c0_i32_1 = arith.constant 0 : i32
    return %c0_i32, %c0_i32_0 : i32, i32
  }
  func.func @transform_5(%arg0: i32) -> (i32, i32) {
    %c0_i32 = arith.constant 0 : i32
    %c0_i32_0 = arith.constant 0 : i32
    return %arg0, %c0_i32 : i32, i32
  }
}

</mosaic_0001>

<sc_bundles>
// kernel: kernel.12.cloned.1.call-start
scs
__scs_entry_jumppad:
0x0: {  	(pc) =	sbr.rel $0x88, $3  }
0x1: {  	(tag) =	ssettag $0x0;
	lr =	simm.s32 $0x1  }
0x2: {  	[smem:$0x3F8D] =	sst lr;
	_ =	strace $0xD0000000  }
0x3: {  	_ = 	snop  }
0x4: {  	_ = 	snop  }
0x5: {  	_ = 	snop  }
0x6: {  	_ = 	snop  }
0x7: {  	_ = 	snop  }
__scs_overlays_trampoline_lowered:
0x8: {  	[smem:$0x3F9C] =	sst s0  }
0x9: {  	[smem:$0x3F9D] =	sst s1  }
0xa: {  	[smem:$0x3F9E] =	sst s2  }
0xb: {  	[smem:$0x3F9F] =	sst s3  }
0xc: {  	[smem:$0x3FA0] =	sst s4  }
0xd: {  	[smem:$0x3FA1] =	sst s5  }
0xe: {  	[smem:$0x3FA2] =	sst s6  }
0xf: {  	[smem:$0x3FA3] =	sst s7  }
0x10: {  	[smem:$0x3FA4] =	sst s8  }
0x11: {  	[smem:$0x3FA5] =	sst s9;
	s0 =	simm.s32 @!p0 $0x0  }
0x12: {  	s1 =	sld [smem:$0x3F8B];
	s0 =	simm.s32 @p0 $0x1  }
0x13: {  	[smem:$0x3FA6] =	sst s0;
	s0 =	simm.s32 @!p1 $0x0  }
0x14: {  	s2 =	sld [smem:$0x3F8A];
	s0 =	simm.s32 @p1 $0x1  }
0x15: {  	[smem:$0x3FA7] =	sst s0;
	s0 =	simm.s32 @!p2 $0x0  }
0x16: {  	s3 =	sld [smem:$0x3FDB];
	s0 =	simm.s32 @p2 $0x1  }
0x17: {  	s4 =	simm.s32 $0x1BF5;
	[smem:$0x3FA9] =	sst s0  }
0x18: {  	s0 =	sld [smem:$0x3F8C];
	_ =	swait.ge [sflag:s4], $0x0  }
0x19: {  	s7 =	sld [smem:$0x3F8D]  }
0x1a: {  	s8 =	sadd.s32 $0xFFFFE003, lr  }
0x1b: {  	s9 =	sadd.s32 $0xFFFFFEF7, lr;
	s5 =	simm.s32 $0xFFFFFFFF;
	p2 =	slt.u32 s8, $0xFFFFF086  }
0x1c: {  	p1 =	slt.u32 s9, $0xF7A;
	s5 =	simm.s32 @!p2 $0x0  }
0x1d: {  	s5 =	simm.s32 @p1 $0x1;
	p0 =	seq.s32 s7, s2  }
0x1e: {  	s7 =	smul.u32 @!p0 $0xF7A, s2;
	p2 =	seq.s32 @!p0 s5, $0x0  }
0x1f: {  	s9 =	smul.u32 $0xF7A, s1;
	s8 =	simm.s32 @!p0 $0x1BF5;
	p2 =	por !p2, p0  }
0x20: {  	[sflag:s8] =	ssyncset.s32 @!p0 $0xFFFFF086;
	s6 =	sadd.s32 @!p0 s3, s7;
	s7 =	simm.s32 @!p0 $0x108  }
0x21: {  	s3 =	sadd.s32 s3, s9;
	s6 =	sadd.s32 @!p0 $0x88, s6;
	s7 =	simm.s32 @p2 $0x1082  }
0x22: {  	[simem:s7], [sflag:s8] =	dma.local @!p0 [hbm:s6], $0xF7A  }
0x23: {  	s9 =	sor.u32 $0xD0000000, s2;
	s6 =	simm.s32 $0x108;
	_ =	swait.ge @!p0 [sflag:s8], $0x0  }
0x24: {  	s3 =	sadd.s32 $0x88, s3;
	s6 =	simm.s32 @!p1 $0x1082;
	[sflag:s4] =	ssyncset.s32 $0xFFFFF086  }
0x25: {  	[simem:s6], [sflag:s4] =	dma.local [hbm:s3], $0xF7A  }
0x26: {  	[smem:$0x3F8D] =	sst s1;
	(tag) =	ssettag s2;
	_ =	strace s9  }
0x27: {  	s1 =	sld [smem:$0x3F9D]  }
0x28: {  	s2 =	sld [smem:$0x3F9E]  }
0x29: {  	s4 =	sld [smem:$0x3FA0]  }
0x2a: {  	p0 =	seq.s32 s5, $0x0;
	s5 =	sld [smem:$0x3FA1]  }
0x2b: {  	s6 =	sld [smem:$0x3FA2]  }
0x2c: {  	s7 =	sld [smem:$0x3FA3]  }
0x2d: {  	s3 =	simm.s32 $0x108;
	s8 =	sld [smem:$0x3FA4]  }
0x2e: {  	s3 =	simm.s32 @!p0 $0x1082;
	s9 =	sld [smem:$0x3FA5]  }
0x2f: {  	lr =	sadd.s32 s0, s3;
	s0 =	sld [smem:$0x3F9C]  }
0x30: {  	s3 =	sld [smem:$0x3F9F]  }
0x31: {  	[smem:$0x3FA8] =	sst s10  }
0x32: {  	s10 =	sld [smem:$0x3FA6];
	_ =	sdelay $0x3  }
0x33: {  	p0 =	seq.s32 s10, $0x1;
	s10 =	sld [smem:$0x3FA8];
	_ =	sdelay $0x3  }
0x34: {  	[smem:$0x3FA8] =	sst s10  }
0x35: {  	s10 =	sld [smem:$0x3FA7];
	_ =	sdelay $0x3  }
0x36: {  	p1 =	seq.s32 s10, $0x1;
	s10 =	sld [smem:$0x3FA8];
	_ =	sdelay $0x3  }
0x37: {  	[smem:$0x3FA8] =	sst s10  }
0x38: {  	s10 =	sld [smem:$0x3FA9]  }
0x39: {  	_ = 	snop;
	(pc) =	sbr.ind lr, $3  }
0x3a: {  	_ = 	snop  }
0x3b: {  	_ = 	snop  }
0x3c: {  	p2 =	seq.s32 s10, $0x1;
	s10 =	sld [smem:$0x3FA8]  }
0x3d: {  	_ =	shalt  }
0x3e: {  	_ =	shalt  }
0x3f: {  	_ =	shalt  }
0x40: {  	_ =	shalt  }
0x41: {  	_ =	shalt  }
0x42: {  	_ =	shalt  }
0x43: {  	_ =	shalt  }
0x44: {  	_ =	shalt  }
0x45: {  	_ =	shalt  }
0x46: {  	_ =	shalt  }
0x47: {  	_ =	shalt  }
0x48: {  	_ =	shalt  }
0x49: {  	_ =	shalt  }
0x4a: {  	_ =	shalt  }
0x4b: {  	_ =	shalt  }
0x4c: {  	_ =	shalt  }
0x4d: {  	_ =	shalt  }
0x4e: {  	_ =	shalt  }
0x4f: {  	_ =	shalt  }
0x50: {  	_ =	shalt  }
0x51: {  	_ =	shalt  }
0x52: {  	_ =	shalt  }
0x53: {  	_ =	shalt  }
0x54: {  	_ =	shalt  }
0x55: {  	_ =	shalt  }
0x56: {  	_ =	shalt  }
0x57: {  	_ =	shalt  }
0x58: {  	_ =	shalt  }
0x59: {  	_ =	shalt  }
0x5a: {  	_ =	shalt  }
0x5b: {  	_ =	shalt  }
0x5c: {  	_ =	shalt  }
0x5d: {  	_ =	shalt  }
0x5e: {  	_ =	shalt  }
0x5f: {  	_ =	shalt  }
0x60: {  	_ =	shalt  }
0x61: {  	_ =	shalt  }
0x62: {  	_ =	shalt  }
0x63: {  	_ =	shalt  }
0x64: {  	_ =	shalt  }
0x65: {  	_ =	shalt  }
0x66: {  	_ =	shalt  }
0x67: {  	_ =	shalt  }
0x68: {  	_ =	shalt  }
0x69: {  	_ =	shalt  }
0x6a: {  	_ =	shalt  }
0x6b: {  	_ =	shalt  }
0x6c: {  	_ =	shalt  }
0x6d: {  	_ =	shalt  }
0x6e: {  	_ =	shalt  }
0x6f: {  	_ =	shalt  }
0x70: {  	_ =	shalt  }
0x71: {  	_ =	shalt  }
0x72: {  	_ =	shalt  }
0x73: {  	_ =	shalt  }
0x74: {  	_ =	shalt  }
0x75: {  	_ =	shalt  }
0x76: {  	_ =	shalt  }
0x77: {  	_ =	shalt  }
0x78: {  	_ =	shalt  }
0x79: {  	_ =	shalt  }
0x7a: {  	_ =	shalt  }
0x7b: {  	_ =	shalt  }
0x7c: {  	_ =	shalt  }
0x7d: {  	_ =	shalt  }
0x7e: {  	_ =	shalt  }
0x7f: {  	_ =	shalt  }
0x80: {  	_ =	shalt  }
0x81: {  	_ =	shalt  }
0x82: {  	_ =	shalt  }
0x83: {  	_ =	shalt  }
0x84: {  	_ =	shalt  }
0x85: {  	_ =	shalt  }
0x86: {  	_ =	shalt  }
0x87: {  	_ =	shalt  }
.Lfunc_end0:
.L_simem_size_0:
called_computation_lowered:
.L_overlay_start_0:
0x88: {  	s2 =	sld [smem:$0x3FD9]  }
0x89: {  	s3 =	sld [smem:$0x3FFE];
	_ =	sdelay $0x1  }
0x8a: {  	s1 =	srdreg.scid  }
0x8b: {  	s0 =	sand.u32 $0x1, s1  }
0x8c: {  	s17 =	sshll.u32 s0, $0xA;
	s2 =	sadd.s32 s3, s2  }
0x8d: {  	s2 =	sadd.s32 s2, s17  }
0x8e: {  	[smem:$0x3FB4] =	sst s2  }
0x8f: {  	_ = 	snop  }
0x90: {  	s2 =	sld [smem:$0x3FD0];
	(tm) =	ssettm $0x1  }
0x91: {  	s18 =	sld [smem:$0x3FFB];
	_ =	sdelay $0x3  }
0x92: {  	_ =	strace s18  }
0x93: {  	s3 =	sld [smem:$0x3FFC];
	_ =	sdelay $0x3  }
0x94: {  	_ =	strace s3  }
0x95: {  	s3 =	sld [smem:$0x3FFD];
	_ =	sdelay $0x3  }
0x96: {  	_ =	strace s3  }
0x97: {  	_ =	strace $0x8FFFFFFF  }
0x98: {  	s19 =	sld [smem:$0x3FDB];
	_ =	sdelay $0x1  }
0x99: {  	s4 =	simm.s32 $_scs_section_size  }
0x9a: {  	s5 =	simm.s32 $_size__tile_overlayer_lowered;
	s6 =	simm.s32 $_tile_overlayer_lowered  }
0x9b: {  	s22 =	simm.s32 $0x1BFF;
	s21 =	sshll.u32 s6, $0x1;
	s3 =	sadd.s32 s4, s19  }
0x9c: {  	s7 =	simm.s32 $0x0;
	s20 =	sshll.u32 s5, $0x1;
	s5 =	sadd.s32 s21, s3  }
0x9d: {  	[timem:s7], [sflag:s22] =	dma.local [hbm:s5], s20  }
0x9e: {  	_ =	swait.ge [sflag:s22], s20  }
0x9f: {  	s4 =	ssub.s32 $0x0, s20;
	[sflag:s22] =	ssyncset.done $0x0  }
0xa0: {  	[sflag:s22] =	ssyncadd.s32 s4;
	_ =	sdelay $0x1  }
0xa1: {  	s23 =	simm.s32 $0x1B8B  }
0xa2: {  	_ =	swait.ge [sflag:s23], $0x1  }
0xa3: {  	[sflag:s23] =	ssyncset.done $0x0  }
0xa4: {  	s25 =	simm.s32 $0x1B8E;
	s24 =	sld [smem:$0x3FFE];
	[sflag:s23] =	ssyncadd.s32 $0xFFFFFFFF  }
0xa5: {  	s26 =	simm.s32 $execute0_lowered;
	[smem:$0x3FD2] =	sst s25  }
0xa6: {  	s5 =	sshll.u32 s26, $0x1;
	_ =	strace $0x80000046;
	[dreg:$0x1] =	wrdreg $0xFFFFFFFF  }
0xa7: {  	s28 =	simm.s32 $_size_execute0_lowered;
	s3 =	sadd.s32 s3, s5;
	[dreg:$0x0] =	wrdreg $0x0  }
0xa8: {  	s5 =	sshll.u32 s28, $0x1;
	[dreg:$0x2] =	wrdreg s3  }
0xa9: {  	[dreg:$0x3] =	wrdreg s5  }
0xaa: {  	[dreg:$0x4] =	wrdreg $0xC0  }
0xab: {  	_ =	task [dreg:s7], $0x5FFFF  }
0xac: {  	[dreg:$0x1] =	wrdreg $0xFFFFFFFF  }
0xad: {  	[dreg:$0x0] =	wrdreg $0x60  }
0xae: {  	[dreg:$0x2] =	wrdreg s24  }
0xaf: {  	[dreg:$0x3] =	wrdreg s2  }
0xb0: {  	[dreg:$0x4] =	wrdreg $0x2B000  }
0xb1: {  	[dreg:$0x5] =	wrdreg $0x9  }
0xb2: {  	_ =	task.clear_ibuf [dreg:s7], $0x6FFFF;
	_ =	strace $0x90000046  }
0xb3: {  	s29 =	simm.s32 $0x9;
	_ =	strace $0x80000048  }
0xb4: {  	_ =	swait.ge [sflag:s29], $0x1  }
0xb5: {  	[sflag:s29] =	ssyncadd.s32 $0xFFFFFFFF  }
0xb6: {  	_ =	strace $0x90000048  }
0xb7: {  	_ =	sfence  }
0xb8: {  	s30 =	sld [smem:$0x0];
	_ =	sdelay $0x2  }
0xb9: {  	s31 =	sshll.u32 s1, $0xD;
	s1 =	sshrl.u32 s1, $0x2  }
0xba: {  	s3 =	sand.u32 $0x4000, s31;
	s1 =	sadd.s32 s1, s30  }
0xbb: {  	s0 =	sor.u32 s3, s0;
	s1 =	sshll.u32 s1, $0x11  }
0xbc: {  	s0 =	sor.u32 s1, s0  }
0xbd: {  	s0 =	sadd.s32 $0x8F2B, s0  }
0xbe: {  	[sflag:s0] =	ssyncadd.remote.s32 $0x1  }
0xbf: {  	_ =	sfence.sel $0xFFFF  }
0xc0: {  	[dreg:$0x0] =	wrdreg $0xFFFFFFFF;
	(pc) =	sbr.abs _section_cstart, $3  }
0xc1: {  	[dreg:$0x1] =	wrdreg $0xFFFFFFFF  }
0xc2: {  	_ =	task.clear_ibuf [dreg:s7], $0x2FFFF;
	_ =	strace $0x9FFFFFFF  }
0xc3: {  	(tm) =	ssettm $0x7FFFFFFF  }
tec
execute0_lowered:
.L_overlay_start_1:
0x0: {  	(tag) =	ssettag $0x1  }
0x1: {  	s4 =	rddreg [dreg:$0x0]  }
0x2: {  	s6 =	rddreg [dreg:$0x1]  }
0x3: {  	s2 =	rddreg [dreg:$0x2]  }
0x4: {  	s0 =	rddreg [dreg:$0x3]  }
0x5: {  	s3 =	srdreg.scid;
	s1 =	stileid.u32  }
0x6: {  	s11 =	simm.s32 $0x2800;
	s12 =	simm.s32 $0x0;
	s5 =	sand.u32 $0x1, s3  }
0x7: {  	s7 =	sshll.u32 s1, $0x1;
	s8 =	smul.u32 $0x280, s1;
	s3 =	simm.s32 $0x0  }
0x8: {  	s7 =	sor.u32 s5, s7;
	s9 =	smul.u32 $0x2800, s5;
	s5 =	ssub.s32 $0x2, s5  }
0x9: {  	[smem:$0x7FF] =	sst s3;
	s7 =	smul.u32 $0x500, s7;
	s10 =	sshrl.u32 s5, $0x1  }
0xa: {  	_ =	strace $0x80000047;
	s9 =	sadd.s32 s8, s9;
	s10 =	ssub.s32 s5, s10  }
0xb: {  	s7 =	sadd.s32 s7, s4;
	s9 =	sshrl.u32 s9, $0x3;
	s4 =	sadd.s32 s8, s2  }
0xc: {  	s8 =	simm.s32 $0x2880;
	s5 =	sadd.s32 $0xF000, s7;
	s6 =	sadd.s32 s6, s9  }
0xd: {  	v0 =	vimm.f32 $0.0e+00;
	v1 =	vimm.f32 $1.000000000e+00;
	s7 =	smax.u32 s10, $0x1;
	s9 =	simm.s32 $0x1;
	s10 =	simm.s32 $0x80  }
.LBB2_1:
0xe: {  	[tilespmem:$0x2880] =	vst v0  }
0xf: {  	[tilespmem:$0x2890] =	vst v0  }
0x10: {  	[tilespmem:$0x28A0] =	vst v0  }
0x11: {  	[tilespmem:$0x28B0] =	vst v0  }
0x12: {  	[tilespmem:$0x28C0] =	vst v0  }
0x13: {  	[tilespmem:$0x28D0] =	vst v0  }
0x14: {  	[tilespmem:$0x28E0] =	vst v0  }
0x15: {  	[tilespmem:$0x28F0] =	vst v0  }
0x16: {  	[tilespmem:$0x2900] =	vst v0  }
0x17: {  	[tilespmem:$0x2910] =	vst v0  }
0x18: {  	[tilespmem:$0x2920] =	vst v0  }
0x19: {  	[tilespmem:$0x2930] =	vst v0  }
0x1a: {  	[tilespmem:$0x2940] =	vst v0  }
0x1b: {  	[tilespmem:$0x2950] =	vst v0  }
0x1c: {  	[tilespmem:$0x2960] =	vst v0  }
0x1d: {  	[tilespmem:$0x2970] =	vst v0  }
0x1e: {  	[tilespmem:$0x2980] =	vst v0  }
0x1f: {  	[tilespmem:$0x2990] =	vst v0  }
0x20: {  	[tilespmem:$0x29A0] =	vst v0  }
0x21: {  	[tilespmem:$0x29B0] =	vst v0  }
0x22: {  	[tilespmem:$0x29C0] =	vst v0  }
0x23: {  	[tilespmem:$0x29D0] =	vst v0  }
0x24: {  	[tilespmem:$0x29E0] =	vst v0  }
0x25: {  	[tilespmem:$0x29F0] =	vst v0  }
0x26: {  	[tilespmem:$0x2A00] =	vst v0  }
0x27: {  	[tilespmem:$0x2A10] =	vst v0  }
0x28: {  	[tilespmem:$0x2A20] =	vst v0  }
0x29: {  	[tilespmem:$0x2A30] =	vst v0  }
0x2a: {  	[tilespmem:$0x2A40] =	vst v0  }
0x2b: {  	[tilespmem:$0x2A50] =	vst v0  }
0x2c: {  	[tilespmem:$0x2A60] =	vst v0  }
0x2d: {  	[tilespmem:$0x2A70] =	vst v0  }
0x2e: {  	[tilespmem:$0x2A80] =	vst v0  }
0x2f: {  	[tilespmem:$0x2A90] =	vst v0  }
0x30: {  	[tilespmem:$0x2AA0] =	vst v0  }
0x31: {  	[tilespmem:$0x2AB0] =	vst v0  }
0x32: {  	[tilespmem:$0x2AC0] =	vst v0  }
0x33: {  	[tilespmem:$0x2AD0] =	vst v0  }
0x34: {  	[tilespmem:$0x2AE0] =	vst v0  }
0x35: {  	[tilespmem:$0x2AF0] =	vst v0  }
0x36: {  	[spmem:s4] =	stream.linear.scatter [tilespmem:s8], [sflag:$0x1], $0x280, $0x38;
	[tilespmem:$0x2D80] =	vst v63  }
0x37: {  	_ =	swait.ge [sflag:s9], $0x280  }
0x38: {  	[sflag:s9] =	ssyncset.done $0x0  }
0x39: {  	[sflag:s9] =	ssyncadd.s32 $0xFFFFFD80  }
0x3a: {  	[tilespmem:$0x2800] =	vst v1  }
0x3b: {  	[tilespmem:$0x2810] =	vst v1  }
0x3c: {  	[tilespmem:$0x2820] =	vst v1  }
0x3d: {  	[tilespmem:$0x2830] =	vst v1  }
0x3e: {  	[tilespmem:$0x2840] =	vst v1  }
0x3f: {  	[tilespmem:$0x2850] =	vst v1  }
0x40: {  	[tilespmem:$0x2860] =	vst v1  }
0x41: {  	[tilespmem:$0x2870] =	vst v1  }
0x42: {  	[tilespmem:s3], [sflag:$0x1] =	stream.linear.gather [hbm4b:s5+s3], $0x2800, $0x38;
	[tilespmem:$0x2D80] =	vst v63  }
0x43: {  	_ =	swait.ge [sflag:s9], $0x2800  }
0x44: {  	[sflag:s9] =	ssyncset.done $0x0  }
0x45: {  	[sflag:s9] =	ssyncadd.s32 $0xFFFFD800  }
0x46: {  	s13 =	simm.s32 $0x0;
	[bflag:$0x0] =	sbarrier.arrive $0xFFFF  }
0x47: {  	[spmem:s2] =	stream.indirect.scatter.add.f32 [tilespmem:s11], [sflag:$0x1], $0x1, s13, s10, $0xb8;
	[tilespmem:$0x2D80] =	vst v63  }
0x48: {  	_ =	swait.ge [sflag:s9], $0x80  }
0x49: {  	s13 =	simm.s32 $0x200;
	[sflag:s9] =	ssyncset.done $0x0  }
.LBB2_2:
0x4a: {  	s14 =	sshra.s32 s13, $0x2;
	[sflag:s9] =	ssyncadd.s32 $0xFFFFFF80;
	p0 =	sne.s32 s13, $0x9E00  }
0x4b: {  	[spmem:s2] =	stream.indirect.scatter.add.f32 [tilespmem:s11], [sflag:$0x1], $0x1, s14, s10, $0xb8;
	[tilespmem:$0x2D80] =	vst v63  }
.Ltmp0:
0x4c: {  	_ = 	snop;
	(pc) =	sbr.rel @p0 .LBB2_2-.Ltmp0, $4  }
0x4d: {  	_ = 	snop  }
0x4e: {  	s13 =	sadd.s32 $0x200, s13  }
0x4f: {  	_ =	swait.ge [sflag:s9], $0x80  }
0x50: {  	[sflag:s9] =	ssyncset.done $0x0  }
0x51: {  	[sflag:s9] =	ssyncadd.s32 $0xFFFFFF80  }
0x52: {  	[bflag:$0x0] =	sbarrier.arrive $0xFFFF  }
0x53: {  	[tilespmem:s8], [sflag:$0x1] =	stream.linear.gather [spmem:s4], $0x280, $0x38;
	[tilespmem:$0x2D80] =	vst v63  }
0x54: {  	s12 =	sadd.s32 $0x1, s12;
	_ =	swait.ge [sflag:s9], $0x280  }
0x55: {  	p0 =	sne.s32 s12, s7;
	[sflag:s9] =	ssyncset.done $0x0  }
.Ltmp1:
0x56: {  	[sflag:s9] =	ssyncadd.s32 $0xFFFFFD80;
	(pc) =	sbr.rel @p0 .LBB2_1-.Ltmp1, $4  }
0x57: {  	[hbm4b:s6+s3] =	stream.linear.scatter [tilespmem:s8], [sflag:$0x1], $0x280, $0x38;
	[tilespmem:$0x2D80] =	vst v63  }
0x58: {  	_ =	swait.ge [sflag:s9], $0x280  }
0x59: {  	[sflag:s9] =	ssyncset.done $0x0  }
0x5a: {  	[sflag:s9] =	ssyncadd.s32 $0xFFFFFD80  }
0x5b: {  	_ =	sfence.sel $0x180000  }
0x5c: {  	[bflag:$0x0] =	sbarrier.arrive $0xFFFF  }
0x5d: {  	p0 =	sne.s32 s1, $0x0;
	_ =	strace $0x90000047  }
0x5e: {  	s0 =	sadd.s32 @!p0 $0x100000, s0;
	[bflag:$0x2] =	sbarrier.arrive $0xFFFF  }
0x5f: {  	[sflag:s0] =	ssyncadd.tile.s32 @!p0 $0x1;
	_ =	shalt  }
.Lfunc_end2:
_tile_overlayer_lowered:
.L_overlay_start_2:
0x60: {  	(tag) =	ssettag $0x2  }
0x61: {  	s0 =	rddreg [dreg:$0x0];
	s2 =	stileid.u32  }
0x62: {  	s1 =	rddreg [dreg:$0x1];
	p0 =	sne.s32 s2, $0x0  }
0x63: {  	s3 =	rddreg [dreg:$0x2];
	[bflag:$0x3] =	sbarrier.arrive $0xFFFF;
	s2 =	simm.s32 @!p0 $0x1C01  }
0x64: {  	[timem:s3], [sflag:s2] =	dma.local @!p0 [hbm:s0], s1  }
0x65: {  	s0 =	simm.s32 @!p0 $0x1  }
0x66: {  	_ =	swait.ge @!p0 [sflag:s0], s1  }
0x67: {  	s1 =	ssub.s32 @!p0 $0x0, s1;
	[sflag:s0] =	ssyncset.done @!p0 $0x0  }
0x68: {  	[sflag:s0] =	ssyncadd.s32 @!p0 s1  }
0x69: {  	[bflag:$0x3] =	sbarrier.arrive $0xFFFF  }
0x6a: {  	_ =	shalt  }

// kernel: kernel.15.cloned.1.call-start
scs
__scs_entry_jumppad:
0x0: {  	(pc) =	sbr.rel $0x88, $3  }
0x1: {  	(tag) =	ssettag $0x0;
	lr =	simm.s32 $0x1  }
0x2: {  	[smem:$0x3F8D] =	sst lr;
	_ =	strace $0xD0000000  }
0x3: {  	_ = 	snop  }
0x4: {  	_ = 	snop  }
0x5: {  	_ = 	snop  }
0x6: {  	_ = 	snop  }
0x7: {  	_ = 	snop  }
__scs_overlays_trampoline_lowered:
0x8: {  	[smem:$0x3F9C] =	sst s0  }
0x9: {  	[smem:$0x3F9D] =	sst s1  }
0xa: {  	[smem:$0x3F9E] =	sst s2  }
0xb: {  	[smem:$0x3F9F] =	sst s3  }
0xc: {  	[smem:$0x3FA0] =	sst s4  }
0xd: {  	[smem:$0x3FA1] =	sst s5  }
0xe: {  	[smem:$0x3FA2] =	sst s6  }
0xf: {  	[smem:$0x3FA3] =	sst s7  }
0x10: {  	[smem:$0x3FA4] =	sst s8  }
0x11: {  	[smem:$0x3FA5] =	sst s9;
	s0 =	simm.s32 @!p0 $0x0  }
0x12: {  	s1 =	sld [smem:$0x3F8B];
	s0 =	simm.s32 @p0 $0x1  }
0x13: {  	[smem:$0x3FA6] =	sst s0;
	s0 =	simm.s32 @!p1 $0x0  }
0x14: {  	s2 =	sld [smem:$0x3F8A];
	s0 =	simm.s32 @p1 $0x1  }
0x15: {  	[smem:$0x3FA7] =	sst s0;
	s0 =	simm.s32 @!p2 $0x0  }
0x16: {  	s3 =	sld [smem:$0x3FDB];
	s0 =	simm.s32 @p2 $0x1  }
0x17: {  	s4 =	simm.s32 $0x1BF5;
	[smem:$0x3FA9] =	sst s0  }
0x18: {  	s0 =	sld [smem:$0x3F8C];
	_ =	swait.ge [sflag:s4], $0x0  }
0x19: {  	s7 =	sld [smem:$0x3F8D]  }
0x1a: {  	s8 =	sadd.s32 $0xFFFFE003, lr  }
0x1b: {  	s9 =	sadd.s32 $0xFFFFFEF7, lr;
	s5 =	simm.s32 $0xFFFFFFFF;
	p2 =	slt.u32 s8, $0xFFFFF086  }
0x1c: {  	p1 =	slt.u32 s9, $0xF7A;
	s5 =	simm.s32 @!p2 $0x0  }
0x1d: {  	s5 =	simm.s32 @p1 $0x1;
	p0 =	seq.s32 s7, s2  }
0x1e: {  	s7 =	smul.u32 @!p0 $0xF7A, s2;
	p2 =	seq.s32 @!p0 s5, $0x0  }
0x1f: {  	s9 =	smul.u32 $0xF7A, s1;
	s8 =	simm.s32 @!p0 $0x1BF5;
	p2 =	por !p2, p0  }
0x20: {  	[sflag:s8] =	ssyncset.s32 @!p0 $0xFFFFF086;
	s6 =	sadd.s32 @!p0 s3, s7;
	s7 =	simm.s32 @!p0 $0x108  }
0x21: {  	s3 =	sadd.s32 s3, s9;
	s6 =	sadd.s32 @!p0 $0x88, s6;
	s7 =	simm.s32 @p2 $0x1082  }
0x22: {  	[simem:s7], [sflag:s8] =	dma.local @!p0 [hbm:s6], $0xF7A  }
0x23: {  	s9 =	sor.u32 $0xD0000000, s2;
	s6 =	simm.s32 $0x108;
	_ =	swait.ge @!p0 [sflag:s8], $0x0  }
0x24: {  	s3 =	sadd.s32 $0x88, s3;
	s6 =	simm.s32 @!p1 $0x1082;
	[sflag:s4] =	ssyncset.s32 $0xFFFFF086  }
0x25: {  	[simem:s6], [sflag:s4] =	dma.local [hbm:s3], $0xF7A  }
0x26: {  	[smem:$0x3F8D] =	sst s1;
	(tag) =	ssettag s2;
	_ =	strace s9  }
0x27: {  	s1 =	sld [smem:$0x3F9D]  }
0x28: {  	s2 =	sld [smem:$0x3F9E]  }
0x29: {  	s4 =	sld [smem:$0x3FA0]  }
0x2a: {  	p0 =	seq.s32 s5, $0x0;
	s5 =	sld [smem:$0x3FA1]  }
0x2b: {  	s6 =	sld [smem:$0x3FA2]  }
0x2c: {  	s7 =	sld [smem:$0x3FA3]  }
0x2d: {  	s3 =	simm.s32 $0x108;
	s8 =	sld [smem:$0x3FA4]  }
0x2e: {  	s3 =	simm.s32 @!p0 $0x1082;
	s9 =	sld [smem:$0x3FA5]  }
0x2f: {  	lr =	sadd.s32 s0, s3;
	s0 =	sld [smem:$0x3F9C]  }
0x30: {  	s3 =	sld [smem:$0x3F9F]  }
0x31: {  	[smem:$0x3FA8] =	sst s10  }
0x32: {  	s10 =	sld [smem:$0x3FA6];
	_ =	sdelay $0x3  }
0x33: {  	p0 =	seq.s32 s10, $0x1;
	s10 =	sld [smem:$0x3FA8];
	_ =	sdelay $0x3  }
0x34: {  	[smem:$0x3FA8] =	sst s10  }
0x35: {  	s10 =	sld [smem:$0x3FA7];
	_ =	sdelay $0x3  }
0x36: {  	p1 =	seq.s32 s10, $0x1;
	s10 =	sld [smem:$0x3FA8];
	_ =	sdelay $0x3  }
0x37: {  	[smem:$0x3FA8] =	sst s10  }
0x38: {  	s10 =	sld [smem:$0x3FA9]  }
0x39: {  	_ = 	snop;
	(pc) =	sbr.ind lr, $3  }
0x3a: {  	_ = 	snop  }
0x3b: {  	_ = 	snop  }
0x3c: {  	p2 =	seq.s32 s10, $0x1;
	s10 =	sld [smem:$0x3FA8]  }
0x3d: {  	_ =	shalt  }
0x3e: {  	_ =	shalt  }
0x3f: {  	_ =	shalt  }
0x40: {  	_ =	shalt  }
0x41: {  	_ =	shalt  }
0x42: {  	_ =	shalt  }
0x43: {  	_ =	shalt  }
0x44: {  	_ =	shalt  }
0x45: {  	_ =	shalt  }
0x46: {  	_ =	shalt  }
0x47: {  	_ =	shalt  }
0x48: {  	_ =	shalt  }
0x49: {  	_ =	shalt  }
0x4a: {  	_ =	shalt  }
0x4b: {  	_ =	shalt  }
0x4c: {  	_ =	shalt  }
0x4d: {  	_ =	shalt  }
0x4e: {  	_ =	shalt  }
0x4f: {  	_ =	shalt  }
0x50: {  	_ =	shalt  }
0x51: {  	_ =	shalt  }
0x52: {  	_ =	shalt  }
0x53: {  	_ =	shalt  }
0x54: {  	_ =	shalt  }
0x55: {  	_ =	shalt  }
0x56: {  	_ =	shalt  }
0x57: {  	_ =	shalt  }
0x58: {  	_ =	shalt  }
0x59: {  	_ =	shalt  }
0x5a: {  	_ =	shalt  }
0x5b: {  	_ =	shalt  }
0x5c: {  	_ =	shalt  }
0x5d: {  	_ =	shalt  }
0x5e: {  	_ =	shalt  }
0x5f: {  	_ =	shalt  }
0x60: {  	_ =	shalt  }
0x61: {  	_ =	shalt  }
0x62: {  	_ =	shalt  }
0x63: {  	_ =	shalt  }
0x64: {  	_ =	shalt  }
0x65: {  	_ =	shalt  }
0x66: {  	_ =	shalt  }
0x67: {  	_ =	shalt  }
0x68: {  	_ =	shalt  }
0x69: {  	_ =	shalt  }
0x6a: {  	_ =	shalt  }
0x6b: {  	_ =	shalt  }
0x6c: {  	_ =	shalt  }
0x6d: {  	_ =	shalt  }
0x6e: {  	_ =	shalt  }
0x6f: {  	_ =	shalt  }
0x70: {  	_ =	shalt  }
0x71: {  	_ =	shalt  }
0x72: {  	_ =	shalt  }
0x73: {  	_ =	shalt  }
0x74: {  	_ =	shalt  }
0x75: {  	_ =	shalt  }
0x76: {  	_ =	shalt  }
0x77: {  	_ =	shalt  }
0x78: {  	_ =	shalt  }
0x79: {  	_ =	shalt  }
0x7a: {  	_ =	shalt  }
0x7b: {  	_ =	shalt  }
0x7c: {  	_ =	shalt  }
0x7d: {  	_ =	shalt  }
0x7e: {  	_ =	shalt  }
0x7f: {  	_ =	shalt  }
0x80: {  	_ =	shalt  }
0x81: {  	_ =	shalt  }
0x82: {  	_ =	shalt  }
0x83: {  	_ =	shalt  }
0x84: {  	_ =	shalt  }
0x85: {  	_ =	shalt  }
0x86: {  	_ =	shalt  }
0x87: {  	_ =	shalt  }
.Lfunc_end0:
.L_simem_size_0:
called_computation.1_lowered:
.L_overlay_start_0:
0x88: {  	s2 =	sld [smem:$0x3FD9]  }
0x89: {  	s3 =	sld [smem:$0x3FFE];
	_ =	sdelay $0x1  }
0x8a: {  	s1 =	srdreg.scid  }
0x8b: {  	s0 =	sand.u32 $0x1, s1  }
0x8c: {  	s16 =	sshll.u32 s0, $0xA;
	s2 =	sadd.s32 s3, s2  }
0x8d: {  	s2 =	sadd.s32 s2, s16  }
0x8e: {  	[smem:$0x3FB4] =	sst s2  }
0x8f: {  	_ = 	snop  }
0x90: {  	(tm) =	ssettm $0x1  }
0x91: {  	s17 =	sld [smem:$0x3FFB];
	_ =	sdelay $0x3  }
0x92: {  	_ =	strace s17  }
0x93: {  	s2 =	sld [smem:$0x3FFC];
	_ =	sdelay $0x3  }
0x94: {  	_ =	strace s2  }
0x95: {  	s2 =	sld [smem:$0x3FFD];
	_ =	sdelay $0x3  }
0x96: {  	_ =	strace s2  }
0x97: {  	_ =	strace $0x8FFFFFFF  }
0x98: {  	s18 =	sld [smem:$0x3FDB];
	_ =	sdelay $0x1  }
0x99: {  	s19 =	simm.s32 $_scs_section_size  }
0x9a: {  	s4 =	simm.s32 $_size__tile_overlayer_lowered;
	s5 =	simm.s32 $_tile_overlayer_lowered  }
0x9b: {  	s22 =	simm.s32 $0x1BFF;
	s21 =	sshll.u32 s5, $0x1;
	s2 =	sadd.s32 s19, s18  }
0x9c: {  	s6 =	simm.s32 $0x0;
	s20 =	sshll.u32 s4, $0x1;
	s4 =	sadd.s32 s21, s2  }
0x9d: {  	[timem:s6], [sflag:s22] =	dma.local [hbm:s4], s20  }
0x9e: {  	_ =	swait.ge [sflag:s22], s20  }
0x9f: {  	s3 =	ssub.s32 $0x0, s20;
	[sflag:s22] =	ssyncset.done $0x0  }
0xa0: {  	[sflag:s22] =	ssyncadd.s32 s3;
	_ =	sdelay $0x1  }
0xa1: {  	s23 =	simm.s32 $0x1B8B  }
0xa2: {  	_ =	swait.ge [sflag:s23], $0x1  }
0xa3: {  	[sflag:s23] =	ssyncset.done $0x0  }
0xa4: {  	s25 =	simm.s32 $0x1B8E;
	s24 =	sld [smem:$0x3FFE];
	[sflag:s23] =	ssyncadd.s32 $0xFFFFFFFF  }
0xa5: {  	s26 =	simm.s32 $execute0_lowered;
	[smem:$0x3FD2] =	sst s25  }
0xa6: {  	s4 =	sshll.u32 s26, $0x1;
	_ =	strace $0x80000049;
	[dreg:$0x1] =	wrdreg $0xFFFFFFFF  }
0xa7: {  	s28 =	simm.s32 $_size_execute0_lowered;
	s2 =	sadd.s32 s2, s4;
	[dreg:$0x0] =	wrdreg $0x0  }
0xa8: {  	s4 =	sshll.u32 s28, $0x1;
	[dreg:$0x2] =	wrdreg s2  }
0xa9: {  	[dreg:$0x3] =	wrdreg s4  }
0xaa: {  	[dreg:$0x4] =	wrdreg $0xC0  }
0xab: {  	_ =	task [dreg:s6], $0x5FFFF  }
0xac: {  	[dreg:$0x1] =	wrdreg $0xFFFFFFFF  }
0xad: {  	[dreg:$0x0] =	wrdreg $0x60  }
0xae: {  	[dreg:$0x2] =	wrdreg s24  }
0xaf: {  	[dreg:$0x3] =	wrdreg $0xA8000  }
0xb0: {  	[dreg:$0x4] =	wrdreg $0x9  }
0xb1: {  	_ =	task.clear_ibuf [dreg:s6], $0x5FFFF;
	_ =	strace $0x90000049  }
0xb2: {  	s29 =	simm.s32 $0x9;
	_ =	strace $0x8000004B  }
0xb3: {  	_ =	swait.ge [sflag:s29], $0x1  }
0xb4: {  	[sflag:s29] =	ssyncadd.s32 $0xFFFFFFFF  }
0xb5: {  	_ =	strace $0x9000004B  }
0xb6: {  	_ =	sfence  }
0xb7: {  	s30 =	sld [smem:$0x0];
	_ =	sdelay $0x2  }
0xb8: {  	s31 =	sshll.u32 s1, $0xD;
	s1 =	sshrl.u32 s1, $0x2  }
0xb9: {  	s3 =	sand.u32 $0x4000, s31;
	s1 =	sadd.s32 s1, s30  }
0xba: {  	s0 =	sor.u32 s3, s0;
	s1 =	sshll.u32 s1, $0x11  }
0xbb: {  	s0 =	sor.u32 s1, s0  }
0xbc: {  	s0 =	sadd.s32 $0x8F2B, s0  }
0xbd: {  	[sflag:s0] =	ssyncadd.remote.s32 $0x1  }
0xbe: {  	_ =	sfence.sel $0xFFFF  }
0xbf: {  	[dreg:$0x0] =	wrdreg $0xFFFFFFFF;
	(pc) =	sbr.abs _section_cstart, $3  }
0xc0: {  	[dreg:$0x1] =	wrdreg $0xFFFFFFFF  }
0xc1: {  	_ =	task.clear_ibuf [dreg:s6], $0x2FFFF;
	_ =	strace $0x9FFFFFFF  }
0xc2: {  	(tm) =	ssettm $0x7FFFFFFF  }
0xc3: {  	_ =	shalt  }
tec
execute0_lowered:
.L_overlay_start_1:
0x0: {  	(tag) =	ssettag $0x1  }
0x1: {  	s7 =	rddreg [dreg:$0x0]  }
0x2: {  	s2 =	rddreg [dreg:$0x1]  }
0x3: {  	s0 =	rddreg [dreg:$0x2];
	s1 =	stileid.u32  }
0x4: {  	s4 =	srdreg.scid;
	s3 =	simm.s32 $0x0;
	s16 =	simm.s32 $0x1400  }
0x5: {  	s17 =	simm.s32 $0x80;
	s18 =	simm.s32 $0x2800;
	s19 =	simm.s32 $0x1  }
0x6: {  	s20 =	simm.s32 $0x6800;
	s21 =	simm.s32 $0x2;
	s22 =	simm.s32 $0x1380  }
0x7: {  	s23 =	simm.s32 $0x2700;
	s24 =	simm.s32 $0x2780;
	s8 =	smul.u32 $0x14000, s1  }
0x8: {  	s9 =	sand.u32 $0x1, s4;
	[smem:$0x7FF] =	sst s3;
	s11 =	smul.u32 $0x50000, s1  }
0x9: {  	s4 =	sadd.s32 $0x19000, s7;
	s5 =	sadd.s32 $0xF000, s7;
	s13 =	smul.u32 $0x1400, s1  }
0xa: {  	s6 =	sadd.s32 $0x5000, s7;
	s29 =	sshll.u32 s1, $0x6;
	s10 =	smul.u32 $0x140000, s9  }
0xb: {  	_ =	strace $0x8000004A;
	s26 =	ssub.s32 $0x2, s9;
	p0 =	seq.s32 s9, $0x1  }
0xc: {  	s9 =	smul.u32 $0x78, s1;
	s28 =	sshrl.u32 s26, $0x1;
	s11 =	sshrl.u32 s11, $0x2  }
0xd: {  	s30 =	sshrl.u32 s13, $0x3;
	s10 =	sadd.s32 s8, s10;
	s8 =	sshrl.u32 s8, $0x3  }
.Ltmp0:
0xe: {  	s14 =	ssub.s32 s26, s28;
	s15 =	sadd.s32 s11, s2;
	(pc) =	sbr.rel .LBB2_1-.Ltmp0, $4  }
0xf: {  	s31 =	sadd.s32 $0x7800, s30;
	s10 =	sshrl.u32 s10, $0x3;
	s8 =	sadd.s32 s8, s7  }
0x10: {  	s11 =	sadd.s32 s6, s31;
	s13 =	smax.u32 s14, $0x1;
	s14 =	sshrl.u32 s15, $0x3  }
0x11: {  	s15 =	simm.s32 $0x3;
	s12 =	sadd.s32 s10, s7;
	s7 =	sadd.s32 $0x41000, s8  }
0x12: {  	s8 =	sor.u32 $0x1C03, s29;
	s10 =	sadd.s32 s5, s31;
	s12 =	sadd.s32 $0x69000, s12  }
.LBB2_8:
0x13: {  	s3 =	sadd.s32 $0x1, s3  }
0x14: {  	p1 =	sne.s32 s3, s13  }
.Ltmp1:
0x15: {  	[bflag:$0x0] =	sbarrier.arrive $0xFFFF;
	(pc) =	sbr.rel @!p1 .LBB2_9-.Ltmp1, $4  }
0x16: {  	[hbm:s12], [sflag:s8] =	dma.local [spmem:s14], $0x2800  }
0x17: {  	_ =	swait.ge [sflag:s15], $0x2800  }
0x18: {  	[sflag:s15] =	ssyncset.done $0x0  }
0x19: {  	[sflag:s15] =	ssyncadd.s32 $0xFFFFD800  }
.LBB2_1:
0x1a: {  	[spmem:s14], [sflag:s8] =	dma.local [hbm:s7], $0x2800  }
.Ltmp2:
0x1b: {  	_ =	swait.ge [sflag:s15], $0x2800;
	(pc) =	sbr.rel @!p0 .LBB2_2-.Ltmp2, $4  }
0x1c: {  	[sflag:s15] =	ssyncset.done $0x0  }
0x1d: {  	[sflag:s15] =	ssyncadd.s32 $0xFFFFD800  }
0x1e: {  	[bflag:$0x0] =	sbarrier.arrive $0xFFFF  }
0x1f: {  	s25 =	simm.s32 $0x0  }
0x20: {  	s25 =	simm.s32 $0x0  }
0x21: {  	[tilespmem:s25], [sflag:$0x3] =	stream.linear.gather [hbm4b:s10+s25], $0x1400, $0x38;
	[tilespmem:$0x1E800] =	vst v63  }
0x22: {  	_ =	swait.ge [sflag:s15], $0x1400  }
0x23: {  	[sflag:s15] =	ssyncset.done $0x0  }
0x24: {  	[sflag:s15] =	ssyncadd.s32 $0xFFFFEC00  }
0x25: {  	[tilespmem:s16], [sflag:$0x3] =	stream.linear.gather [hbm4b:s11+s25], $0x1400, $0x38;
	[tilespmem:$0x1E800] =	vst v63  }
0x26: {  	_ =	swait.ge [sflag:s15], $0x1400  }
0x27: {  	[sflag:s15] =	ssyncset.done $0x0  }
0x28: {  	s30 =	simm.s32 $0x0;
	[sflag:s15] =	ssyncadd.s32 $0xFFFFEC00  }
0x29: {  	[tilespmem:s18], [sflag:$0x1] =	stream.indirect.gather [hbm4b:s4+s17], $0x80, s30, s17, $0xb8;
	[tilespmem:$0x1E800] =	vst v63  }
0x2a: {  	_ =	swait.ge [sflag:s19], $0x4000  }
0x2b: {  	[sflag:s19] =	ssyncset.done $0x0  }
0x2c: {  	s31 =	simm.s32 $0x1400;
	[sflag:s19] =	ssyncadd.s32 $0xFFFFC000  }
0x2d: {  	[spmem:s2] =	stream.indirect.scatter.add.f32 [tilespmem:s18], [sflag:$0x3], $0x80, s31, s17, $0xb8;
	[tilespmem:$0x1E800] =	vst v63  }
0x2e: {  	_ =	swait.ge [sflag:s15], $0x4000  }
0x2f: {  	s26 =	simm.s32 $0x400;
	s25 =	simm.s32 $0x200;
	[sflag:s15] =	ssyncset.done $0x0  }
.LBB2_6:
0x30: {  	s28 =	sshra.s32 s25, $0x2  }
0x31: {  	[sflag:s15] =	ssyncadd.s32 $0xFFFFC000;
	s25 =	smov.u32 s26;
	s29 =	sadd.s32 $0x200, s26  }
0x32: {  	[tilespmem:s18], [sflag:$0x1] =	stream.indirect.gather [hbm4b:s4+s17], $0x80, s28, s17, $0xb8;
	[tilespmem:$0x1E800] =	vst v63  }
0x33: {  	p1 =	sne.s32 s26, $0x4E00;
	_ =	swait.ge [sflag:s19], $0x4000  }
.Ltmp3:
0x34: {  	[sflag:s19] =	ssyncset.done $0x0;
	(pc) =	sbr.rel @p1 .LBB2_6-.Ltmp3, $4  }
0x35: {  	s26 =	sadd.s32 $0x1400, s28;
	[sflag:s19] =	ssyncadd.s32 $0xFFFFC000  }
0x36: {  	[spmem:s2] =	stream.indirect.scatter.add.f32 [tilespmem:s18], [sflag:$0x3], $0x80, s26, s17, $0xb8;
	[tilespmem:$0x1E800] =	vst v63  }
0x37: {  	_ =	swait.ge [sflag:s15], $0x4000  }
0x38: {  	s26 =	smov.u32 s29;
	[sflag:s15] =	ssyncset.done $0x0  }
0x39: {  	s25 =	sshra.s32 s25, $0x2;
	[sflag:s15] =	ssyncadd.s32 $0xFFFFC000  }
0x3a: {  	[tilespmem:s18], [sflag:$0x1] =	stream.indirect.gather [hbm4b:s4+s17], $0x80, s25, s17, $0xb8;
	[tilespmem:$0x1E800] =	vst v63  }
0x3b: {  	_ =	swait.ge [sflag:s19], $0x4000  }
0x3c: {  	[sflag:s19] =	ssyncset.done $0x0  }
.Ltmp4:
0x3d: {  	s25 =	sadd.s32 $0x1400, s25;
	[sflag:s19] =	ssyncadd.s32 $0xFFFFC000;
	(pc) =	sbr.rel .LBB2_8-.Ltmp4, $4  }
0x3e: {  	[spmem:s2] =	stream.indirect.scatter.add.f32 [tilespmem:s18], [sflag:$0x3], $0x80, s25, s17, $0xb8;
	[tilespmem:$0x1E800] =	vst v63  }
0x3f: {  	_ =	swait.ge [sflag:s15], $0x4000  }
0x40: {  	[sflag:s15] =	ssyncset.done $0x0  }
0x41: {  	[sflag:s15] =	ssyncadd.s32 $0xFFFFC000  }
.LBB2_2:
0x42: {  	s26 =	smul.u32 $0x28, s25;
	_ =	sdelay $0x1  }
0x43: {  	s26 =	sadd.s32 s9, s26  }
0x44: {  	s26 =	sshll.u32 s26, $0x4  }
0x45: {  	s29 =	simm.s32 $0x0;
	s28 =	sadd.s32 s5, s26  }
0x46: {  	[tilespmem:s29], [sflag:$0x3] =	stream.linear.gather [hbm4b:s28+s29], $0x1400, $0x38;
	[tilespmem:$0x1E800] =	vst v63  }
0x47: {  	_ =	swait.ge [sflag:s15], $0x1400  }
0x48: {  	[sflag:s15] =	ssyncset.done $0x0  }
0x49: {  	s26 =	sadd.s32 s6, s26;
	[sflag:s15] =	ssyncadd.s32 $0xFFFFEC00  }
0x4a: {  	[tilespmem:s16], [sflag:$0x3] =	stream.linear.gather [hbm4b:s26+s29], $0x1400, $0x38;
	[tilespmem:$0x1E800] =	vst v63  }
0x4b: {  	_ =	swait.ge [sflag:s15], $0x1400  }
0x4c: {  	[sflag:s15] =	ssyncset.done $0x0  }
0x4d: {  	[sflag:s15] =	ssyncadd.s32 $0xFFFFEC00  }
0x4e: {  	[tilespmem:s18], [sflag:$0x1] =	stream.indirect.gather [hbm4b:s4+s17], $0x80, s29, s17, $0xb8;
	[tilespmem:$0x1E800] =	vst v63  }
0x4f: {  	s31 =	simm.s32 $0x80  }
0x50: {  	[tilespmem:s20], [sflag:$0x2] =	stream.indirect.gather [hbm4b:s4+s17], $0x80, s31, s17, $0xb8;
	[tilespmem:$0x1E800] =	vst v63  }
0x51: {  	_ =	swait.ge [sflag:s19], $0x4000  }
0x52: {  	[sflag:s19] =	ssyncset.done $0x0  }
0x53: {  	s29 =	simm.s32 $0x1400;
	[sflag:s19] =	ssyncadd.s32 $0xFFFFC000  }
0x54: {  	[spmem:s2] =	stream.indirect.scatter.add.f32 [tilespmem:s18], [sflag:$0x3], $0x80, s29, s17, $0xb8;
	[tilespmem:$0x1E800] =	vst v63  }
0x55: {  	_ =	swait.ge [sflag:s15], $0x4000  }
0x56: {  	[sflag:s15] =	ssyncset.done $0x0  }
0x57: {  	s30 =	simm.s32 $0x100;
	[sflag:s15] =	ssyncadd.s32 $0xFFFFC000  }
0x58: {  	[tilespmem:s18], [sflag:$0x1] =	stream.indirect.gather [hbm4b:s4+s17], $0x80, s30, s17, $0xb8;
	[tilespmem:$0x1E800] =	vst v63  }
0x59: {  	_ =	swait.ge [sflag:s21], $0x4000  }
0x5a: {  	[sflag:s21] =	ssyncset.done $0x0  }
0x5b: {  	s31 =	simm.s32 $0x1480;
	[sflag:s21] =	ssyncadd.s32 $0xFFFFC000  }
0x5c: {  	[spmem:s2] =	stream.indirect.scatter.add.f32 [tilespmem:s20], [sflag:$0x3], $0x80, s31, s17, $0xb8;
	[tilespmem:$0x1E800] =	vst v63  }
0x5d: {  	_ =	swait.ge [sflag:s15], $0x4000  }
0x5e: {  	s28 =	simm.s32 $0x800;
	s26 =	simm.s32 $0x100;
	[sflag:s15] =	ssyncset.done $0x0  }
.LBB2_3:
0x5f: {  	s29 =	sadd.s32 $0x80, s26  }
0x60: {  	[sflag:s15] =	ssyncadd.s32 $0xFFFFC000;
	s30 =	smov.u32 s28;
	s31 =	sadd.s32 $0x400, s28  }
0x61: {  	[tilespmem:s20], [sflag:$0x2] =	stream.indirect.gather [hbm4b:s4+s17], $0x80, s29, s17, $0xb8;
	[tilespmem:$0x1E800] =	vst v63  }
0x62: {  	p1 =	sne.s32 s28, $0x4800;
	_ =	swait.ge [sflag:s19], $0x4000  }
0x63: {  	[sflag:s19] =	ssyncset.done $0x0  }
0x64: {  	s28 =	sadd.s32 $0x1400, s26;
	[sflag:s19] =	ssyncadd.s32 $0xFFFFC000  }
0x65: {  	[spmem:s2] =	stream.indirect.scatter.add.f32 [tilespmem:s18], [sflag:$0x3], $0x80, s28, s17, $0xb8;
	[tilespmem:$0x1E800] =	vst v63  }
0x66: {  	_ =	swait.ge [sflag:s15], $0x4000  }
0x67: {  	[sflag:s15] =	ssyncset.done $0x0  }
0x68: {  	s28 =	sadd.s32 $0x100, s26;
	[sflag:s15] =	ssyncadd.s32 $0xFFFFC000  }
0x69: {  	[tilespmem:s18], [sflag:$0x1] =	stream.indirect.gather [hbm4b:s4+s17], $0x80, s28, s17, $0xb8;
	[tilespmem:$0x1E800] =	vst v63  }
0x6a: {  	_ =	swait.ge [sflag:s21], $0x4000  }
.Ltmp5:
0x6b: {  	[sflag:s21] =	ssyncset.done $0x0;
	(pc) =	sbr.rel @p1 .LBB2_3-.Ltmp5, $4  }
0x6c: {  	s26 =	sadd.s32 $0x1480, s26;
	[sflag:s21] =	ssyncadd.s32 $0xFFFFC000  }
0x6d: {  	[spmem:s2] =	stream.indirect.scatter.add.f32 [tilespmem:s20], [sflag:$0x3], $0x80, s26, s17, $0xb8;
	[tilespmem:$0x1E800] =	vst v63  }
0x6e: {  	_ =	swait.ge [sflag:s15], $0x4000  }
0x6f: {  	s28 =	smov.u32 s31;
	s26 =	sshra.s32 s30, $0x2;
	[sflag:s15] =	ssyncset.done $0x0  }
0x70: {  	s28 =	sadd.s32 $0x80, s26;
	[sflag:s15] =	ssyncadd.s32 $0xFFFFC000  }
0x71: {  	[tilespmem:s20], [sflag:$0x2] =	stream.indirect.gather [hbm4b:s4+s17], $0x80, s28, s17, $0xb8;
	[tilespmem:$0x1E800] =	vst v63  }
0x72: {  	_ =	swait.ge [sflag:s19], $0x4000  }
0x73: {  	[sflag:s19] =	ssyncset.done $0x0  }
0x74: {  	s29 =	sadd.s32 $0x1400, s26;
	[sflag:s19] =	ssyncadd.s32 $0xFFFFC000  }
0x75: {  	[spmem:s2] =	stream.indirect.scatter.add.f32 [tilespmem:s18], [sflag:$0x3], $0x80, s29, s17, $0xb8;
	[tilespmem:$0x1E800] =	vst v63  }
0x76: {  	_ =	swait.ge [sflag:s15], $0x4000  }
0x77: {  	[sflag:s15] =	ssyncset.done $0x0  }
0x78: {  	s30 =	sadd.s32 $0x100, s26;
	[sflag:s15] =	ssyncadd.s32 $0xFFFFC000  }
0x79: {  	[tilespmem:s18], [sflag:$0x1] =	stream.indirect.gather [hbm4b:s4+s17], $0x80, s30, s17, $0xb8;
	[tilespmem:$0x1E800] =	vst v63  }
0x7a: {  	_ =	swait.ge [sflag:s21], $0x4000  }
0x7b: {  	[sflag:s21] =	ssyncset.done $0x0  }
0x7c: {  	s31 =	sadd.s32 $0x1480, s26;
	[sflag:s21] =	ssyncadd.s32 $0xFFFFC000  }
0x7d: {  	[spmem:s2] =	stream.indirect.scatter.add.f32 [tilespmem:s20], [sflag:$0x3], $0x80, s31, s17, $0xb8;
	[tilespmem:$0x1E800] =	vst v63  }
0x7e: {  	_ =	swait.ge [sflag:s15], $0x4000  }
0x7f: {  	[sflag:s15] =	ssyncset.done $0x0  }
0x80: {  	[sflag:s15] =	ssyncadd.s32 $0xFFFFC000  }
0x81: {  	[tilespmem:s20], [sflag:$0x2] =	stream.indirect.gather [hbm4b:s4+s17], $0x80, s22, s17, $0xb8;
	[tilespmem:$0x1E800] =	vst v63  }
0x82: {  	_ =	swait.ge [sflag:s19], $0x4000  }
0x83: {  	[sflag:s19] =	ssyncset.done $0x0  }
0x84: {  	[sflag:s19] =	ssyncadd.s32 $0xFFFFC000  }
0x85: {  	[spmem:s2] =	stream.indirect.scatter.add.f32 [tilespmem:s18], [sflag:$0x3], $0x80, s23, s17, $0xb8;
	[tilespmem:$0x1E800] =	vst v63  }
0x86: {  	_ =	swait.ge [sflag:s15], $0x4000  }
0x87: {  	[sflag:s15] =	ssyncset.done $0x0  }
0x88: {  	[sflag:s15] =	ssyncadd.s32 $0xFFFFC000  }
0x89: {  	_ =	swait.ge [sflag:s21], $0x4000  }
0x8a: {  	s25 =	sadd.s32 $0x1, s25;
	[sflag:s21] =	ssyncset.done $0x0  }
0x8b: {  	p1 =	seq.s32 s25, $0x3;
	[sflag:s21] =	ssyncadd.s32 $0xFFFFC000  }
0x8c: {  	[spmem:s2] =	stream.indirect.scatter.add.f32 [tilespmem:s20], [sflag:$0x3], $0x80, s24, s17, $0xb8;
	[tilespmem:$0x1E800] =	vst v63  }
.Ltmp6:
0x8d: {  	_ = 	snop;
	(pc) =	sbr.rel @!p1 .LBB2_2-.Ltmp6, $4  }
.Ltmp7:
0x8e: {  	_ = 	snop;
	(pc) =	sbr.rel @p1 .LBB2_8-.Ltmp7, $4  }
0x8f: {  	_ =	swait.ge [sflag:s15], $0x4000  }
0x90: {  	[sflag:s15] =	ssyncset.done $0x0  }
0x91: {  	[sflag:s15] =	ssyncadd.s32 $0xFFFFC000  }
0x92: {  	_ = 	snop  }
.LBB2_9:
0x93: {  	_ =	sfence.sel $0x180000  }
0x94: {  	[bflag:$0x0] =	sbarrier.arrive $0xFFFF  }
0x95: {  	p0 =	sne.s32 s1, $0x0;
	_ =	strace $0x9000004A  }
0x96: {  	s0 =	sadd.s32 @!p0 $0x100000, s0;
	[bflag:$0x2] =	sbarrier.arrive $0xFFFF  }
0x97: {  	[sflag:s0] =	ssyncadd.tile.s32 @!p0 $0x1;
	_ =	shalt  }
.Lfunc_end2:
_tile_overlayer_lowered:
.L_overlay_start_2:
0x98: {  	(tag) =	ssettag $0x2  }
0x99: {  	s0 =	rddreg [dreg:$0x0];
	s2 =	stileid.u32  }
0x9a: {  	s1 =	rddreg [dreg:$0x1];
	p0 =	sne.s32 s2, $0x0  }
0x9b: {  	s3 =	rddreg [dreg:$0x2];
	[bflag:$0x3] =	sbarrier.arrive $0xFFFF;
	s2 =	simm.s32 @!p0 $0x1C03  }
0x9c: {  	[timem:s3], [sflag:s2] =	dma.local @!p0 [hbm:s0], s1  }
0x9d: {  	s0 =	simm.s32 @!p0 $0x3  }
0x9e: {  	_ =	swait.ge @!p0 [sflag:s0], s1  }
0x9f: {  	s1 =	ssub.s32 @!p0 $0x0, s1;
	[sflag:s0] =	ssyncset.done @!p0 $0x0  }
0xa0: {  	[sflag:s0] =	ssyncadd.s32 @!p0 s1  }
0xa1: {  	[bflag:$0x3] =	sbarrier.arrive $0xFFFF  }
0xa2: {  	_ =	shalt  }

// kernel: kernel.18.cloned.1.call-start
scs
__scs_entry_jumppad:
0x0: {  	(pc) =	sbr.rel $0x88, $3  }
0x1: {  	(tag) =	ssettag $0x0;
	lr =	simm.s32 $0x1  }
0x2: {  	[smem:$0x3F8D] =	sst lr;
	_ =	strace $0xD0000000  }
0x3: {  	_ = 	snop  }
0x4: {  	_ = 	snop  }
0x5: {  	_ = 	snop  }
0x6: {  	_ = 	snop  }
0x7: {  	_ = 	snop  }
__scs_overlays_trampoline_lowered:
0x8: {  	[smem:$0x3F9C] =	sst s0  }
0x9: {  	[smem:$0x3F9D] =	sst s1  }
0xa: {  	[smem:$0x3F9E] =	sst s2  }
0xb: {  	[smem:$0x3F9F] =	sst s3  }
0xc: {  	[smem:$0x3FA0] =	sst s4  }
0xd: {  	[smem:$0x3FA1] =	sst s5  }
0xe: {  	[smem:$0x3FA2] =	sst s6  }
0xf: {  	[smem:$0x3FA3] =	sst s7  }
0x10: {  	[smem:$0x3FA4] =	sst s8  }
0x11: {  	[smem:$0x3FA5] =	sst s9;
	s0 =	simm.s32 @!p0 $0x0  }
0x12: {  	s1 =	sld [smem:$0x3F8B];
	s0 =	simm.s32 @p0 $0x1  }
0x13: {  	[smem:$0x3FA6] =	sst s0;
	s0 =	simm.s32 @!p1 $0x0  }
0x14: {  	s2 =	sld [smem:$0x3F8A];
	s0 =	simm.s32 @p1 $0x1  }
0x15: {  	[smem:$0x3FA7] =	sst s0;
	s0 =	simm.s32 @!p2 $0x0  }
0x16: {  	s3 =	sld [smem:$0x3FDB];
	s0 =	simm.s32 @p2 $0x1  }
0x17: {  	s4 =	simm.s32 $0x1BF5;
	[smem:$0x3FA9] =	sst s0  }
0x18: {  	s0 =	sld [smem:$0x3F8C];
	_ =	swait.ge [sflag:s4], $0x0  }
0x19: {  	s7 =	sld [smem:$0x3F8D]  }
0x1a: {  	s8 =	sadd.s32 $0xFFFFE003, lr  }
0x1b: {  	s9 =	sadd.s32 $0xFFFFFEF7, lr;
	s5 =	simm.s32 $0xFFFFFFFF;
	p2 =	slt.u32 s8, $0xFFFFF086  }
0x1c: {  	p1 =	slt.u32 s9, $0xF7A;
	s5 =	simm.s32 @!p2 $0x0  }
0x1d: {  	s5 =	simm.s32 @p1 $0x1;
	p0 =	seq.s32 s7, s2  }
0x1e: {  	s7 =	smul.u32 @!p0 $0xF7A, s2;
	p2 =	seq.s32 @!p0 s5, $0x0  }
0x1f: {  	s9 =	smul.u32 $0xF7A, s1;
	s8 =	simm.s32 @!p0 $0x1BF5;
	p2 =	por !p2, p0  }
0x20: {  	[sflag:s8] =	ssyncset.s32 @!p0 $0xFFFFF086;
	s6 =	sadd.s32 @!p0 s3, s7;
	s7 =	simm.s32 @!p0 $0x108  }
0x21: {  	s3 =	sadd.s32 s3, s9;
	s6 =	sadd.s32 @!p0 $0x88, s6;
	s7 =	simm.s32 @p2 $0x1082  }
0x22: {  	[simem:s7], [sflag:s8] =	dma.local @!p0 [hbm:s6], $0xF7A  }
0x23: {  	s9 =	sor.u32 $0xD0000000, s2;
	s6 =	simm.s32 $0x108;
	_ =	swait.ge @!p0 [sflag:s8], $0x0  }
0x24: {  	s3 =	sadd.s32 $0x88, s3;
	s6 =	simm.s32 @!p1 $0x1082;
	[sflag:s4] =	ssyncset.s32 $0xFFFFF086  }
0x25: {  	[simem:s6], [sflag:s4] =	dma.local [hbm:s3], $0xF7A  }
0x26: {  	[smem:$0x3F8D] =	sst s1;
	(tag) =	ssettag s2;
	_ =	strace s9  }
0x27: {  	s1 =	sld [smem:$0x3F9D]  }
0x28: {  	s2 =	sld [smem:$0x3F9E]  }
0x29: {  	s4 =	sld [smem:$0x3FA0]  }
0x2a: {  	p0 =	seq.s32 s5, $0x0;
	s5 =	sld [smem:$0x3FA1]  }
0x2b: {  	s6 =	sld [smem:$0x3FA2]  }
0x2c: {  	s7 =	sld [smem:$0x3FA3]  }
0x2d: {  	s3 =	simm.s32 $0x108;
	s8 =	sld [smem:$0x3FA4]  }
0x2e: {  	s3 =	simm.s32 @!p0 $0x1082;
	s9 =	sld [smem:$0x3FA5]  }
0x2f: {  	lr =	sadd.s32 s0, s3;
	s0 =	sld [smem:$0x3F9C]  }
0x30: {  	s3 =	sld [smem:$0x3F9F]  }
0x31: {  	[smem:$0x3FA8] =	sst s10  }
0x32: {  	s10 =	sld [smem:$0x3FA6];
	_ =	sdelay $0x3  }
0x33: {  	p0 =	seq.s32 s10, $0x1;
	s10 =	sld [smem:$0x3FA8];
	_ =	sdelay $0x3  }
0x34: {  	[smem:$0x3FA8] =	sst s10  }
0x35: {  	s10 =	sld [smem:$0x3FA7];
	_ =	sdelay $0x3  }
0x36: {  	p1 =	seq.s32 s10, $0x1;
	s10 =	sld [smem:$0x3FA8];
	_ =	sdelay $0x3  }
0x37: {  	[smem:$0x3FA8] =	sst s10  }
0x38: {  	s10 =	sld [smem:$0x3FA9]  }
0x39: {  	_ = 	snop;
	(pc) =	sbr.ind lr, $3  }
0x3a: {  	_ = 	snop  }
0x3b: {  	_ = 	snop  }
0x3c: {  	p2 =	seq.s32 s10, $0x1;
	s10 =	sld [smem:$0x3FA8]  }
0x3d: {  	_ =	shalt  }
0x3e: {  	_ =	shalt  }
0x3f: {  	_ =	shalt  }
0x40: {  	_ =	shalt  }
0x41: {  	_ =	shalt  }
0x42: {  	_ =	shalt  }
0x43: {  	_ =	shalt  }
0x44: {  	_ =	shalt  }
0x45: {  	_ =	shalt  }
0x46: {  	_ =	shalt  }
0x47: {  	_ =	shalt  }
0x48: {  	_ =	shalt  }
0x49: {  	_ =	shalt  }
0x4a: {  	_ =	shalt  }
0x4b: {  	_ =	shalt  }
0x4c: {  	_ =	shalt  }
0x4d: {  	_ =	shalt  }
0x4e: {  	_ =	shalt  }
0x4f: {  	_ =	shalt  }
0x50: {  	_ =	shalt  }
0x51: {  	_ =	shalt  }
0x52: {  	_ =	shalt  }
0x53: {  	_ =	shalt  }
0x54: {  	_ =	shalt  }
0x55: {  	_ =	shalt  }
0x56: {  	_ =	shalt  }
0x57: {  	_ =	shalt  }
0x58: {  	_ =	shalt  }
0x59: {  	_ =	shalt  }
0x5a: {  	_ =	shalt  }
0x5b: {  	_ =	shalt  }
0x5c: {  	_ =	shalt  }
0x5d: {  	_ =	shalt  }
0x5e: {  	_ =	shalt  }
0x5f: {  	_ =	shalt  }
0x60: {  	_ =	shalt  }
0x61: {  	_ =	shalt  }
0x62: {  	_ =	shalt  }
0x63: {  	_ =	shalt  }
0x64: {  	_ =	shalt  }
0x65: {  	_ =	shalt  }
0x66: {  	_ =	shalt  }
0x67: {  	_ =	shalt  }
0x68: {  	_ =	shalt  }
0x69: {  	_ =	shalt  }
0x6a: {  	_ =	shalt  }
0x6b: {  	_ =	shalt  }
0x6c: {  	_ =	shalt  }
0x6d: {  	_ =	shalt  }
0x6e: {  	_ =	shalt  }
0x6f: {  	_ =	shalt  }
0x70: {  	_ =	shalt  }
0x71: {  	_ =	shalt  }
0x72: {  	_ =	shalt  }
0x73: {  	_ =	shalt  }
0x74: {  	_ =	shalt  }
0x75: {  	_ =	shalt  }
0x76: {  	_ =	shalt  }
0x77: {  	_ =	shalt  }
0x78: {  	_ =	shalt  }
0x79: {  	_ =	shalt  }
0x7a: {  	_ =	shalt  }
0x7b: {  	_ =	shalt  }
0x7c: {  	_ =	shalt  }
0x7d: {  	_ =	shalt  }
0x7e: {  	_ =	shalt  }
0x7f: {  	_ =	shalt  }
0x80: {  	_ =	shalt  }
0x81: {  	_ =	shalt  }
0x82: {  	_ =	shalt  }
0x83: {  	_ =	shalt  }
0x84: {  	_ =	shalt  }
0x85: {  	_ =	shalt  }
0x86: {  	_ =	shalt  }
0x87: {  	_ =	shalt  }
.Lfunc_end0:
.L_simem_size_0:
called_computation.2_lowered:
.L_overlay_start_0:
0x88: {  	s2 =	sld [smem:$0x3FD9]  }
0x89: {  	s3 =	sld [smem:$0x3FFE];
	_ =	sdelay $0x1  }
0x8a: {  	s1 =	srdreg.scid  }
0x8b: {  	s0 =	sand.u32 $0x1, s1  }
0x8c: {  	s16 =	sshll.u32 s0, $0xA;
	s2 =	sadd.s32 s3, s2  }
0x8d: {  	s2 =	sadd.s32 s2, s16  }
0x8e: {  	[smem:$0x3FB4] =	sst s2  }
0x8f: {  	_ = 	snop  }
0x90: {  	(tm) =	ssettm $0x1  }
0x91: {  	s17 =	sld [smem:$0x3FFB];
	_ =	sdelay $0x3  }
0x92: {  	_ =	strace s17  }
0x93: {  	s2 =	sld [smem:$0x3FFC];
	_ =	sdelay $0x3  }
0x94: {  	_ =	strace s2  }
0x95: {  	s2 =	sld [smem:$0x3FFD];
	_ =	sdelay $0x3  }
0x96: {  	_ =	strace s2  }
0x97: {  	_ =	strace $0x8FFFFFFF  }
0x98: {  	s18 =	sld [smem:$0x3FDB];
	_ =	sdelay $0x1  }
0x99: {  	s19 =	simm.s32 $_scs_section_size  }
0x9a: {  	s4 =	simm.s32 $_size__tile_overlayer_lowered;
	s5 =	simm.s32 $_tile_overlayer_lowered  }
0x9b: {  	s22 =	simm.s32 $0x1BFF;
	s21 =	sshll.u32 s5, $0x1;
	s2 =	sadd.s32 s19, s18  }
0x9c: {  	s6 =	simm.s32 $0x0;
	s20 =	sshll.u32 s4, $0x1;
	s4 =	sadd.s32 s21, s2  }
0x9d: {  	[timem:s6], [sflag:s22] =	dma.local [hbm:s4], s20  }
0x9e: {  	_ =	swait.ge [sflag:s22], s20  }
0x9f: {  	s3 =	ssub.s32 $0x0, s20;
	[sflag:s22] =	ssyncset.done $0x0  }
0xa0: {  	[sflag:s22] =	ssyncadd.s32 s3;
	_ =	sdelay $0x1  }
0xa1: {  	s23 =	simm.s32 $0x1B8B  }
0xa2: {  	_ =	swait.ge [sflag:s23], $0x1  }
0xa3: {  	[sflag:s23] =	ssyncset.done $0x0  }
0xa4: {  	s25 =	simm.s32 $0x1B8E;
	s24 =	sld [smem:$0x3FFE];
	[sflag:s23] =	ssyncadd.s32 $0xFFFFFFFF  }
0xa5: {  	s26 =	simm.s32 $execute0_lowered;
	[smem:$0x3FD2] =	sst s25  }
0xa6: {  	s4 =	sshll.u32 s26, $0x1;
	_ =	strace $0x8000004C;
	[dreg:$0x1] =	wrdreg $0xFFFFFFFF  }
0xa7: {  	s28 =	simm.s32 $_size_execute0_lowered;
	s2 =	sadd.s32 s2, s4;
	[dreg:$0x0] =	wrdreg $0x0  }
0xa8: {  	s4 =	sshll.u32 s28, $0x1;
	[dreg:$0x2] =	wrdreg s2  }
0xa9: {  	[dreg:$0x3] =	wrdreg s4  }
0xaa: {  	[dreg:$0x4] =	wrdreg $0xC0  }
0xab: {  	_ =	task [dreg:s6], $0x5FFFF  }
0xac: {  	[dreg:$0x1] =	wrdreg $0xFFFFFFFF  }
0xad: {  	[dreg:$0x0] =	wrdreg $0x60  }
0xae: {  	[dreg:$0x2] =	wrdreg s24  }
0xaf: {  	[dreg:$0x3] =	wrdreg $0xA8000  }
0xb0: {  	[dreg:$0x4] =	wrdreg $0x9  }
0xb1: {  	_ =	task.clear_ibuf [dreg:s6], $0x5FFFF;
	_ =	strace $0x9000004C  }
0xb2: {  	s29 =	simm.s32 $0x9;
	_ =	strace $0x8000004E  }
0xb3: {  	_ =	swait.ge [sflag:s29], $0x1  }
0xb4: {  	[sflag:s29] =	ssyncadd.s32 $0xFFFFFFFF  }
0xb5: {  	_ =	strace $0x9000004E  }
0xb6: {  	_ =	sfence  }
0xb7: {  	s30 =	sld [smem:$0x0];
	_ =	sdelay $0x2  }
0xb8: {  	s31 =	sshll.u32 s1, $0xD;
	s1 =	sshrl.u32 s1, $0x2  }
0xb9: {  	s3 =	sand.u32 $0x4000, s31;
	s1 =	sadd.s32 s1, s30  }
0xba: {  	s0 =	sor.u32 s3, s0;
	s1 =	sshll.u32 s1, $0x11  }
0xbb: {  	s0 =	sor.u32 s1, s0  }
0xbc: {  	s0 =	sadd.s32 $0x8F2B, s0  }
0xbd: {  	[sflag:s0] =	ssyncadd.remote.s32 $0x1  }
0xbe: {  	_ =	sfence.sel $0xFFFF  }
0xbf: {  	[dreg:$0x0] =	wrdreg $0xFFFFFFFF;
	(pc) =	sbr.abs _section_cstart, $3  }
0xc0: {  	[dreg:$0x1] =	wrdreg $0xFFFFFFFF  }
0xc1: {  	_ =	task.clear_ibuf [dreg:s6], $0x2FFFF;
	_ =	strace $0x9FFFFFFF  }
0xc2: {  	(tm) =	ssettm $0x7FFFFFFF  }
0xc3: {  	_ =	shalt  }
tec
execute0_lowered:
.L_overlay_start_1:
0x0: {  	(tag) =	ssettag $0x1  }
0x1: {  	s7 =	rddreg [dreg:$0x0]  }
0x2: {  	s2 =	rddreg [dreg:$0x1]  }
0x3: {  	s0 =	rddreg [dreg:$0x2];
	s1 =	stileid.u32  }
0x4: {  	s4 =	srdreg.scid;
	s3 =	simm.s32 $0x0;
	s16 =	simm.s32 $0x1400  }
0x5: {  	s17 =	simm.s32 $0x80;
	s18 =	simm.s32 $0x2800;
	s19 =	simm.s32 $0x1  }
0x6: {  	s20 =	simm.s32 $0x6800;
	s21 =	simm.s32 $0x2;
	s22 =	simm.s32 $0x1380  }
0x7: {  	s23 =	simm.s32 $0x2700;
	s24 =	simm.s32 $0x2780;
	s8 =	smul.u32 $0x14000, s1  }
0x8: {  	s9 =	sand.u32 $0x1, s4;
	[smem:$0x7FF] =	sst s3;
	s11 =	smul.u32 $0x50000, s1  }
0x9: {  	s4 =	sadd.s32 $0x19000, s7;
	s5 =	sadd.s32 $0xF000, s7;
	s13 =	smul.u32 $0x1400, s1  }
0xa: {  	s6 =	sadd.s32 $0x5000, s7;
	s29 =	sshll.u32 s1, $0x6;
	s10 =	smul.u32 $0x140000, s9  }
0xb: {  	_ =	strace $0x8000004D;
	s26 =	ssub.s32 $0x2, s9;
	p0 =	seq.s32 s9, $0x1  }
0xc: {  	s9 =	smul.u32 $0x78, s1;
	s28 =	sshrl.u32 s26, $0x1;
	s11 =	sshrl.u32 s11, $0x2  }
0xd: {  	s30 =	sshrl.u32 s13, $0x3;
	s10 =	sadd.s32 s8, s10;
	s8 =	sshrl.u32 s8, $0x3  }
.Ltmp0:
0xe: {  	s14 =	ssub.s32 s26, s28;
	s15 =	sadd.s32 s11, s2;
	(pc) =	sbr.rel .LBB2_1-.Ltmp0, $4  }
0xf: {  	s31 =	sadd.s32 $0x7800, s30;
	s10 =	sshrl.u32 s10, $0x3;
	s8 =	sadd.s32 s8, s7  }
0x10: {  	s11 =	sadd.s32 s6, s31;
	s13 =	smax.u32 s14, $0x1;
	s14 =	sshrl.u32 s15, $0x3  }
0x11: {  	s15 =	simm.s32 $0x3;
	s12 =	sadd.s32 s10, s7;
	s7 =	sadd.s32 $0x41000, s8  }
0x12: {  	s8 =	sor.u32 $0x1C03, s29;
	s10 =	sadd.s32 s5, s31;
	s12 =	sadd.s32 $0x69000, s12  }
.LBB2_8:
0x13: {  	s3 =	sadd.s32 $0x1, s3  }
0x14: {  	p1 =	sne.s32 s3, s13  }
.Ltmp1:
0x15: {  	[bflag:$0x0] =	sbarrier.arrive $0xFFFF;
	(pc) =	sbr.rel @!p1 .LBB2_9-.Ltmp1, $4  }
0x16: {  	[hbm:s12], [sflag:s8] =	dma.local [spmem:s14], $0x2800  }
0x17: {  	_ =	swait.ge [sflag:s15], $0x2800  }
0x18: {  	[sflag:s15] =	ssyncset.done $0x0  }
0x19: {  	[sflag:s15] =	ssyncadd.s32 $0xFFFFD800  }
.LBB2_1:
0x1a: {  	[spmem:s14], [sflag:s8] =	dma.local [hbm:s7], $0x2800  }
.Ltmp2:
0x1b: {  	_ =	swait.ge [sflag:s15], $0x2800;
	(pc) =	sbr.rel @!p0 .LBB2_2-.Ltmp2, $4  }
0x1c: {  	[sflag:s15] =	ssyncset.done $0x0  }
0x1d: {  	[sflag:s15] =	ssyncadd.s32 $0xFFFFD800  }
0x1e: {  	[bflag:$0x0] =	sbarrier.arrive $0xFFFF  }
0x1f: {  	s25 =	simm.s32 $0x0  }
0x20: {  	s25 =	simm.s32 $0x0  }
0x21: {  	[tilespmem:s25], [sflag:$0x3] =	stream.linear.gather [hbm4b:s10+s25], $0x1400, $0x38;
	[tilespmem:$0x1E800] =	vst v63  }
0x22: {  	_ =	swait.ge [sflag:s15], $0x1400  }
0x23: {  	[sflag:s15] =	ssyncset.done $0x0  }
0x24: {  	[sflag:s15] =	ssyncadd.s32 $0xFFFFEC00  }
0x25: {  	[tilespmem:s16], [sflag:$0x3] =	stream.linear.gather [hbm4b:s11+s25], $0x1400, $0x38;
	[tilespmem:$0x1E800] =	vst v63  }
0x26: {  	_ =	swait.ge [sflag:s15], $0x1400  }
0x27: {  	[sflag:s15] =	ssyncset.done $0x0  }
0x28: {  	s30 =	simm.s32 $0x0;
	[sflag:s15] =	ssyncadd.s32 $0xFFFFEC00  }
0x29: {  	[tilespmem:s18], [sflag:$0x1] =	stream.indirect.gather [hbm4b:s4+s17], $0x80, s30, s17, $0xb8;
	[tilespmem:$0x1E800] =	vst v63  }
0x2a: {  	_ =	swait.ge [sflag:s19], $0x4000  }
0x2b: {  	[sflag:s19] =	ssyncset.done $0x0  }
0x2c: {  	s31 =	simm.s32 $0x1400;
	[sflag:s19] =	ssyncadd.s32 $0xFFFFC000  }
0x2d: {  	[spmem:s2] =	stream.indirect.scatter.add.f32 [tilespmem:s18], [sflag:$0x3], $0x80, s31, s17, $0xb8;
	[tilespmem:$0x1E800] =	vst v63  }
0x2e: {  	_ =	swait.ge [sflag:s15], $0x4000  }
0x2f: {  	s26 =	simm.s32 $0x400;
	s25 =	simm.s32 $0x200;
	[sflag:s15] =	ssyncset.done $0x0  }
.LBB2_6:
0x30: {  	s28 =	sshra.s32 s25, $0x2  }
0x31: {  	[sflag:s15] =	ssyncadd.s32 $0xFFFFC000;
	s25 =	smov.u32 s26;
	s29 =	sadd.s32 $0x200, s26  }
0x32: {  	[tilespmem:s18], [sflag:$0x1] =	stream.indirect.gather [hbm4b:s4+s17], $0x80, s28, s17, $0xb8;
	[tilespmem:$0x1E800] =	vst v63  }
0x33: {  	p1 =	sne.s32 s26, $0x4E00;
	_ =	swait.ge [sflag:s19], $0x4000  }
.Ltmp3:
0x34: {  	[sflag:s19] =	ssyncset.done $0x0;
	(pc) =	sbr.rel @p1 .LBB2_6-.Ltmp3, $4  }
0x35: {  	s26 =	sadd.s32 $0x1400, s28;
	[sflag:s19] =	ssyncadd.s32 $0xFFFFC000  }
0x36: {  	[spmem:s2] =	stream.indirect.scatter.add.f32 [tilespmem:s18], [sflag:$0x3], $0x80, s26, s17, $0xb8;
	[tilespmem:$0x1E800] =	vst v63  }
0x37: {  	_ =	swait.ge [sflag:s15], $0x4000  }
0x38: {  	s26 =	smov.u32 s29;
	[sflag:s15] =	ssyncset.done $0x0  }
0x39: {  	s25 =	sshra.s32 s25, $0x2;
	[sflag:s15] =	ssyncadd.s32 $0xFFFFC000  }
0x3a: {  	[tilespmem:s18], [sflag:$0x1] =	stream.indirect.gather [hbm4b:s4+s17], $0x80, s25, s17, $0xb8;
	[tilespmem:$0x1E800] =	vst v63  }
0x3b: {  	_ =	swait.ge [sflag:s19], $0x4000  }
0x3c: {  	[sflag:s19] =	ssyncset.done $0x0  }
.Ltmp4:
0x3d: {  	s25 =	sadd.s32 $0x1400, s25;
	[sflag:s19] =	ssyncadd.s32 $0xFFFFC000;
	(pc) =	sbr.rel .LBB2_8-.Ltmp4, $4  }
0x3e: {  	[spmem:s2] =	stream.indirect.scatter.add.f32 [tilespmem:s18], [sflag:$0x3], $0x80, s25, s17, $0xb8;
	[tilespmem:$0x1E800] =	vst v63  }
0x3f: {  	_ =	swait.ge [sflag:s15], $0x4000  }
0x40: {  	[sflag:s15] =	ssyncset.done $0x0  }
0x41: {  	[sflag:s15] =	ssyncadd.s32 $0xFFFFC000  }
.LBB2_2:
0x42: {  	s26 =	smul.u32 $0x28, s25;
	_ =	sdelay $0x1  }
0x43: {  	s26 =	sadd.s32 s9, s26  }
0x44: {  	s26 =	sshll.u32 s26, $0x4  }
0x45: {  	s29 =	simm.s32 $0x0;
	s28 =	sadd.s32 s5, s26  }
0x46: {  	[tilespmem:s29], [sflag:$0x3] =	stream.linear.gather [hbm4b:s28+s29], $0x1400, $0x38;
	[tilespmem:$0x1E800] =	vst v63  }
0x47: {  	_ =	swait.ge [sflag:s15], $0x1400  }
0x48: {  	[sflag:s15] =	ssyncset.done $0x0  }
0x49: {  	s26 =	sadd.s32 s6, s26;
	[sflag:s15] =	ssyncadd.s32 $0xFFFFEC00  }
0x4a: {  	[tilespmem:s16], [sflag:$0x3] =	stream.linear.gather [hbm4b:s26+s29], $0x1400, $0x38;
	[tilespmem:$0x1E800] =	vst v63  }
0x4b: {  	_ =	swait.ge [sflag:s15], $0x1400  }
0x4c: {  	[sflag:s15] =	ssyncset.done $0x0  }
0x4d: {  	[sflag:s15] =	ssyncadd.s32 $0xFFFFEC00  }
0x4e: {  	[tilespmem:s18], [sflag:$0x1] =	stream.indirect.gather [hbm4b:s4+s17], $0x80, s29, s17, $0xb8;
	[tilespmem:$0x1E800] =	vst v63  }
0x4f: {  	s31 =	simm.s32 $0x80  }
0x50: {  	[tilespmem:s20], [sflag:$0x2] =	stream.indirect.gather [hbm4b:s4+s17], $0x80, s31, s17, $0xb8;
	[tilespmem:$0x1E800] =	vst v63  }
0x51: {  	_ =	swait.ge [sflag:s19], $0x4000  }
0x52: {  	[sflag:s19] =	ssyncset.done $0x0  }
0x53: {  	s29 =	simm.s32 $0x1400;
	[sflag:s19] =	ssyncadd.s32 $0xFFFFC000  }
0x54: {  	[spmem:s2] =	stream.indirect.scatter.add.f32 [tilespmem:s18], [sflag:$0x3], $0x80, s29, s17, $0xb8;
	[tilespmem:$0x1E800] =	vst v63  }
0x55: {  	_ =	swait.ge [sflag:s15], $0x4000  }
0x56: {  	[sflag:s15] =	ssyncset.done $0x0  }
0x57: {  	s30 =	simm.s32 $0x100;
	[sflag:s15] =	ssyncadd.s32 $0xFFFFC000  }
0x58: {  	[tilespmem:s18], [sflag:$0x1] =	stream.indirect.gather [hbm4b:s4+s17], $0x80, s30, s17, $0xb8;
	[tilespmem:$0x1E800] =	vst v63  }
0x59: {  	_ =	swait.ge [sflag:s21], $0x4000  }
0x5a: {  	[sflag:s21] =	ssyncset.done $0x0  }
0x5b: {  	s31 =	simm.s32 $0x1480;
	[sflag:s21] =	ssyncadd.s32 $0xFFFFC000  }
0x5c: {  	[spmem:s2] =	stream.indirect.scatter.add.f32 [tilespmem:s20], [sflag:$0x3], $0x80, s31, s17, $0xb8;
	[tilespmem:$0x1E800] =	vst v63  }
0x5d: {  	_ =	swait.ge [sflag:s15], $0x4000  }
0x5e: {  	s28 =	simm.s32 $0x800;
	s26 =	simm.s32 $0x100;
	[sflag:s15] =	ssyncset.done $0x0  }
.LBB2_3:
0x5f: {  	s29 =	sadd.s32 $0x80, s26  }
0x60: {  	[sflag:s15] =	ssyncadd.s32 $0xFFFFC000;
	s30 =	smov.u32 s28;
	s31 =	sadd.s32 $0x400, s28  }
0x61: {  	[tilespmem:s20], [sflag:$0x2] =	stream.indirect.gather [hbm4b:s4+s17], $0x80, s29, s17, $0xb8;
	[tilespmem:$0x1E800] =	vst v63  }
0x62: {  	p1 =	sne.s32 s28, $0x4800;
	_ =	swait.ge [sflag:s19], $0x4000  }
0x63: {  	[sflag:s19] =	ssyncset.done $0x0  }
0x64: {  	s28 =	sadd.s32 $0x1400, s26;
	[sflag:s19] =	ssyncadd.s32 $0xFFFFC000  }
0x65: {  	[spmem:s2] =	stream.indirect.scatter.add.f32 [tilespmem:s18], [sflag:$0x3], $0x80, s28, s17, $0xb8;
	[tilespmem:$0x1E800] =	vst v63  }
0x66: {  	_ =	swait.ge [sflag:s15], $0x4000  }
0x67: {  	[sflag:s15] =	ssyncset.done $0x0  }
0x68: {  	s28 =	sadd.s32 $0x100, s26;
	[sflag:s15] =	ssyncadd.s32 $0xFFFFC000  }
0x69: {  	[tilespmem:s18], [sflag:$0x1] =	stream.indirect.gather [hbm4b:s4+s17], $0x80, s28, s17, $0xb8;
	[tilespmem:$0x1E800] =	vst v63  }
0x6a: {  	_ =	swait.ge [sflag:s21], $0x4000  }
.Ltmp5:
0x6b: {  	[sflag:s21] =	ssyncset.done $0x0;
	(pc) =	sbr.rel @p1 .LBB2_3-.Ltmp5, $4  }
0x6c: {  	s26 =	sadd.s32 $0x1480, s26;
	[sflag:s21] =	ssyncadd.s32 $0xFFFFC000  }
0x6d: {  	[spmem:s2] =	stream.indirect.scatter.add.f32 [tilespmem:s20], [sflag:$0x3], $0x80, s26, s17, $0xb8;
	[tilespmem:$0x1E800] =	vst v63  }
0x6e: {  	_ =	swait.ge [sflag:s15], $0x4000  }
0x6f: {  	s28 =	smov.u32 s31;
	s26 =	sshra.s32 s30, $0x2;
	[sflag:s15] =	ssyncset.done $0x0  }
0x70: {  	s28 =	sadd.s32 $0x80, s26;
	[sflag:s15] =	ssyncadd.s32 $0xFFFFC000  }
0x71: {  	[tilespmem:s20], [sflag:$0x2] =	stream.indirect.gather [hbm4b:s4+s17], $0x80, s28, s17, $0xb8;
	[tilespmem:$0x1E800] =	vst v63  }
0x72: {  	_ =	swait.ge [sflag:s19], $0x4000  }
0x73: {  	[sflag:s19] =	ssyncset.done $0x0  }
0x74: {  	s29 =	sadd.s32 $0x1400, s26;
	[sflag:s19] =	ssyncadd.s32 $0xFFFFC000  }
0x75: {  	[spmem:s2] =	stream.indirect.scatter.add.f32 [tilespmem:s18], [sflag:$0x3], $0x80, s29, s17, $0xb8;
	[tilespmem:$0x1E800] =	vst v63  }
0x76: {  	_ =	swait.ge [sflag:s15], $0x4000  }
0x77: {  	[sflag:s15] =	ssyncset.done $0x0  }
0x78: {  	s30 =	sadd.s32 $0x100, s26;
	[sflag:s15] =	ssyncadd.s32 $0xFFFFC000  }
0x79: {  	[tilespmem:s18], [sflag:$0x1] =	stream.indirect.gather [hbm4b:s4+s17], $0x80, s30, s17, $0xb8;
	[tilespmem:$0x1E800] =	vst v63  }
0x7a: {  	_ =	swait.ge [sflag:s21], $0x4000  }
0x7b: {  	[sflag:s21] =	ssyncset.done $0x0  }
0x7c: {  	s31 =	sadd.s32 $0x1480, s26;
	[sflag:s21] =	ssyncadd.s32 $0xFFFFC000  }
0x7d: {  	[spmem:s2] =	stream.indirect.scatter.add.f32 [tilespmem:s20], [sflag:$0x3], $0x80, s31, s17, $0xb8;
	[tilespmem:$0x1E800] =	vst v63  }
0x7e: {  	_ =	swait.ge [sflag:s15], $0x4000  }
0x7f: {  	[sflag:s15] =	ssyncset.done $0x0  }
0x80: {  	[sflag:s15] =	ssyncadd.s32 $0xFFFFC000  }
0x81: {  	[tilespmem:s20], [sflag:$0x2] =	stream.indirect.gather [hbm4b:s4+s17], $0x80, s22, s17, $0xb8;
	[tilespmem:$0x1E800] =	vst v63  }
0x82: {  	_ =	swait.ge [sflag:s19], $0x4000  }
0x83: {  	[sflag:s19] =	ssyncset.done $0x0  }
0x84: {  	[sflag:s19] =	ssyncadd.s32 $0xFFFFC000  }
0x85: {  	[spmem:s2] =	stream.indirect.scatter.add.f32 [tilespmem:s18], [sflag:$0x3], $0x80, s23, s17, $0xb8;
	[tilespmem:$0x1E800] =	vst v63  }
0x86: {  	_ =	swait.ge [sflag:s15], $0x4000  }
0x87: {  	[sflag:s15] =	ssyncset.done $0x0  }
0x88: {  	[sflag:s15] =	ssyncadd.s32 $0xFFFFC000  }
0x89: {  	_ =	swait.ge [sflag:s21], $0x4000  }
0x8a: {  	s25 =	sadd.s32 $0x1, s25;
	[sflag:s21] =	ssyncset.done $0x0  }
0x8b: {  	p1 =	seq.s32 s25, $0x3;
	[sflag:s21] =	ssyncadd.s32 $0xFFFFC000  }
0x8c: {  	[spmem:s2] =	stream.indirect.scatter.add.f32 [tilespmem:s20], [sflag:$0x3], $0x80, s24, s17, $0xb8;
	[tilespmem:$0x1E800] =	vst v63  }
.Ltmp6:
0x8d: {  	_ = 	snop;
	(pc) =	sbr.rel @!p1 .LBB2_2-.Ltmp6, $4  }
.Ltmp7:
0x8e: {  	_ = 	snop;
	(pc) =	sbr.rel @p1 .LBB2_8-.Ltmp7, $4  }
0x8f: {  	_ =	swait.ge [sflag:s15], $0x4000  }
0x90: {  	[sflag:s15] =	ssyncset.done $0x0  }
0x91: {  	[sflag:s15] =	ssyncadd.s32 $0xFFFFC000  }
0x92: {  	_ = 	snop  }
.LBB2_9:
0x93: {  	_ =	sfence.sel $0x180000  }
0x94: {  	[bflag:$0x0] =	sbarrier.arrive $0xFFFF  }
0x95: {  	p0 =	sne.s32 s1, $0x0;
	_ =	strace $0x9000004D  }
0x96: {  	s0 =	sadd.s32 @!p0 $0x100000, s0;
	[bflag:$0x2] =	sbarrier.arrive $0xFFFF  }
0x97: {  	[sflag:s0] =	ssyncadd.tile.s32 @!p0 $0x1;
	_ =	shalt  }
.Lfunc_end2:
_tile_overlayer_lowered:
.L_overlay_start_2:
0x98: {  	(tag) =	ssettag $0x2  }
0x99: {  	s0 =	rddreg [dreg:$0x0];
	s2 =	stileid.u32  }
0x9a: {  	s1 =	rddreg [dreg:$0x1];
	p0 =	sne.s32 s2, $0x0  }
0x9b: {  	s3 =	rddreg [dreg:$0x2];
	[bflag:$0x3] =	sbarrier.arrive $0xFFFF;
	s2 =	simm.s32 @!p0 $0x1C03  }
0x9c: {  	[timem:s3], [sflag:s2] =	dma.local @!p0 [hbm:s0], s1  }
0x9d: {  	s0 =	simm.s32 @!p0 $0x3  }
0x9e: {  	_ =	swait.ge @!p0 [sflag:s0], s1  }
0x9f: {  	s1 =	ssub.s32 @!p0 $0x0, s1;
	[sflag:s0] =	ssyncset.done @!p0 $0x0  }
0xa0: {  	[sflag:s0] =	ssyncadd.s32 @!p0 s1  }
0xa1: {  	[bflag:$0x3] =	sbarrier.arrive $0xFFFF  }
0xa2: {  	_ =	shalt  }

// kernel: kernel.21.cloned.1.call-start
scs
__scs_entry_jumppad:
0x0: {  	(pc) =	sbr.rel $0x88, $3  }
0x1: {  	(tag) =	ssettag $0x0;
	lr =	simm.s32 $0x1  }
0x2: {  	[smem:$0x3F8D] =	sst lr;
	_ =	strace $0xD0000000  }
0x3: {  	_ = 	snop  }
0x4: {  	_ = 	snop  }
0x5: {  	_ = 	snop  }
0x6: {  	_ = 	snop  }
0x7: {  	_ = 	snop  }
__scs_overlays_trampoline_lowered:
0x8: {  	[smem:$0x3F9C] =	sst s0  }
0x9: {  	[smem:$0x3F9D] =	sst s1  }
0xa: {  	[smem:$0x3F9E] =	sst s2  }
0xb: {  	[smem:$0x3F9F] =	sst s3  }
0xc: {  	[smem:$0x3FA0] =	sst s4  }
0xd: {  	[smem:$0x3FA1] =	sst s5  }
0xe: {  	[smem:$0x3FA2] =	sst s6  }
0xf: {  	[smem:$0x3FA3] =	sst s7  }
0x10: {  	[smem:$0x3FA4] =	sst s8  }
0x11: {  	[smem:$0x3FA5] =	sst s9;
	s0 =	simm.s32 @!p0 $0x0  }
0x12: {  	s1 =	sld [smem:$0x3F8B];
	s0 =	simm.s32 @p0 $0x1  }
0x13: {  	[smem:$0x3FA6] =	sst s0;
	s0 =	simm.s32 @!p1 $0x0  }
0x14: {  	s2 =	sld [smem:$0x3F8A];
	s0 =	simm.s32 @p1 $0x1  }
0x15: {  	[smem:$0x3FA7] =	sst s0;
	s0 =	simm.s32 @!p2 $0x0  }
0x16: {  	s3 =	sld [smem:$0x3FDB];
	s0 =	simm.s32 @p2 $0x1  }
0x17: {  	s4 =	simm.s32 $0x1BF5;
	[smem:$0x3FA9] =	sst s0  }
0x18: {  	s0 =	sld [smem:$0x3F8C];
	_ =	swait.ge [sflag:s4], $0x0  }
0x19: {  	s7 =	sld [smem:$0x3F8D]  }
0x1a: {  	s8 =	sadd.s32 $0xFFFFE003, lr  }
0x1b: {  	s9 =	sadd.s32 $0xFFFFFEF7, lr;
	s5 =	simm.s32 $0xFFFFFFFF;
	p2 =	slt.u32 s8, $0xFFFFF086  }
0x1c: {  	p1 =	slt.u32 s9, $0xF7A;
	s5 =	simm.s32 @!p2 $0x0  }
0x1d: {  	s5 =	simm.s32 @p1 $0x1;
	p0 =	seq.s32 s7, s2  }
0x1e: {  	s7 =	smul.u32 @!p0 $0xF7A, s2;
	p2 =	seq.s32 @!p0 s5, $0x0  }
0x1f: {  	s9 =	smul.u32 $0xF7A, s1;
	s8 =	simm.s32 @!p0 $0x1BF5;
	p2 =	por !p2, p0  }
0x20: {  	[sflag:s8] =	ssyncset.s32 @!p0 $0xFFFFF086;
	s6 =	sadd.s32 @!p0 s3, s7;
	s7 =	simm.s32 @!p0 $0x108  }
0x21: {  	s3 =	sadd.s32 s3, s9;
	s6 =	sadd.s32 @!p0 $0x88, s6;
	s7 =	simm.s32 @p2 $0x1082  }
0x22: {  	[simem:s7], [sflag:s8] =	dma.local @!p0 [hbm:s6], $0xF7A  }
0x23: {  	s9 =	sor.u32 $0xD0000000, s2;
	s6 =	simm.s32 $0x108;
	_ =	swait.ge @!p0 [sflag:s8], $0x0  }
0x24: {  	s3 =	sadd.s32 $0x88, s3;
	s6 =	simm.s32 @!p1 $0x1082;
	[sflag:s4] =	ssyncset.s32 $0xFFFFF086  }
0x25: {  	[simem:s6], [sflag:s4] =	dma.local [hbm:s3], $0xF7A  }
0x26: {  	[smem:$0x3F8D] =	sst s1;
	(tag) =	ssettag s2;
	_ =	strace s9  }
0x27: {  	s1 =	sld [smem:$0x3F9D]  }
0x28: {  	s2 =	sld [smem:$0x3F9E]  }
0x29: {  	s4 =	sld [smem:$0x3FA0]  }
0x2a: {  	p0 =	seq.s32 s5, $0x0;
	s5 =	sld [smem:$0x3FA1]  }
0x2b: {  	s6 =	sld [smem:$0x3FA2]  }
0x2c: {  	s7 =	sld [smem:$0x3FA3]  }
0x2d: {  	s3 =	simm.s32 $0x108;
	s8 =	sld [smem:$0x3FA4]  }
0x2e: {  	s3 =	simm.s32 @!p0 $0x1082;
	s9 =	sld [smem:$0x3FA5]  }
0x2f: {  	lr =	sadd.s32 s0, s3;
	s0 =	sld [smem:$0x3F9C]  }
0x30: {  	s3 =	sld [smem:$0x3F9F]  }
0x31: {  	[smem:$0x3FA8] =	sst s10  }
0x32: {  	s10 =	sld [smem:$0x3FA6];
	_ =	sdelay $0x3  }
0x33: {  	p0 =	seq.s32 s10, $0x1;
	s10 =	sld [smem:$0x3FA8];
	_ =	sdelay $0x3  }
0x34: {  	[smem:$0x3FA8] =	sst s10  }
0x35: {  	s10 =	sld [smem:$0x3FA7];
	_ =	sdelay $0x3  }
0x36: {  	p1 =	seq.s32 s10, $0x1;
	s10 =	sld [smem:$0x3FA8];
	_ =	sdelay $0x3  }
0x37: {  	[smem:$0x3FA8] =	sst s10  }
0x38: {  	s10 =	sld [smem:$0x3FA9]  }
0x39: {  	_ = 	snop;
	(pc) =	sbr.ind lr, $3  }
0x3a: {  	_ = 	snop  }
0x3b: {  	_ = 	snop  }
0x3c: {  	p2 =	seq.s32 s10, $0x1;
	s10 =	sld [smem:$0x3FA8]  }
0x3d: {  	_ =	shalt  }
0x3e: {  	_ =	shalt  }
0x3f: {  	_ =	shalt  }
0x40: {  	_ =	shalt  }
0x41: {  	_ =	shalt  }
0x42: {  	_ =	shalt  }
0x43: {  	_ =	shalt  }
0x44: {  	_ =	shalt  }
0x45: {  	_ =	shalt  }
0x46: {  	_ =	shalt  }
0x47: {  	_ =	shalt  }
0x48: {  	_ =	shalt  }
0x49: {  	_ =	shalt  }
0x4a: {  	_ =	shalt  }
0x4b: {  	_ =	shalt  }
0x4c: {  	_ =	shalt  }
0x4d: {  	_ =	shalt  }
0x4e: {  	_ =	shalt  }
0x4f: {  	_ =	shalt  }
0x50: {  	_ =	shalt  }
0x51: {  	_ =	shalt  }
0x52: {  	_ =	shalt  }
0x53: {  	_ =	shalt  }
0x54: {  	_ =	shalt  }
0x55: {  	_ =	shalt  }
0x56: {  	_ =	shalt  }
0x57: {  	_ =	shalt  }
0x58: {  	_ =	shalt  }
0x59: {  	_ =	shalt  }
0x5a: {  	_ =	shalt  }
0x5b: {  	_ =	shalt  }
0x5c: {  	_ =	shalt  }
0x5d: {  	_ =	shalt  }
0x5e: {  	_ =	shalt  }
0x5f: {  	_ =	shalt  }
0x60: {  	_ =	shalt  }
0x61: {  	_ =	shalt  }
0x62: {  	_ =	shalt  }
0x63: {  	_ =	shalt  }
0x64: {  	_ =	shalt  }
0x65: {  	_ =	shalt  }
0x66: {  	_ =	shalt  }
0x67: {  	_ =	shalt  }
0x68: {  	_ =	shalt  }
0x69: {  	_ =	shalt  }
0x6a: {  	_ =	shalt  }
0x6b: {  	_ =	shalt  }
0x6c: {  	_ =	shalt  }
0x6d: {  	_ =	shalt  }
0x6e: {  	_ =	shalt  }
0x6f: {  	_ =	shalt  }
0x70: {  	_ =	shalt  }
0x71: {  	_ =	shalt  }
0x72: {  	_ =	shalt  }
0x73: {  	_ =	shalt  }
0x74: {  	_ =	shalt  }
0x75: {  	_ =	shalt  }
0x76: {  	_ =	shalt  }
0x77: {  	_ =	shalt  }
0x78: {  	_ =	shalt  }
0x79: {  	_ =	shalt  }
0x7a: {  	_ =	shalt  }
0x7b: {  	_ =	shalt  }
0x7c: {  	_ =	shalt  }
0x7d: {  	_ =	shalt  }
0x7e: {  	_ =	shalt  }
0x7f: {  	_ =	shalt  }
0x80: {  	_ =	shalt  }
0x81: {  	_ =	shalt  }
0x82: {  	_ =	shalt  }
0x83: {  	_ =	shalt  }
0x84: {  	_ =	shalt  }
0x85: {  	_ =	shalt  }
0x86: {  	_ =	shalt  }
0x87: {  	_ =	shalt  }
.Lfunc_end0:
.L_simem_size_0:
called_computation.3_lowered:
.L_overlay_start_0:
0x88: {  	s2 =	sld [smem:$0x3FD9]  }
0x89: {  	s3 =	sld [smem:$0x3FFE];
	_ =	sdelay $0x1  }
0x8a: {  	s1 =	srdreg.scid  }
0x8b: {  	s0 =	sand.u32 $0x1, s1  }
0x8c: {  	s16 =	sshll.u32 s0, $0xA;
	s2 =	sadd.s32 s3, s2  }
0x8d: {  	s2 =	sadd.s32 s2, s16  }
0x8e: {  	[smem:$0x3FB4] =	sst s2  }
0x8f: {  	_ = 	snop  }
0x90: {  	(tm) =	ssettm $0x1  }
0x91: {  	s17 =	sld [smem:$0x3FFB];
	_ =	sdelay $0x3  }
0x92: {  	_ =	strace s17  }
0x93: {  	s2 =	sld [smem:$0x3FFC];
	_ =	sdelay $0x3  }
0x94: {  	_ =	strace s2  }
0x95: {  	s2 =	sld [smem:$0x3FFD];
	_ =	sdelay $0x3  }
0x96: {  	_ =	strace s2  }
0x97: {  	_ =	strace $0x8FFFFFFF  }
0x98: {  	s18 =	sld [smem:$0x3FDB];
	_ =	sdelay $0x1  }
0x99: {  	s19 =	simm.s32 $_scs_section_size  }
0x9a: {  	s4 =	simm.s32 $_size__tile_overlayer_lowered;
	s5 =	simm.s32 $_tile_overlayer_lowered  }
0x9b: {  	s22 =	simm.s32 $0x1BFF;
	s21 =	sshll.u32 s5, $0x1;
	s2 =	sadd.s32 s19, s18  }
0x9c: {  	s6 =	simm.s32 $0x0;
	s20 =	sshll.u32 s4, $0x1;
	s4 =	sadd.s32 s21, s2  }
0x9d: {  	[timem:s6], [sflag:s22] =	dma.local [hbm:s4], s20  }
0x9e: {  	_ =	swait.ge [sflag:s22], s20  }
0x9f: {  	s3 =	ssub.s32 $0x0, s20;
	[sflag:s22] =	ssyncset.done $0x0  }
0xa0: {  	[sflag:s22] =	ssyncadd.s32 s3;
	_ =	sdelay $0x1  }
0xa1: {  	s23 =	simm.s32 $0x1B8B  }
0xa2: {  	_ =	swait.ge [sflag:s23], $0x1  }
0xa3: {  	[sflag:s23] =	ssyncset.done $0x0  }
0xa4: {  	s25 =	simm.s32 $0x1B8E;
	s24 =	sld [smem:$0x3FFE];
	[sflag:s23] =	ssyncadd.s32 $0xFFFFFFFF  }
0xa5: {  	s26 =	simm.s32 $execute0_lowered;
	[smem:$0x3FD2] =	sst s25  }
0xa6: {  	s4 =	sshll.u32 s26, $0x1;
	_ =	strace $0x8000004F;
	[dreg:$0x1] =	wrdreg $0xFFFFFFFF  }
0xa7: {  	s28 =	simm.s32 $_size_execute0_lowered;
	s2 =	sadd.s32 s2, s4;
	[dreg:$0x0] =	wrdreg $0x0  }
0xa8: {  	s4 =	sshll.u32 s28, $0x1;
	[dreg:$0x2] =	wrdreg s2  }
0xa9: {  	[dreg:$0x3] =	wrdreg s4  }
0xaa: {  	[dreg:$0x4] =	wrdreg $0xC0  }
0xab: {  	_ =	task [dreg:s6], $0x5FFFF  }
0xac: {  	[dreg:$0x1] =	wrdreg $0xFFFFFFFF  }
0xad: {  	[dreg:$0x0] =	wrdreg $0x60  }
0xae: {  	[dreg:$0x2] =	wrdreg s24  }
0xaf: {  	[dreg:$0x3] =	wrdreg $0xA8000  }
0xb0: {  	[dreg:$0x4] =	wrdreg $0x9  }
0xb1: {  	_ =	task.clear_ibuf [dreg:s6], $0x5FFFF;
	_ =	strace $0x9000004F  }
0xb2: {  	s29 =	simm.s32 $0x9;
	_ =	strace $0x80000051  }
0xb3: {  	_ =	swait.ge [sflag:s29], $0x1  }
0xb4: {  	[sflag:s29] =	ssyncadd.s32 $0xFFFFFFFF  }
0xb5: {  	_ =	strace $0x90000051  }
0xb6: {  	_ =	sfence  }
0xb7: {  	s30 =	sld [smem:$0x0];
	_ =	sdelay $0x2  }
0xb8: {  	s31 =	sshll.u32 s1, $0xD;
	s1 =	sshrl.u32 s1, $0x2  }
0xb9: {  	s3 =	sand.u32 $0x4000, s31;
	s1 =	sadd.s32 s1, s30  }
0xba: {  	s0 =	sor.u32 s3, s0;
	s1 =	sshll.u32 s1, $0x11  }
0xbb: {  	s0 =	sor.u32 s1, s0  }
0xbc: {  	s0 =	sadd.s32 $0x8F2B, s0  }
0xbd: {  	[sflag:s0] =	ssyncadd.remote.s32 $0x1  }
0xbe: {  	_ =	sfence.sel $0xFFFF  }
0xbf: {  	[dreg:$0x0] =	wrdreg $0xFFFFFFFF;
	(pc) =	sbr.abs _section_cstart, $3  }
0xc0: {  	[dreg:$0x1] =	wrdreg $0xFFFFFFFF  }
0xc1: {  	_ =	task.clear_ibuf [dreg:s6], $0x2FFFF;
	_ =	strace $0x9FFFFFFF  }
0xc2: {  	(tm) =	ssettm $0x7FFFFFFF  }
0xc3: {  	_ =	shalt  }
tec
execute0_lowered:
.L_overlay_start_1:
0x0: {  	(tag) =	ssettag $0x1  }
0x1: {  	s7 =	rddreg [dreg:$0x0]  }
0x2: {  	s2 =	rddreg [dreg:$0x1]  }
0x3: {  	s0 =	rddreg [dreg:$0x2];
	s1 =	stileid.u32  }
0x4: {  	s4 =	srdreg.scid;
	s3 =	simm.s32 $0x0;
	s16 =	simm.s32 $0x1400  }
0x5: {  	s17 =	simm.s32 $0x80;
	s18 =	simm.s32 $0x2800;
	s19 =	simm.s32 $0x1  }
0x6: {  	s20 =	simm.s32 $0x6800;
	s21 =	simm.s32 $0x2;
	s22 =	simm.s32 $0x1380  }
0x7: {  	s23 =	simm.s32 $0x2700;
	s24 =	simm.s32 $0x2780;
	s8 =	smul.u32 $0x14000, s1  }
0x8: {  	s9 =	sand.u32 $0x1, s4;
	[smem:$0x7FF] =	sst s3;
	s11 =	smul.u32 $0x50000, s1  }
0x9: {  	s4 =	sadd.s32 $0x19000, s7;
	s5 =	sadd.s32 $0xF000, s7;
	s13 =	smul.u32 $0x1400, s1  }
0xa: {  	s6 =	sadd.s32 $0x5000, s7;
	s29 =	sshll.u32 s1, $0x6;
	s10 =	smul.u32 $0x140000, s9  }
0xb: {  	_ =	strace $0x80000050;
	s26 =	ssub.s32 $0x2, s9;
	p0 =	seq.s32 s9, $0x1  }
0xc: {  	s9 =	smul.u32 $0x78, s1;
	s28 =	sshrl.u32 s26, $0x1;
	s11 =	sshrl.u32 s11, $0x2  }
0xd: {  	s30 =	sshrl.u32 s13, $0x3;
	s10 =	sadd.s32 s8, s10;
	s8 =	sshrl.u32 s8, $0x3  }
.Ltmp0:
0xe: {  	s14 =	ssub.s32 s26, s28;
	s15 =	sadd.s32 s11, s2;
	(pc) =	sbr.rel .LBB2_1-.Ltmp0, $4  }
0xf: {  	s31 =	sadd.s32 $0x7800, s30;
	s10 =	sshrl.u32 s10, $0x3;
	s8 =	sadd.s32 s8, s7  }
0x10: {  	s11 =	sadd.s32 s6, s31;
	s13 =	smax.u32 s14, $0x1;
	s14 =	sshrl.u32 s15, $0x3  }
0x11: {  	s15 =	simm.s32 $0x3;
	s12 =	sadd.s32 s10, s7;
	s7 =	sadd.s32 $0x41000, s8  }
0x12: {  	s8 =	sor.u32 $0x1C03, s29;
	s10 =	sadd.s32 s5, s31;
	s12 =	sadd.s32 $0x69000, s12  }
.LBB2_8:
0x13: {  	s3 =	sadd.s32 $0x1, s3  }
0x14: {  	p1 =	sne.s32 s3, s13  }
.Ltmp1:
0x15: {  	[bflag:$0x0] =	sbarrier.arrive $0xFFFF;
	(pc) =	sbr.rel @!p1 .LBB2_9-.Ltmp1, $4  }
0x16: {  	[hbm:s12], [sflag:s8] =	dma.local [spmem:s14], $0x2800  }
0x17: {  	_ =	swait.ge [sflag:s15], $0x2800  }
0x18: {  	[sflag:s15] =	ssyncset.done $0x0  }
0x19: {  	[sflag:s15] =	ssyncadd.s32 $0xFFFFD800  }
.LBB2_1:
0x1a: {  	[spmem:s14], [sflag:s8] =	dma.local [hbm:s7], $0x2800  }
.Ltmp2:
0x1b: {  	_ =	swait.ge [sflag:s15], $0x2800;
	(pc) =	sbr.rel @!p0 .LBB2_2-.Ltmp2, $4  }
0x1c: {  	[sflag:s15] =	ssyncset.done $0x0  }
0x1d: {  	[sflag:s15] =	ssyncadd.s32 $0xFFFFD800  }
0x1e: {  	[bflag:$0x0] =	sbarrier.arrive $0xFFFF  }
0x1f: {  	s25 =	simm.s32 $0x0  }
0x20: {  	s25 =	simm.s32 $0x0  }
0x21: {  	[tilespmem:s25], [sflag:$0x3] =	stream.linear.gather [hbm4b:s10+s25], $0x1400, $0x38;
	[tilespmem:$0x1E800] =	vst v63  }
0x22: {  	_ =	swait.ge [sflag:s15], $0x1400  }
0x23: {  	[sflag:s15] =	ssyncset.done $0x0  }
0x24: {  	[sflag:s15] =	ssyncadd.s32 $0xFFFFEC00  }
0x25: {  	[tilespmem:s16], [sflag:$0x3] =	stream.linear.gather [hbm4b:s11+s25], $0x1400, $0x38;
	[tilespmem:$0x1E800] =	vst v63  }
0x26: {  	_ =	swait.ge [sflag:s15], $0x1400  }
0x27: {  	[sflag:s15] =	ssyncset.done $0x0  }
0x28: {  	s30 =	simm.s32 $0x0;
	[sflag:s15] =	ssyncadd.s32 $0xFFFFEC00  }
0x29: {  	[tilespmem:s18], [sflag:$0x1] =	stream.indirect.gather [hbm4b:s4+s17], $0x80, s30, s17, $0xb8;
	[tilespmem:$0x1E800] =	vst v63  }
0x2a: {  	_ =	swait.ge [sflag:s19], $0x4000  }
0x2b: {  	[sflag:s19] =	ssyncset.done $0x0  }
0x2c: {  	s31 =	simm.s32 $0x1400;
	[sflag:s19] =	ssyncadd.s32 $0xFFFFC000  }
0x2d: {  	[spmem:s2] =	stream.indirect.scatter.add.f32 [tilespmem:s18], [sflag:$0x3], $0x80, s31, s17, $0xb8;
	[tilespmem:$0x1E800] =	vst v63  }
0x2e: {  	_ =	swait.ge [sflag:s15], $0x4000  }
0x2f: {  	s26 =	simm.s32 $0x400;
	s25 =	simm.s32 $0x200;
	[sflag:s15] =	ssyncset.done $0x0  }
.LBB2_6:
0x30: {  	s28 =	sshra.s32 s25, $0x2  }
0x31: {  	[sflag:s15] =	ssyncadd.s32 $0xFFFFC000;
	s25 =	smov.u32 s26;
	s29 =	sadd.s32 $0x200, s26  }
0x32: {  	[tilespmem:s18], [sflag:$0x1] =	stream.indirect.gather [hbm4b:s4+s17], $0x80, s28, s17, $0xb8;
	[tilespmem:$0x1E800] =	vst v63  }
0x33: {  	p1 =	sne.s32 s26, $0x4E00;
	_ =	swait.ge [sflag:s19], $0x4000  }
.Ltmp3:
0x34: {  	[sflag:s19] =	ssyncset.done $0x0;
	(pc) =	sbr.rel @p1 .LBB2_6-.Ltmp3, $4  }
0x35: {  	s26 =	sadd.s32 $0x1400, s28;
	[sflag:s19] =	ssyncadd.s32 $0xFFFFC000  }
0x36: {  	[spmem:s2] =	stream.indirect.scatter.add.f32 [tilespmem:s18], [sflag:$0x3], $0x80, s26, s17, $0xb8;
	[tilespmem:$0x1E800] =	vst v63  }
0x37: {  	_ =	swait.ge [sflag:s15], $0x4000  }
0x38: {  	s26 =	smov.u32 s29;
	[sflag:s15] =	ssyncset.done $0x0  }
0x39: {  	s25 =	sshra.s32 s25, $0x2;
	[sflag:s15] =	ssyncadd.s32 $0xFFFFC000  }
0x3a: {  	[tilespmem:s18], [sflag:$0x1] =	stream.indirect.gather [hbm4b:s4+s17], $0x80, s25, s17, $0xb8;
	[tilespmem:$0x1E800] =	vst v63  }
0x3b: {  	_ =	swait.ge [sflag:s19], $0x4000  }
0x3c: {  	[sflag:s19] =	ssyncset.done $0x0  }
.Ltmp4:
0x3d: {  	s25 =	sadd.s32 $0x1400, s25;
	[sflag:s19] =	ssyncadd.s32 $0xFFFFC000;
	(pc) =	sbr.rel .LBB2_8-.Ltmp4, $4  }
0x3e: {  	[spmem:s2] =	stream.indirect.scatter.add.f32 [tilespmem:s18], [sflag:$0x3], $0x80, s25, s17, $0xb8;
	[tilespmem:$0x1E800] =	vst v63  }
0x3f: {  	_ =	swait.ge [sflag:s15], $0x4000  }
0x40: {  	[sflag:s15] =	ssyncset.done $0x0  }
0x41: {  	[sflag:s15] =	ssyncadd.s32 $0xFFFFC000  }
.LBB2_2:
0x42: {  	s26 =	smul.u32 $0x28, s25;
	_ =	sdelay $0x1  }
0x43: {  	s26 =	sadd.s32 s9, s26  }
0x44: {  	s26 =	sshll.u32 s26, $0x4  }
0x45: {  	s29 =	simm.s32 $0x0;
	s28 =	sadd.s32 s5, s26  }
0x46: {  	[tilespmem:s29], [sflag:$0x3] =	stream.linear.gather [hbm4b:s28+s29], $0x1400, $0x38;
	[tilespmem:$0x1E800] =	vst v63  }
0x47: {  	_ =	swait.ge [sflag:s15], $0x1400  }
0x48: {  	[sflag:s15] =	ssyncset.done $0x0  }
0x49: {  	s26 =	sadd.s32 s6, s26;
	[sflag:s15] =	ssyncadd.s32 $0xFFFFEC00  }
0x4a: {  	[tilespmem:s16], [sflag:$0x3] =	stream.linear.gather [hbm4b:s26+s29], $0x1400, $0x38;
	[tilespmem:$0x1E800] =	vst v63  }
0x4b: {  	_ =	swait.ge [sflag:s15], $0x1400  }
0x4c: {  	[sflag:s15] =	ssyncset.done $0x0  }
0x4d: {  	[sflag:s15] =	ssyncadd.s32 $0xFFFFEC00  }
0x4e: {  	[tilespmem:s18], [sflag:$0x1] =	stream.indirect.gather [hbm4b:s4+s17], $0x80, s29, s17, $0xb8;
	[tilespmem:$0x1E800] =	vst v63  }
0x4f: {  	s31 =	simm.s32 $0x80  }
0x50: {  	[tilespmem:s20], [sflag:$0x2] =	stream.indirect.gather [hbm4b:s4+s17], $0x80, s31, s17, $0xb8;
	[tilespmem:$0x1E800] =	vst v63  }
0x51: {  	_ =	swait.ge [sflag:s19], $0x4000  }
0x52: {  	[sflag:s19] =	ssyncset.done $0x0  }
0x53: {  	s29 =	simm.s32 $0x1400;
	[sflag:s19] =	ssyncadd.s32 $0xFFFFC000  }
0x54: {  	[spmem:s2] =	stream.indirect.scatter.add.f32 [tilespmem:s18], [sflag:$0x3], $0x80, s29, s17, $0xb8;
	[tilespmem:$0x1E800] =	vst v63  }
0x55: {  	_ =	swait.ge [sflag:s15], $0x4000  }
0x56: {  	[sflag:s15] =	ssyncset.done $0x0  }
0x57: {  	s30 =	simm.s32 $0x100;
	[sflag:s15] =	ssyncadd.s32 $0xFFFFC000  }
0x58: {  	[tilespmem:s18], [sflag:$0x1] =	stream.indirect.gather [hbm4b:s4+s17], $0x80, s30, s17, $0xb8;
	[tilespmem:$0x1E800] =	vst v63  }
0x59: {  	_ =	swait.ge [sflag:s21], $0x4000  }
0x5a: {  	[sflag:s21] =	ssyncset.done $0x0  }
0x5b: {  	s31 =	simm.s32 $0x1480;
	[sflag:s21] =	ssyncadd.s32 $0xFFFFC000  }
0x5c: {  	[spmem:s2] =	stream.indirect.scatter.add.f32 [tilespmem:s20], [sflag:$0x3], $0x80, s31, s17, $0xb8;
	[tilespmem:$0x1E800] =	vst v63  }
0x5d: {  	_ =	swait.ge [sflag:s15], $0x4000  }
0x5e: {  	s28 =	simm.s32 $0x800;
	s26 =	simm.s32 $0x100;
	[sflag:s15] =	ssyncset.done $0x0  }
.LBB2_3:
0x5f: {  	s29 =	sadd.s32 $0x80, s26  }
0x60: {  	[sflag:s15] =	ssyncadd.s32 $0xFFFFC000;
	s30 =	smov.u32 s28;
	s31 =	sadd.s32 $0x400, s28  }
0x61: {  	[tilespmem:s20], [sflag:$0x2] =	stream.indirect.gather [hbm4b:s4+s17], $0x80, s29, s17, $0xb8;
	[tilespmem:$0x1E800] =	vst v63  }
0x62: {  	p1 =	sne.s32 s28, $0x4800;
	_ =	swait.ge [sflag:s19], $0x4000  }
0x63: {  	[sflag:s19] =	ssyncset.done $0x0  }
0x64: {  	s28 =	sadd.s32 $0x1400, s26;
	[sflag:s19] =	ssyncadd.s32 $0xFFFFC000  }
0x65: {  	[spmem:s2] =	stream.indirect.scatter.add.f32 [tilespmem:s18], [sflag:$0x3], $0x80, s28, s17, $0xb8;
	[tilespmem:$0x1E800] =	vst v63  }
0x66: {  	_ =	swait.ge [sflag:s15], $0x4000  }
0x67: {  	[sflag:s15] =	ssyncset.done $0x0  }
0x68: {  	s28 =	sadd.s32 $0x100, s26;
	[sflag:s15] =	ssyncadd.s32 $0xFFFFC000  }
0x69: {  	[tilespmem:s18], [sflag:$0x1] =	stream.indirect.gather [hbm4b:s4+s17], $0x80, s28, s17, $0xb8;
	[tilespmem:$0x1E800] =	vst v63  }
0x6a: {  	_ =	swait.ge [sflag:s21], $0x4000  }
.Ltmp5:
0x6b: {  	[sflag:s21] =	ssyncset.done $0x0;
	(pc) =	sbr.rel @p1 .LBB2_3-.Ltmp5, $4  }
0x6c: {  	s26 =	sadd.s32 $0x1480, s26;
	[sflag:s21] =	ssyncadd.s32 $0xFFFFC000  }
0x6d: {  	[spmem:s2] =	stream.indirect.scatter.add.f32 [tilespmem:s20], [sflag:$0x3], $0x80, s26, s17, $0xb8;
	[tilespmem:$0x1E800] =	vst v63  }
0x6e: {  	_ =	swait.ge [sflag:s15], $0x4000  }
0x6f: {  	s28 =	smov.u32 s31;
	s26 =	sshra.s32 s30, $0x2;
	[sflag:s15] =	ssyncset.done $0x0  }
0x70: {  	s28 =	sadd.s32 $0x80, s26;
	[sflag:s15] =	ssyncadd.s32 $0xFFFFC000  }
0x71: {  	[tilespmem:s20], [sflag:$0x2] =	stream.indirect.gather [hbm4b:s4+s17], $0x80, s28, s17, $0xb8;
	[tilespmem:$0x1E800] =	vst v63  }
0x72: {  	_ =	swait.ge [sflag:s19], $0x4000  }
0x73: {  	[sflag:s19] =	ssyncset.done $0x0  }
0x74: {  	s29 =	sadd.s32 $0x1400, s26;
	[sflag:s19] =	ssyncadd.s32 $0xFFFFC000  }
0x75: {  	[spmem:s2] =	stream.indirect.scatter.add.f32 [tilespmem:s18], [sflag:$0x3], $0x80, s29, s17, $0xb8;
	[tilespmem:$0x1E800] =	vst v63  }
0x76: {  	_ =	swait.ge [sflag:s15], $0x4000  }
0x77: {  	[sflag:s15] =	ssyncset.done $0x0  }
0x78: {  	s30 =	sadd.s32 $0x100, s26;
	[sflag:s15] =	ssyncadd.s32 $0xFFFFC000  }
0x79: {  	[tilespmem:s18], [sflag:$0x1] =	stream.indirect.gather [hbm4b:s4+s17], $0x80, s30, s17, $0xb8;
	[tilespmem:$0x1E800] =	vst v63  }
0x7a: {  	_ =	swait.ge [sflag:s21], $0x4000  }
0x7b: {  	[sflag:s21] =	ssyncset.done $0x0  }
0x7c: {  	s31 =	sadd.s32 $0x1480, s26;
	[sflag:s21] =	ssyncadd.s32 $0xFFFFC000  }
0x7d: {  	[spmem:s2] =	stream.indirect.scatter.add.f32 [tilespmem:s20], [sflag:$0x3], $0x80, s31, s17, $0xb8;
	[tilespmem:$0x1E800] =	vst v63  }
0x7e: {  	_ =	swait.ge [sflag:s15], $0x4000  }
0x7f: {  	[sflag:s15] =	ssyncset.done $0x0  }
0x80: {  	[sflag:s15] =	ssyncadd.s32 $0xFFFFC000  }
0x81: {  	[tilespmem:s20], [sflag:$0x2] =	stream.indirect.gather [hbm4b:s4+s17], $0x80, s22, s17, $0xb8;
	[tilespmem:$0x1E800] =	vst v63  }
0x82: {  	_ =	swait.ge [sflag:s19], $0x4000  }
0x83: {  	[sflag:s19] =	ssyncset.done $0x0  }
0x84: {  	[sflag:s19] =	ssyncadd.s32 $0xFFFFC000  }
0x85: {  	[spmem:s2] =	stream.indirect.scatter.add.f32 [tilespmem:s18], [sflag:$0x3], $0x80, s23, s17, $0xb8;
	[tilespmem:$0x1E800] =	vst v63  }
0x86: {  	_ =	swait.ge [sflag:s15], $0x4000  }
0x87: {  	[sflag:s15] =	ssyncset.done $0x0  }
0x88: {  	[sflag:s15] =	ssyncadd.s32 $0xFFFFC000  }
0x89: {  	_ =	swait.ge [sflag:s21], $0x4000  }
0x8a: {  	s25 =	sadd.s32 $0x1, s25;
	[sflag:s21] =	ssyncset.done $0x0  }
0x8b: {  	p1 =	seq.s32 s25, $0x3;
	[sflag:s21] =	ssyncadd.s32 $0xFFFFC000  }
0x8c: {  	[spmem:s2] =	stream.indirect.scatter.add.f32 [tilespmem:s20], [sflag:$0x3], $0x80, s24, s17, $0xb8;
	[tilespmem:$0x1E800] =	vst v63  }
.Ltmp6:
0x8d: {  	_ = 	snop;
	(pc) =	sbr.rel @!p1 .LBB2_2-.Ltmp6, $4  }
.Ltmp7:
0x8e: {  	_ = 	snop;
	(pc) =	sbr.rel @p1 .LBB2_8-.Ltmp7, $4  }
0x8f: {  	_ =	swait.ge [sflag:s15], $0x4000  }
0x90: {  	[sflag:s15] =	ssyncset.done $0x0  }
0x91: {  	[sflag:s15] =	ssyncadd.s32 $0xFFFFC000  }
0x92: {  	_ = 	snop  }
.LBB2_9:
0x93: {  	_ =	sfence.sel $0x180000  }
0x94: {  	[bflag:$0x0] =	sbarrier.arrive $0xFFFF  }
0x95: {  	p0 =	sne.s32 s1, $0x0;
	_ =	strace $0x90000050  }
0x96: {  	s0 =	sadd.s32 @!p0 $0x100000, s0;
	[bflag:$0x2] =	sbarrier.arrive $0xFFFF  }
0x97: {  	[sflag:s0] =	ssyncadd.tile.s32 @!p0 $0x1;
	_ =	shalt  }
.Lfunc_end2:
_tile_overlayer_lowered:
.L_overlay_start_2:
0x98: {  	(tag) =	ssettag $0x2  }
0x99: {  	s0 =	rddreg [dreg:$0x0];
	s2 =	stileid.u32  }
0x9a: {  	s1 =	rddreg [dreg:$0x1];
	p0 =	sne.s32 s2, $0x0  }
0x9b: {  	s3 =	rddreg [dreg:$0x2];
	[bflag:$0x3] =	sbarrier.arrive $0xFFFF;
	s2 =	simm.s32 @!p0 $0x1C03  }
0x9c: {  	[timem:s3], [sflag:s2] =	dma.local @!p0 [hbm:s0], s1  }
0x9d: {  	s0 =	simm.s32 @!p0 $0x3  }
0x9e: {  	_ =	swait.ge @!p0 [sflag:s0], s1  }
0x9f: {  	s1 =	ssub.s32 @!p0 $0x0, s1;
	[sflag:s0] =	ssyncset.done @!p0 $0x0  }
0xa0: {  	[sflag:s0] =	ssyncadd.s32 @!p0 s1  }
0xa1: {  	[bflag:$0x3] =	sbarrier.arrive $0xFFFF  }
0xa2: {  	_ =	shalt  }

</sc_bundles>
